<compile_context>
chip_gen: v7x
topology: tpu7x:2x2x1
jax: 0.10.2.dev20260603
libtpu: 0.0.44.dev20260713+nightly
codegen_flags: <defaults>
</compile_context>

<pallas_src>
import jax
import jax.numpy as jnp
from jax import lax
from jax.experimental import pallas as pl
from jax.experimental.pallas import tpu as pltpu
from jax.experimental.pallas import tpu_sc as plsc

USER_NUM = 10000
NEWS_NUM = 10000
CAT_NUM = 32
EMB = 128
E = 320000

NC = 2
NS = 16
NW = NC * NS
C = 80
EPW = E // NW
NK = EPW // C
CW = 16
RSUB = 624


def _sc_body(src_h, dst_h, cat_h, news_h, catemb_h, out_sum, out_cnt, *s):
    (cat_sp, acc, cnt, news_sp,
     srcv0, srcv1, srcv2, dstv0, dstv1, dstv2, catv0, catv1, catv2,
     rows0, rows1, rows2, crows0, crows1, crows2, ones,
     sc0, sc1, sc2, sd0, sd1, sd2, sg0, sg1, sg2, scr0, scr1, scr2,
     ssum0, ssum1, ssum2, scnt0, scnt1, scnt2) = s
    SRCV = (srcv0, srcv1, srcv2)
    DSTV = (dstv0, dstv1, dstv2)
    CATV = (catv0, catv1, catv2)
    ROWS = (rows0, rows1, rows2)
    CROWS = (crows0, crows1, crows2)
    SC = (sc0, sc1, sc2)
    SD = (sd0, sd1, sd2)
    SG = (sg0, sg1, sg2)
    SCR = (scr0, scr1, scr2)
    SSUM = (ssum0, ssum1, ssum2)
    SCNT = (scnt0, scnt1, scnt2)

    core = lax.axis_index("c")
    sid = lax.axis_index("s")
    wid = core * NS + sid
    base = wid * EPW

    @pl.when(sid == 0)
    def _():
        pltpu.sync_copy(catemb_h, cat_sp)

    zero16 = jnp.zeros((16,), jnp.float32)
    zero32 = jnp.zeros((32,), jnp.bfloat16)
    lane = jnp.arange(16, dtype=jnp.int32)
    onehot = jnp.where(lane == 0, jnp.float32(1.0), jnp.float32(0.0))

    def zbuf(e, carry):
        for j in range(EMB // 32):
            rows0[e, pl.ds(j * 32, 32)] = zero32
        ones[e, pl.ds(0, CW)] = zero16
        return carry

    lax.fori_loop(0, C, zbuf, 0)

    r0 = sid * RSUB

    @pl.when(sid < NS - 1)
    def _():
        pltpu.sync_copy(news_h.at[pl.ds(r0, RSUB)],
                        news_sp.at[pl.ds(r0, RSUB)])

    @pl.when(sid == NS - 1)
    def _():
        ntail = NEWS_NUM - (NS - 1) * RSUB
        pltpu.sync_copy(news_h.at[pl.ds(r0, ntail)],
                        news_sp.at[pl.ds(r0, ntail)])

    def zacc(kk, carry):
        pltpu.sync_copy(rows0, acc.at[pl.ds(r0 + kk * C, C)])
        pltpu.sync_copy(ones, cnt.at[pl.ds(r0 + kk * C, C)])
        return carry

    lax.fori_loop(0, RSUB // C, zacc, 0)

    @pl.when(sid < NS - 1)
    def _():
        rem = RSUB - (RSUB // C) * C
        pltpu.sync_copy(rows0.at[pl.ds(0, rem)],
                        acc.at[pl.ds(r0 + RSUB - rem, rem)])
        pltpu.sync_copy(ones.at[pl.ds(0, rem)],
                        cnt.at[pl.ds(r0 + RSUB - rem, rem)])

    @pl.when(sid == NS - 1)
    def _():
        pltpu.sync_copy(rows0, acc.at[pl.ds(r0 + (RSUB // C) * C, C)])
        pltpu.sync_copy(ones, cnt.at[pl.ds(r0 + (RSUB // C) * C, C)])

    def ones_rows(e, carry):
        ones[e, pl.ds(0, CW)] = onehot
        return carry

    lax.fori_loop(0, C, ones_rows, 0)

    plsc.subcore_barrier()

    def srccat_issue(k, b):
        off = base + k * C
        pltpu.async_copy(src_h.at[pl.ds(off, C)], SRCV[b], SC[b])
        pltpu.async_copy(cat_h.at[pl.ds(off, C)], CATV[b], SC[b])

    def srccat_wait(k, b):
        off = base + k * C
        pltpu.make_async_copy(src_h.at[pl.ds(off, C)], SRCV[b], SC[b]).wait()
        pltpu.make_async_copy(cat_h.at[pl.ds(off, C)], CATV[b], SC[b]).wait()

    def dst_issue(k, b):
        off = base + k * C
        pltpu.async_copy(dst_h.at[pl.ds(off, C)], DSTV[b], SD[b])

    def dst_wait(k, b):
        off = base + k * C
        pltpu.make_async_copy(dst_h.at[pl.ds(off, C)], DSTV[b], SD[b]).wait()

    def gather_issue(b):
        pltpu.async_copy(news_sp.at[SRCV[b]], ROWS[b], SG[b])
        pltpu.async_copy(cat_sp.at[CATV[b]], CROWS[b], SCR[b])

    def gather_wait(b):
        pltpu.make_async_copy(news_sp.at[SRCV[b]], ROWS[b], SG[b]).wait()
        pltpu.make_async_copy(cat_sp.at[CATV[b]], CROWS[b], SCR[b]).wait()

    def scatter_issue(b):
        pltpu.async_copy(ROWS[b], acc.at[DSTV[b]], SSUM[b], add=True)
        pltpu.async_copy(ones, cnt.at[DSTV[b]], SCNT[b], add=True)

    def scatter_wait(b):
        pltpu.make_async_copy(ROWS[b], acc.at[DSTV[b]], SSUM[b]).wait()
        pltpu.make_async_copy(ones, cnt.at[DSTV[b]], SCNT[b]).wait()

    def compute(b):
        rows, crows = ROWS[b], CROWS[b]

        @plsc.parallel_loop(0, C, unroll=2)
        def mul_row(r):
            for j in range(EMB // 32):
                sl = pl.ds(j * 32, 32)
                rows[r, sl] = rows[r, sl] * crows[r, sl]

    pltpu.sync_copy(src_h.at[pl.ds(base, C)], SRCV[0])
    pltpu.sync_copy(cat_h.at[pl.ds(base, C)], CATV[0])
    pltpu.sync_copy(dst_h.at[pl.ds(base, C)], DSTV[0])
    gather_issue(0)
    srccat_issue(1, 1)

    def triple_body(p, carry):
        for b in range(3):
            k = 3 * p + b

            @pl.when(k >= 2)
            def _():
                scatter_wait((b + 1) % 3)

            dst_issue(k + 1, (b + 1) % 3)
            srccat_wait(k + 1, (b + 1) % 3)
            gather_issue((b + 1) % 3)
            gather_wait(b)
            compute(b)

            @pl.when(k >= 1)
            def _():
                dst_wait(k, b)

            scatter_issue(b)
            srccat_issue(k + 2, (b + 2) % 3)
        return carry

    lax.fori_loop(0, (NK - 2) // 3, triple_body, 0)

    scatter_wait(1)
    dst_issue(NK - 1, 1)
    srccat_wait(NK - 1, 1)
    gather_issue(1)
    gather_wait(0)
    compute(0)
    dst_wait(NK - 2, 0)
    scatter_issue(0)

    scatter_wait(2)
    gather_wait(1)
    compute(1)
    dst_wait(NK - 1, 1)
    scatter_issue(1)

    scatter_wait(0)
    scatter_wait(1)

    plsc.subcore_barrier()

    @pl.when(sid < NS - 1)
    def _():
        pltpu.sync_copy(acc.at[pl.ds(r0, RSUB)],
                        out_sum.at[core, pl.ds(r0, RSUB)])
        pltpu.sync_copy(cnt.at[pl.ds(r0, RSUB)],
                        out_cnt.at[core, pl.ds(r0, RSUB)])

    @pl.when(sid == NS - 1)
    def _():
        tail = USER_NUM - (NS - 1) * RSUB
        pltpu.sync_copy(acc.at[pl.ds(r0, tail)],
                        out_sum.at[core, pl.ds(r0, tail)])
        pltpu.sync_copy(cnt.at[pl.ds(r0, tail)],
                        out_cnt.at[core, pl.ds(r0, tail)])


def _sc_messages(src, dst, cat_idx, news_emb, cat_emb):
    mesh = plsc.VectorSubcoreMesh(core_axis_name="c", subcore_axis_name="s",
                                  num_cores=NC, num_subcores=NS)
    idx_t = lambda: pltpu.VMEM((C,), jnp.int32)
    rows_t = lambda: pltpu.VMEM((C, EMB), jnp.bfloat16)
    return pl.kernel(
        _sc_body,
        out_type=(jax.ShapeDtypeStruct((NC, USER_NUM, EMB), jnp.bfloat16),
                  jax.ShapeDtypeStruct((NC, USER_NUM, CW), jnp.float32)),
        mesh=mesh,
        compiler_params=pltpu.CompilerParams(use_tc_tiling_on_sc=False),
        scratch_types=[
            pltpu.VMEM_SHARED((CAT_NUM, EMB), jnp.bfloat16),
            pltpu.VMEM_SHARED((USER_NUM, EMB), jnp.bfloat16),
            pltpu.VMEM_SHARED((USER_NUM, CW), jnp.float32),
            pltpu.VMEM_SHARED((NEWS_NUM, EMB), jnp.bfloat16),
            idx_t(), idx_t(), idx_t(),
            idx_t(), idx_t(), idx_t(),
            idx_t(), idx_t(), idx_t(),
            rows_t(), rows_t(), rows_t(),
            rows_t(), rows_t(), rows_t(),
            pltpu.VMEM((C, CW), jnp.float32),
        ] + [pltpu.SemaphoreType.DMA] * 18,
    )(src, dst, cat_idx, news_emb, cat_emb)


def _tc_body(acc_ref, cnt_ref, x_ref, ue_ref, c0_ref, wih_ref, whh_ref,
             b_ref, out_ref):
    summed = (acc_ref[0].astype(jnp.float32)
              + acc_ref[1].astype(jnp.float32))
    cnt = cnt_ref[0, :, 0:1] + cnt_ref[1, :, 0:1]
    agg = summed / jnp.maximum(cnt, 1.0)
    h_prev = ue_ref[...] + agg
    gates = (
        lax.dot_general(x_ref[...], wih_ref[...],
                        (((1,), (1,)), ((), ())),
                        preferred_element_type=jnp.float32)
        + lax.dot_general(h_prev, whh_ref[...],
                          (((1,), (1,)), ((), ())),
                          preferred_element_type=jnp.float32)
        + b_ref[...]
    )
    i = jax.nn.sigmoid(gates[:, 0 * EMB:1 * EMB])
    f = jax.nn.sigmoid(gates[:, 1 * EMB:2 * EMB])
    g = jnp.tanh(gates[:, 2 * EMB:3 * EMB])
    o = jax.nn.sigmoid(gates[:, 3 * EMB:4 * EMB])
    c_new = f * c0_ref[...] + i * g
    out_ref[...] = o * jnp.tanh(c_new)


def _tc_lstm(acc, cnt, x, user_emb, c0, W_ih, W_hh, bias):
    BR = 1000
    grid = (USER_NUM // BR,)
    return pl.pallas_call(
        _tc_body,
        grid=grid,
        in_specs=[
            pl.BlockSpec((NC, BR, EMB), lambda i: (0, i, 0)),
            pl.BlockSpec((NC, BR, CW), lambda i: (0, i, 0)),
            pl.BlockSpec((BR, EMB), lambda i: (i, 0)),
            pl.BlockSpec((BR, EMB), lambda i: (i, 0)),
            pl.BlockSpec((BR, EMB), lambda i: (i, 0)),
            pl.BlockSpec((4 * EMB, EMB), lambda i: (0, 0)),
            pl.BlockSpec((4 * EMB, EMB), lambda i: (0, 0)),
            pl.BlockSpec((1, 4 * EMB), lambda i: (0, 0)),
        ],
        out_specs=pl.BlockSpec((BR, EMB), lambda i: (i, 0)),
        out_shape=jax.ShapeDtypeStruct((USER_NUM, EMB), jnp.float32),
    )(acc, cnt, x, user_emb, c0, W_ih, W_hh, bias)


def kernel(x, edge_index, cat_idx, user_emb, news_emb, cat_emb, c0,
           W_ih, W_hh, b_ih, b_hh):
    src = edge_index[0]
    dst = edge_index[1]
    acc, cnt = _sc_messages(src, dst, cat_idx,
                            news_emb.astype(jnp.bfloat16),
                            cat_emb.astype(jnp.bfloat16))
    bias = (b_ih + b_hh).reshape(1, 4 * EMB)
    return _tc_lstm(acc, cnt, x, user_emb, c0, W_ih, W_hh, bias)

# --- scband reference (transcript-rebuilt; emitter-appended) ---
"""Pipeline reference for scband-gcrnn-41729902248421 (READ-ONLY COPY).

The authoritative reference and input builder live on the scoring server;
editing this copy changes nothing except your own understanding.
"""

import jax, jax.numpy as jnp
import numpy as np

USER_NUM = 10000
NEWS_NUM = 10000
CAT_NUM = 32
EMB = 128
E = 320000


def setup_inputs(seed: int = 0) -> dict:
    key = jax.random.key(seed)
    ks = jax.random.split(key, 12)
    x = jax.random.normal(ks[0], (USER_NUM, EMB), dtype=jnp.float32)
    edge_index = jax.random.randint(ks[1], (2, E), 0, USER_NUM, dtype=jnp.int32)
    cat_idx = jax.random.randint(ks[2], (E,), 0, CAT_NUM, dtype=jnp.int32)
    user_emb = jax.random.normal(ks[3], (USER_NUM, EMB), dtype=jnp.float32) * 0.02
    news_emb = jax.random.normal(ks[4], (NEWS_NUM, EMB), dtype=jnp.float32) * 0.02
    cat_emb = jax.random.normal(ks[5], (CAT_NUM, EMB), dtype=jnp.float32) * 0.02
    c0 = jax.random.normal(ks[6], (USER_NUM, EMB), dtype=jnp.float32) * 0.02
    W_ih = jax.random.normal(ks[7], (4 * EMB, EMB), dtype=jnp.float32) * (1.0 / np.sqrt(EMB))
    W_hh = jax.random.normal(ks[8], (4 * EMB, EMB), dtype=jnp.float32) * (1.0 / np.sqrt(EMB))
    b_ih = jax.random.normal(ks[9], (4 * EMB,), dtype=jnp.float32) * (1.0 / np.sqrt(EMB))
    b_hh = jax.random.normal(ks[10], (4 * EMB,), dtype=jnp.float32) * (1.0 / np.sqrt(EMB))
    return {"x": x, "edge_index": edge_index, "cat_idx": cat_idx, "user_emb": user_emb,
            "news_emb": news_emb, "cat_emb": cat_emb, "c0": c0,
            "W_ih": W_ih, "W_hh": W_hh, "b_ih": b_ih, "b_hh": b_hh}


def reference(x, edge_index, cat_idx, user_emb, news_emb, cat_emb, c0, W_ih, W_hh, b_ih, b_hh):
    # --- GCN step (clicked_reverse: news -> user) ---
    src = edge_index[0]  # news node ids
    dst = edge_index[1]  # user node ids
    # message: src node embedding * category (edge) embedding
    msg = news_emb[src] * cat_emb[cat_idx]
    # reduce: mean over mailbox per destination user
    summed = jax.ops.segment_sum(msg, dst, num_segments=USER_NUM)
    cnt = jax.ops.segment_sum(jnp.ones((E,), dtype=jnp.float32), dst, num_segments=USER_NUM)
    agg = summed / jnp.maximum(cnt, 1.0)[:, None]
    # residual-like: add own embedding
    h_prev = user_emb + agg
    # --- GRNN step (LSTMCell over user nodes) ---
    gates = x @ W_ih.T + b_ih + h_prev @ W_hh.T + b_hh
    i, f, g, o = jnp.split(gates, 4, axis=1)
    i = jax.nn.sigmoid(i)
    f = jax.nn.sigmoid(f)
    g = jnp.tanh(g)
    o = jax.nn.sigmoid(o)
    c_new = f * c0 + i * g
    h_new = o * jnp.tanh(c_new)
    return h_new

if __name__ == "__main__":
    import jax
    _d = setup_inputs()
    print(jax.jit(kernel)(*tuple(_d.values())))

</pallas_src>

<mosaic_0001>
#map = affine_map<(d0, d1) -> (0)>
#map1 = affine_map<(d0, d1) -> (0, 0)>
#map2 = affine_map<(d0, d1) -> (0, 0, 0)>
module attributes {stable_mosaic.version = 14 : i64} {
  func.func @_sc_body(%arg0: i32, %arg1: i32, %arg2: memref<320000xi32, #tpu.memory_space<hbm>>, %arg3: memref<320000xi32, #tpu.memory_space<hbm>>, %arg4: memref<320000xi32, #tpu.memory_space<hbm>>, %arg5: memref<10000x128xbf16, #tpu.memory_space<hbm>>, %arg6: memref<32x128xbf16, #tpu.memory_space<hbm>>, %arg7: memref<2x10000x128xbf16, #tpu.memory_space<hbm>>, %arg8: memref<2x10000x16xf32, #tpu.memory_space<hbm>>, %arg9: memref<32x128xbf16, #tpu.memory_space<vmem_shared>>, %arg10: memref<10000x128xbf16, #tpu.memory_space<vmem_shared>>, %arg11: memref<10000x16xf32, #tpu.memory_space<vmem_shared>>, %arg12: memref<10000x128xbf16, #tpu.memory_space<vmem_shared>>, %arg13: memref<80xi32, #tpu.memory_space<vmem>>, %arg14: memref<80xi32, #tpu.memory_space<vmem>>, %arg15: memref<80xi32, #tpu.memory_space<vmem>>, %arg16: memref<80xi32, #tpu.memory_space<vmem>>, %arg17: memref<80xi32, #tpu.memory_space<vmem>>, %arg18: memref<80xi32, #tpu.memory_space<vmem>>, %arg19: memref<80xi32, #tpu.memory_space<vmem>>, %arg20: memref<80xi32, #tpu.memory_space<vmem>>, %arg21: memref<80xi32, #tpu.memory_space<vmem>>, %arg22: memref<80x128xbf16, #tpu.memory_space<vmem>>, %arg23: memref<80x128xbf16, #tpu.memory_space<vmem>>, %arg24: memref<80x128xbf16, #tpu.memory_space<vmem>>, %arg25: memref<80x128xbf16, #tpu.memory_space<vmem>>, %arg26: memref<80x128xbf16, #tpu.memory_space<vmem>>, %arg27: memref<80x128xbf16, #tpu.memory_space<vmem>>, %arg28: memref<80x16xf32, #tpu.memory_space<vmem>>, %arg29: memref<!tpu.dma_semaphore, #tpu.memory_space<semaphore_mem>>, %arg30: memref<!tpu.dma_semaphore, #tpu.memory_space<semaphore_mem>>, %arg31: memref<!tpu.dma_semaphore, #tpu.memory_space<semaphore_mem>>, %arg32: memref<!tpu.dma_semaphore, #tpu.memory_space<semaphore_mem>>, %arg33: memref<!tpu.dma_semaphore, #tpu.memory_space<semaphore_mem>>, %arg34: memref<!tpu.dma_semaphore, #tpu.memory_space<semaphore_mem>>, %arg35: memref<!tpu.dma_semaphore, #tpu.memory_space<semaphore_mem>>, %arg36: memref<!tpu.dma_semaphore, #tpu.memory_space<semaphore_mem>>, %arg37: memref<!tpu.dma_semaphore, #tpu.memory_space<semaphore_mem>>, %arg38: memref<!tpu.dma_semaphore, #tpu.memory_space<semaphore_mem>>, %arg39: memref<!tpu.dma_semaphore, #tpu.memory_space<semaphore_mem>>, %arg40: memref<!tpu.dma_semaphore, #tpu.memory_space<semaphore_mem>>, %arg41: memref<!tpu.dma_semaphore, #tpu.memory_space<semaphore_mem>>, %arg42: memref<!tpu.dma_semaphore, #tpu.memory_space<semaphore_mem>>, %arg43: memref<!tpu.dma_semaphore, #tpu.memory_space<semaphore_mem>>, %arg44: memref<!tpu.dma_semaphore, #tpu.memory_space<semaphore_mem>>, %arg45: memref<!tpu.dma_semaphore, #tpu.memory_space<semaphore_mem>>, %arg46: memref<!tpu.dma_semaphore, #tpu.memory_space<semaphore_mem>>) attributes {dimension_semantics = [#tpu.dimension_semantics<core_parallel>, #tpu.dimension_semantics<subcore_parallel>], iteration_bounds = array<i64: 2, 16>, scalar_prefetch = 0 : i64, scratch_operands = 38 : i64, tpu.core_type = #tpu.core_type<sc_vector_subcore>, window_params = [{transform_indices = #map}, {transform_indices = #map}, {transform_indices = #map}, {transform_indices = #map1}, {transform_indices = #map1}, {transform_indices = #map2}, {transform_indices = #map2}]} {
    %mul3A = arith.constant 16 : i32
    %mul3A_0 = arith.muli %arg0, %mul3A : i32
    %add3A = arith.addi %mul3A_0, %arg1 : i32
    %mul3A_1 = arith.constant 10000 : i32
    %mul3A_2 = arith.muli %add3A, %mul3A_1 : i32
    %eq3A = arith.constant 0 : i32
    %eq3A_3 = arith.cmpi eq, %arg1, %eq3A : i32
    %convert_element_type3A = arith.extui %eq3A_3 : i1 to i32
    %cond3A = arith.constant 0 : i32
    %cond3A_4 = arith.cmpi ne, %convert_element_type3A, %cond3A : i32
    scf.if %cond3A_4 {
      "tpu.region"() ({
        %run_scoped3A = tpu.sem_alloc : memref<!tpu.dma_semaphore, #tpu.memory_space<semaphore_mem>>
        tpu.enqueue_dma source(%arg6 : memref<32x128xbf16, #tpu.memory_space<hbm>>) target(%arg9 : memref<32x128xbf16, #tpu.memory_space<vmem_shared>>) target_semaphore(%run_scoped3A : memref<!tpu.dma_semaphore, #tpu.memory_space<semaphore_mem>>)
        tpu.wait_dma2 semaphore(%run_scoped3A : memref<!tpu.dma_semaphore, #tpu.memory_space<semaphore_mem>>) src(%arg6 : memref<32x128xbf16, #tpu.memory_space<hbm>>) dst(%arg9 : memref<32x128xbf16, #tpu.memory_space<vmem_shared>>)
        tpu.yield
      }) : () -> ()
    } else {
    }
    %broadcast_in_dim3A = arith.constant 0.000000e+00 : f32
    %broadcast_in_dim3A_5 = vector.broadcast %broadcast_in_dim3A : f32 to vector<16xf32>
    %broadcast_in_dim3A_6 = arith.constant 0.000000e+00 : bf16
    %broadcast_in_dim3A_7 = vector.broadcast %broadcast_in_dim3A_6 : bf16 to vector<32xbf16>
    %iota3A = tpu.iota {dimensions = array<i32: 0>} : vector<16xi32>
    %eq3A_8 = arith.constant 0 : i32
    %eq3A_9 = vector.broadcast %eq3A_8 : i32 to vector<16xi32>
    %eq3A_10 = arith.cmpi eq, %iota3A, %eq3A_9 : vector<16xi32>
    %jit3A = arith.constant 1.000000e+00 : f32
    %jit3A_11 = arith.constant 0.000000e+00 : f32
    %broadcast_in_dim3A_12 = vector.broadcast %jit3A : f32 to vector<16xf32>
    %broadcast_in_dim3A_13 = vector.broadcast %jit3A_11 : f32 to vector<16xf32>
    %select_n3A = arith.select %eq3A_10, %broadcast_in_dim3A_12, %broadcast_in_dim3A_13 : vector<16xi1>, vector<16xf32>
    %scan3A = arith.constant 0 : i32
    %scan3A_14 = arith.constant 0 : i32
    %scan3A_15 = arith.constant 80 : i32
    %scan3A_16 = arith.addi %scan3A_14, %scan3A_15 : i32
    %scan3A_17 = arith.constant 1 : i32
    scf.for %scan3A_156 = %scan3A_14 to %scan3A_16 step %scan3A_17  : i32 {
      %swap3A = arith.index_cast %scan3A_156 : i32 to index
      %swap3A_157 = arith.constant 0 : index
      %swap3A_158 = tpu.vector_load %arg22[%swap3A, %swap3A_157] {strides = array<i32>} : memref<80x128xbf16, #tpu.memory_space<vmem>>, vector<1x32xbf16>,
      %swap3A_159 = vector.shape_cast %swap3A_158 : vector<1x32xbf16> to vector<32xbf16>
      %swap3A_160 = vector.shape_cast %broadcast_in_dim3A_7 : vector<32xbf16> to vector<1x32xbf16>
      tpu.vector_store %arg22[%swap3A, %swap3A_157], %swap3A_160 {strides = array<i32>} : memref<80x128xbf16, #tpu.memory_space<vmem>>, vector<1x32xbf16>,
      %swap3A_161 = arith.index_cast %scan3A_156 : i32 to index
      %swap3A_162 = arith.constant 32 : index
      %swap3A_163 = tpu.vector_load %arg22[%swap3A_161, %swap3A_162] {strides = array<i32>} : memref<80x128xbf16, #tpu.memory_space<vmem>>, vector<1x32xbf16>,
      %swap3A_164 = vector.shape_cast %swap3A_163 : vector<1x32xbf16> to vector<32xbf16>
      %swap3A_165 = vector.shape_cast %broadcast_in_dim3A_7 : vector<32xbf16> to vector<1x32xbf16>
      tpu.vector_store %arg22[%swap3A_161, %swap3A_162], %swap3A_165 {strides = array<i32>} : memref<80x128xbf16, #tpu.memory_space<vmem>>, vector<1x32xbf16>,
      %swap3A_166 = arith.index_cast %scan3A_156 : i32 to index
      %swap3A_167 = arith.constant 64 : index
      %swap3A_168 = tpu.vector_load %arg22[%swap3A_166, %swap3A_167] {strides = array<i32>} : memref<80x128xbf16, #tpu.memory_space<vmem>>, vector<1x32xbf16>,
      %swap3A_169 = vector.shape_cast %swap3A_168 : vector<1x32xbf16> to vector<32xbf16>
      %swap3A_170 = vector.shape_cast %broadcast_in_dim3A_7 : vector<32xbf16> to vector<1x32xbf16>
      tpu.vector_store %arg22[%swap3A_166, %swap3A_167], %swap3A_170 {strides = array<i32>} : memref<80x128xbf16, #tpu.memory_space<vmem>>, vector<1x32xbf16>,
      %swap3A_171 = arith.index_cast %scan3A_156 : i32 to index
      %swap3A_172 = arith.constant 96 : index
      %swap3A_173 = tpu.vector_load %arg22[%swap3A_171, %swap3A_172] {strides = array<i32>} : memref<80x128xbf16, #tpu.memory_space<vmem>>, vector<1x32xbf16>,
      %swap3A_174 = vector.shape_cast %swap3A_173 : vector<1x32xbf16> to vector<32xbf16>
      %swap3A_175 = vector.shape_cast %broadcast_in_dim3A_7 : vector<32xbf16> to vector<1x32xbf16>
      tpu.vector_store %arg22[%swap3A_171, %swap3A_172], %swap3A_175 {strides = array<i32>} : memref<80x128xbf16, #tpu.memory_space<vmem>>, vector<1x32xbf16>,
      %swap3A_176 = arith.index_cast %scan3A_156 : i32 to index
      %swap3A_177 = arith.constant 0 : index
      %swap3A_178 = tpu.vector_load %arg28[%swap3A_176, %swap3A_177] {strides = array<i32>} : memref<80x16xf32, #tpu.memory_space<vmem>>, vector<1x16xf32>,
      %swap3A_179 = vector.shape_cast %swap3A_178 : vector<1x16xf32> to vector<16xf32>
      %swap3A_180 = vector.shape_cast %broadcast_in_dim3A_5 : vector<16xf32> to vector<1x16xf32>
      tpu.vector_store %arg28[%swap3A_176, %swap3A_177], %swap3A_180 {strides = array<i32>} : memref<80x16xf32, #tpu.memory_space<vmem>>, vector<1x16xf32>,
    }
    %scan3A_18 = arith.constant 80 : i32
    %mul3A_19 = arith.constant 624 : i32
    %mul3A_20 = arith.muli %arg1, %mul3A_19 : i32
    %lt3A = arith.constant 15 : i32
    %lt3A_21 = arith.cmpi slt, %arg1, %lt3A : i32
    %convert_element_type3A_22 = arith.extui %lt3A_21 : i1 to i32
    %cond3A_23 = arith.constant 0 : i32
    %cond3A_24 = arith.cmpi ne, %convert_element_type3A_22, %cond3A_23 : i32
    scf.if %cond3A_24 {
      "tpu.region"() ({
        %run_scoped3A = tpu.sem_alloc : memref<!tpu.dma_semaphore, #tpu.memory_space<semaphore_mem>>
        %dma_start3A_156 = arith.constant 0 : i32
        %dma_start3A_157 = tpu.memref_slice %arg12[%mul3A_20, %dma_start3A_156] : memref<10000x128xbf16, #tpu.memory_space<vmem_shared>> -> memref<624x128xbf16, #tpu.memory_space<vmem_shared>>
        %dma_start3A_158 = arith.constant 0 : i32
        %dma_start3A_159 = tpu.memref_slice %arg5[%mul3A_20, %dma_start3A_158] : memref<10000x128xbf16, #tpu.memory_space<hbm>> -> memref<624x128xbf16, #tpu.memory_space<hbm>>
        tpu.enqueue_dma source(%dma_start3A_159 : memref<624x128xbf16, #tpu.memory_space<hbm>>) target(%dma_start3A_157 : memref<624x128xbf16, #tpu.memory_space<vmem_shared>>) target_semaphore(%run_scoped3A : memref<!tpu.dma_semaphore, #tpu.memory_space<semaphore_mem>>)
        %dma_wait3A_160 = arith.constant 0 : i32
        %dma_wait3A_161 = tpu.memref_slice %arg12[%mul3A_20, %dma_wait3A_160] : memref<10000x128xbf16, #tpu.memory_space<vmem_shared>> -> memref<624x128xbf16, #tpu.memory_space<vmem_shared>>
        %dma_wait3A_162 = arith.constant 0 : i32
        %dma_wait3A_163 = tpu.memref_slice %arg5[%mul3A_20, %dma_wait3A_162] : memref<10000x128xbf16, #tpu.memory_space<hbm>> -> memref<624x128xbf16, #tpu.memory_space<hbm>>
        tpu.wait_dma2 semaphore(%run_scoped3A : memref<!tpu.dma_semaphore, #tpu.memory_space<semaphore_mem>>) src(%dma_wait3A_163 : memref<624x128xbf16, #tpu.memory_space<hbm>>) dst(%dma_wait3A_161 : memref<624x128xbf16, #tpu.memory_space<vmem_shared>>)
        tpu.yield
      }) : () -> ()
    } else {
    }
    %eq3A_25 = arith.constant 15 : i32
    %eq3A_26 = arith.cmpi eq, %arg1, %eq3A_25 : i32
    %convert_element_type3A_27 = arith.extui %eq3A_26 : i1 to i32
    %cond3A_28 = arith.constant 0 : i32
    %cond3A_29 = arith.cmpi ne, %convert_element_type3A_27, %cond3A_28 : i32
    scf.if %cond3A_29 {
      "tpu.region"() ({
        %run_scoped3A = tpu.sem_alloc : memref<!tpu.dma_semaphore, #tpu.memory_space<semaphore_mem>>
        %dma_start3A_156 = arith.constant 0 : i32
        %dma_start3A_157 = tpu.memref_slice %arg12[%mul3A_20, %dma_start3A_156] : memref<10000x128xbf16, #tpu.memory_space<vmem_shared>> -> memref<640x128xbf16, #tpu.memory_space<vmem_shared>>
        %dma_start3A_158 = arith.constant 0 : i32
        %dma_start3A_159 = tpu.memref_slice %arg5[%mul3A_20, %dma_start3A_158] : memref<10000x128xbf16, #tpu.memory_space<hbm>> -> memref<640x128xbf16, #tpu.memory_space<hbm>>
        tpu.enqueue_dma source(%dma_start3A_159 : memref<640x128xbf16, #tpu.memory_space<hbm>>) target(%dma_start3A_157 : memref<640x128xbf16, #tpu.memory_space<vmem_shared>>) target_semaphore(%run_scoped3A : memref<!tpu.dma_semaphore, #tpu.memory_space<semaphore_mem>>)
        %dma_wait3A_160 = arith.constant 0 : i32
        %dma_wait3A_161 = tpu.memref_slice %arg12[%mul3A_20, %dma_wait3A_160] : memref<10000x128xbf16, #tpu.memory_space<vmem_shared>> -> memref<640x128xbf16, #tpu.memory_space<vmem_shared>>
        %dma_wait3A_162 = arith.constant 0 : i32
        %dma_wait3A_163 = tpu.memref_slice %arg5[%mul3A_20, %dma_wait3A_162] : memref<10000x128xbf16, #tpu.memory_space<hbm>> -> memref<640x128xbf16, #tpu.memory_space<hbm>>
        tpu.wait_dma2 semaphore(%run_scoped3A : memref<!tpu.dma_semaphore, #tpu.memory_space<semaphore_mem>>) src(%dma_wait3A_163 : memref<640x128xbf16, #tpu.memory_space<hbm>>) dst(%dma_wait3A_161 : memref<640x128xbf16, #tpu.memory_space<vmem_shared>>)
        tpu.yield
      }) : () -> ()
    } else {
    }
    %scan3A_30 = arith.constant 0 : i32
    %scan3A_31 = arith.constant 0 : i32
    %scan3A_32 = arith.constant 7 : i32
    %scan3A_33 = arith.addi %scan3A_31, %scan3A_32 : i32
    %scan3A_34 = arith.constant 1 : i32
    scf.for %scan3A_156 = %scan3A_31 to %scan3A_33 step %scan3A_34  : i32 {
      %mul3A_157 = arith.constant 80 : i32
      %mul3A_158 = arith.muli %scan3A_156, %mul3A_157 : i32
      %add3A_159 = arith.addi %mul3A_20, %mul3A_158 : i32
      "tpu.region"() ({
        %run_scoped3A = tpu.sem_alloc : memref<!tpu.dma_semaphore, #tpu.memory_space<semaphore_mem>>
        %dma_start3A_163 = arith.constant 0 : i32
        %dma_start3A_164 = tpu.memref_slice %arg10[%add3A_159, %dma_start3A_163] : memref<10000x128xbf16, #tpu.memory_space<vmem_shared>> -> memref<80x128xbf16, #tpu.memory_space<vmem_shared>>
        %dma_start3A_165 = arith.constant 0 : i32
        %dma_start3A_166 = tpu.memref_slice %arg10[%add3A_159, %dma_start3A_165] : memref<10000x128xbf16, #tpu.memory_space<vmem_shared>> -> memref<80x128xbf16, #tpu.memory_space<vmem_shared>>
        tpu.enqueue_dma source(%arg22 : memref<80x128xbf16, #tpu.memory_space<vmem>>) target(%dma_start3A_166 : memref<80x128xbf16, #tpu.memory_space<vmem_shared>>) target_semaphore(%run_scoped3A : memref<!tpu.dma_semaphore, #tpu.memory_space<semaphore_mem>>)
        %dma_wait3A_167 = arith.constant 0 : i32
        %dma_wait3A_168 = tpu.memref_slice %arg10[%add3A_159, %dma_wait3A_167] : memref<10000x128xbf16, #tpu.memory_space<vmem_shared>> -> memref<80x128xbf16, #tpu.memory_space<vmem_shared>>
        %dma_wait3A_169 = arith.constant 0 : i32
        %dma_wait3A_170 = tpu.memref_slice %arg10[%add3A_159, %dma_wait3A_169] : memref<10000x128xbf16, #tpu.memory_space<vmem_shared>> -> memref<80x128xbf16, #tpu.memory_space<vmem_shared>>
        tpu.wait_dma2 semaphore(%run_scoped3A : memref<!tpu.dma_semaphore, #tpu.memory_space<semaphore_mem>>) src(%arg22 : memref<80x128xbf16, #tpu.memory_space<vmem>>) dst(%dma_wait3A_170 : memref<80x128xbf16, #tpu.memory_space<vmem_shared>>)
        tpu.yield
      }) : () -> ()
      %mul3A_160 = arith.constant 80 : i32
      %mul3A_161 = arith.muli %scan3A_156, %mul3A_160 : i32
      %add3A_162 = arith.addi %mul3A_20, %mul3A_161 : i32
      "tpu.region"() ({
        %run_scoped3A = tpu.sem_alloc : memref<!tpu.dma_semaphore, #tpu.memory_space<semaphore_mem>>
        %dma_start3A_163 = arith.constant 0 : i32
        %dma_start3A_164 = tpu.memref_slice %arg11[%add3A_162, %dma_start3A_163] : memref<10000x16xf32, #tpu.memory_space<vmem_shared>> -> memref<80x16xf32, #tpu.memory_space<vmem_shared>>
        %dma_start3A_165 = arith.constant 0 : i32
        %dma_start3A_166 = tpu.memref_slice %arg11[%add3A_162, %dma_start3A_165] : memref<10000x16xf32, #tpu.memory_space<vmem_shared>> -> memref<80x16xf32, #tpu.memory_space<vmem_shared>>
        tpu.enqueue_dma source(%arg28 : memref<80x16xf32, #tpu.memory_space<vmem>>) target(%dma_start3A_166 : memref<80x16xf32, #tpu.memory_space<vmem_shared>>) target_semaphore(%run_scoped3A : memref<!tpu.dma_semaphore, #tpu.memory_space<semaphore_mem>>)
        %dma_wait3A_167 = arith.constant 0 : i32
        %dma_wait3A_168 = tpu.memref_slice %arg11[%add3A_162, %dma_wait3A_167] : memref<10000x16xf32, #tpu.memory_space<vmem_shared>> -> memref<80x16xf32, #tpu.memory_space<vmem_shared>>
        %dma_wait3A_169 = arith.constant 0 : i32
        %dma_wait3A_170 = tpu.memref_slice %arg11[%add3A_162, %dma_wait3A_169] : memref<10000x16xf32, #tpu.memory_space<vmem_shared>> -> memref<80x16xf32, #tpu.memory_space<vmem_shared>>
        tpu.wait_dma2 semaphore(%run_scoped3A : memref<!tpu.dma_semaphore, #tpu.memory_space<semaphore_mem>>) src(%arg28 : memref<80x16xf32, #tpu.memory_space<vmem>>) dst(%dma_wait3A_170 : memref<80x16xf32, #tpu.memory_space<vmem_shared>>)
        tpu.yield
      }) : () -> ()
    }
    %scan3A_35 = arith.constant 7 : i32
    %lt3A_36 = arith.constant 15 : i32
    %lt3A_37 = arith.cmpi slt, %arg1, %lt3A_36 : i32
    %convert_element_type3A_38 = arith.extui %lt3A_37 : i1 to i32
    %cond3A_39 = arith.constant 0 : i32
    %cond3A_40 = arith.cmpi ne, %convert_element_type3A_38, %cond3A_39 : i32
    scf.if %cond3A_40 {
      %add3A_156 = arith.constant 624 : i32
      %add3A_157 = arith.addi %mul3A_20, %add3A_156 : i32
      %sub3A = arith.constant 64 : i32
      %sub3A_158 = arith.subi %add3A_157, %sub3A : i32
      "tpu.region"() ({
        %run_scoped3A = tpu.sem_alloc : memref<!tpu.dma_semaphore, #tpu.memory_space<semaphore_mem>>
        %dma_start3A_163 = arith.constant 0 : i32
        %dma_start3A_164 = arith.constant 0 : i32
        %dma_start3A_165 = tpu.memref_slice %arg22[%dma_start3A_163, %dma_start3A_164] : memref<80x128xbf16, #tpu.memory_space<vmem>> -> memref<64x128xbf16, #tpu.memory_space<vmem>>
        %dma_start3A_166 = arith.constant 0 : i32
        %dma_start3A_167 = tpu.memref_slice %arg10[%sub3A_158, %dma_start3A_166] : memref<10000x128xbf16, #tpu.memory_space<vmem_shared>> -> memref<64x128xbf16, #tpu.memory_space<vmem_shared>>
        %dma_start3A_168 = arith.constant 0 : i32
        %dma_start3A_169 = tpu.memref_slice %arg10[%sub3A_158, %dma_start3A_168] : memref<10000x128xbf16, #tpu.memory_space<vmem_shared>> -> memref<64x128xbf16, #tpu.memory_space<vmem_shared>>
        %dma_start3A_170 = arith.constant 0 : i32
        %dma_start3A_171 = arith.constant 0 : i32
        %dma_start3A_172 = tpu.memref_slice %arg22[%dma_start3A_170, %dma_start3A_171] : memref<80x128xbf16, #tpu.memory_space<vmem>> -> memref<64x128xbf16, #tpu.memory_space<vmem>>
        tpu.enqueue_dma source(%dma_start3A_172 : memref<64x128xbf16, #tpu.memory_space<vmem>>) target(%dma_start3A_169 : memref<64x128xbf16, #tpu.memory_space<vmem_shared>>) target_semaphore(%run_scoped3A : memref<!tpu.dma_semaphore, #tpu.memory_space<semaphore_mem>>)
        %dma_wait3A_173 = arith.constant 0 : i32
        %dma_wait3A_174 = arith.constant 0 : i32
        %dma_wait3A_175 = tpu.memref_slice %arg22[%dma_wait3A_173, %dma_wait3A_174] : memref<80x128xbf16, #tpu.memory_space<vmem>> -> memref<64x128xbf16, #tpu.memory_space<vmem>>
        %dma_wait3A_176 = arith.constant 0 : i32
        %dma_wait3A_177 = tpu.memref_slice %arg10[%sub3A_158, %dma_wait3A_176] : memref<10000x128xbf16, #tpu.memory_space<vmem_shared>> -> memref<64x128xbf16, #tpu.memory_space<vmem_shared>>
        %dma_wait3A_178 = arith.constant 0 : i32
        %dma_wait3A_179 = tpu.memref_slice %arg10[%sub3A_158, %dma_wait3A_178] : memref<10000x128xbf16, #tpu.memory_space<vmem_shared>> -> memref<64x128xbf16, #tpu.memory_space<vmem_shared>>
        %dma_wait3A_180 = arith.constant 0 : i32
        %dma_wait3A_181 = arith.constant 0 : i32
        %dma_wait3A_182 = tpu.memref_slice %arg22[%dma_wait3A_180, %dma_wait3A_181] : memref<80x128xbf16, #tpu.memory_space<vmem>> -> memref<64x128xbf16, #tpu.memory_space<vmem>>
        tpu.wait_dma2 semaphore(%run_scoped3A : memref<!tpu.dma_semaphore, #tpu.memory_space<semaphore_mem>>) src(%dma_wait3A_182 : memref<64x128xbf16, #tpu.memory_space<vmem>>) dst(%dma_wait3A_179 : memref<64x128xbf16, #tpu.memory_space<vmem_shared>>)
        tpu.yield
      }) : () -> ()
      %add3A_159 = arith.constant 624 : i32
      %add3A_160 = arith.addi %mul3A_20, %add3A_159 : i32
      %sub3A_161 = arith.constant 64 : i32
      %sub3A_162 = arith.subi %add3A_160, %sub3A_161 : i32
      "tpu.region"() ({
        %run_scoped3A = tpu.sem_alloc : memref<!tpu.dma_semaphore, #tpu.memory_space<semaphore_mem>>
        %dma_start3A_163 = arith.constant 0 : i32
        %dma_start3A_164 = arith.constant 0 : i32
        %dma_start3A_165 = tpu.memref_slice %arg28[%dma_start3A_163, %dma_start3A_164] : memref<80x16xf32, #tpu.memory_space<vmem>> -> memref<64x16xf32, #tpu.memory_space<vmem>>
        %dma_start3A_166 = arith.constant 0 : i32
        %dma_start3A_167 = tpu.memref_slice %arg11[%sub3A_162, %dma_start3A_166] : memref<10000x16xf32, #tpu.memory_space<vmem_shared>> -> memref<64x16xf32, #tpu.memory_space<vmem_shared>>
        %dma_start3A_168 = arith.constant 0 : i32
        %dma_start3A_169 = tpu.memref_slice %arg11[%sub3A_162, %dma_start3A_168] : memref<10000x16xf32, #tpu.memory_space<vmem_shared>> -> memref<64x16xf32, #tpu.memory_space<vmem_shared>>
        %dma_start3A_170 = arith.constant 0 : i32
        %dma_start3A_171 = arith.constant 0 : i32
        %dma_start3A_172 = tpu.memref_slice %arg28[%dma_start3A_170, %dma_start3A_171] : memref<80x16xf32, #tpu.memory_space<vmem>> -> memref<64x16xf32, #tpu.memory_space<vmem>>
        tpu.enqueue_dma source(%dma_start3A_172 : memref<64x16xf32, #tpu.memory_space<vmem>>) target(%dma_start3A_169 : memref<64x16xf32, #tpu.memory_space<vmem_shared>>) target_semaphore(%run_scoped3A : memref<!tpu.dma_semaphore, #tpu.memory_space<semaphore_mem>>)
        %dma_wait3A_173 = arith.constant 0 : i32
        %dma_wait3A_174 = arith.constant 0 : i32
        %dma_wait3A_175 = tpu.memref_slice %arg28[%dma_wait3A_173, %dma_wait3A_174] : memref<80x16xf32, #tpu.memory_space<vmem>> -> memref<64x16xf32, #tpu.memory_space<vmem>>
        %dma_wait3A_176 = arith.constant 0 : i32
        %dma_wait3A_177 = tpu.memref_slice %arg11[%sub3A_162, %dma_wait3A_176] : memref<10000x16xf32, #tpu.memory_space<vmem_shared>> -> memref<64x16xf32, #tpu.memory_space<vmem_shared>>
        %dma_wait3A_178 = arith.constant 0 : i32
        %dma_wait3A_179 = tpu.memref_slice %arg11[%sub3A_162, %dma_wait3A_178] : memref<10000x16xf32, #tpu.memory_space<vmem_shared>> -> memref<64x16xf32, #tpu.memory_space<vmem_shared>>
        %dma_wait3A_180 = arith.constant 0 : i32
        %dma_wait3A_181 = arith.constant 0 : i32
        %dma_wait3A_182 = tpu.memref_slice %arg28[%dma_wait3A_180, %dma_wait3A_181] : memref<80x16xf32, #tpu.memory_space<vmem>> -> memref<64x16xf32, #tpu.memory_space<vmem>>
        tpu.wait_dma2 semaphore(%run_scoped3A : memref<!tpu.dma_semaphore, #tpu.memory_space<semaphore_mem>>) src(%dma_wait3A_182 : memref<64x16xf32, #tpu.memory_space<vmem>>) dst(%dma_wait3A_179 : memref<64x16xf32, #tpu.memory_space<vmem_shared>>)
        tpu.yield
      }) : () -> ()
    } else {
    }
    %eq3A_41 = arith.constant 15 : i32
    %eq3A_42 = arith.cmpi eq, %arg1, %eq3A_41 : i32
    %convert_element_type3A_43 = arith.extui %eq3A_42 : i1 to i32
    %cond3A_44 = arith.constant 0 : i32
    %cond3A_45 = arith.cmpi ne, %convert_element_type3A_43, %cond3A_44 : i32
    scf.if %cond3A_45 {
      %add3A_156 = arith.constant 560 : i32
      %add3A_157 = arith.addi %mul3A_20, %add3A_156 : i32
      "tpu.region"() ({
        %run_scoped3A = tpu.sem_alloc : memref<!tpu.dma_semaphore, #tpu.memory_space<semaphore_mem>>
        %dma_start3A_160 = arith.constant 0 : i32
        %dma_start3A_161 = tpu.memref_slice %arg10[%add3A_157, %dma_start3A_160] : memref<10000x128xbf16, #tpu.memory_space<vmem_shared>> -> memref<80x128xbf16, #tpu.memory_space<vmem_shared>>
        %dma_start3A_162 = arith.constant 0 : i32
        %dma_start3A_163 = tpu.memref_slice %arg10[%add3A_157, %dma_start3A_162] : memref<10000x128xbf16, #tpu.memory_space<vmem_shared>> -> memref<80x128xbf16, #tpu.memory_space<vmem_shared>>
        tpu.enqueue_dma source(%arg22 : memref<80x128xbf16, #tpu.memory_space<vmem>>) target(%dma_start3A_163 : memref<80x128xbf16, #tpu.memory_space<vmem_shared>>) target_semaphore(%run_scoped3A : memref<!tpu.dma_semaphore, #tpu.memory_space<semaphore_mem>>)
        %dma_wait3A_164 = arith.constant 0 : i32
        %dma_wait3A_165 = tpu.memref_slice %arg10[%add3A_157, %dma_wait3A_164] : memref<10000x128xbf16, #tpu.memory_space<vmem_shared>> -> memref<80x128xbf16, #tpu.memory_space<vmem_shared>>
        %dma_wait3A_166 = arith.constant 0 : i32
        %dma_wait3A_167 = tpu.memref_slice %arg10[%add3A_157, %dma_wait3A_166] : memref<10000x128xbf16, #tpu.memory_space<vmem_shared>> -> memref<80x128xbf16, #tpu.memory_space<vmem_shared>>
        tpu.wait_dma2 semaphore(%run_scoped3A : memref<!tpu.dma_semaphore, #tpu.memory_space<semaphore_mem>>) src(%arg22 : memref<80x128xbf16, #tpu.memory_space<vmem>>) dst(%dma_wait3A_167 : memref<80x128xbf16, #tpu.memory_space<vmem_shared>>)
        tpu.yield
      }) : () -> ()
      %add3A_158 = arith.constant 560 : i32
      %add3A_159 = arith.addi %mul3A_20, %add3A_158 : i32
      "tpu.region"() ({
        %run_scoped3A = tpu.sem_alloc : memref<!tpu.dma_semaphore, #tpu.memory_space<semaphore_mem>>
        %dma_start3A_160 = arith.constant 0 : i32
        %dma_start3A_161 = tpu.memref_slice %arg11[%add3A_159, %dma_start3A_160] : memref<10000x16xf32, #tpu.memory_space<vmem_shared>> -> memref<80x16xf32, #tpu.memory_space<vmem_shared>>
        %dma_start3A_162 = arith.constant 0 : i32
        %dma_start3A_163 = tpu.memref_slice %arg11[%add3A_159, %dma_start3A_162] : memref<10000x16xf32, #tpu.memory_space<vmem_shared>> -> memref<80x16xf32, #tpu.memory_space<vmem_shared>>
        tpu.enqueue_dma source(%arg28 : memref<80x16xf32, #tpu.memory_space<vmem>>) target(%dma_start3A_163 : memref<80x16xf32, #tpu.memory_space<vmem_shared>>) target_semaphore(%run_scoped3A : memref<!tpu.dma_semaphore, #tpu.memory_space<semaphore_mem>>)
        %dma_wait3A_164 = arith.constant 0 : i32
        %dma_wait3A_165 = tpu.memref_slice %arg11[%add3A_159, %dma_wait3A_164] : memref<10000x16xf32, #tpu.memory_space<vmem_shared>> -> memref<80x16xf32, #tpu.memory_space<vmem_shared>>
        %dma_wait3A_166 = arith.constant 0 : i32
        %dma_wait3A_167 = tpu.memref_slice %arg11[%add3A_159, %dma_wait3A_166] : memref<10000x16xf32, #tpu.memory_space<vmem_shared>> -> memref<80x16xf32, #tpu.memory_space<vmem_shared>>
        tpu.wait_dma2 semaphore(%run_scoped3A : memref<!tpu.dma_semaphore, #tpu.memory_space<semaphore_mem>>) src(%arg28 : memref<80x16xf32, #tpu.memory_space<vmem>>) dst(%dma_wait3A_167 : memref<80x16xf32, #tpu.memory_space<vmem_shared>>)
        tpu.yield
      }) : () -> ()
    } else {
    }
    %scan3A_46 = arith.constant 0 : i32
    %scan3A_47 = arith.constant 0 : i32
    %scan3A_48 = arith.constant 80 : i32
    %scan3A_49 = arith.addi %scan3A_47, %scan3A_48 : i32
    %scan3A_50 = arith.constant 1 : i32
    scf.for %scan3A_156 = %scan3A_47 to %scan3A_49 step %scan3A_50  : i32 {
      %swap3A = arith.index_cast %scan3A_156 : i32 to index
      %swap3A_157 = arith.constant 0 : index
      %swap3A_158 = tpu.vector_load %arg28[%swap3A, %swap3A_157] {strides = array<i32>} : memref<80x16xf32, #tpu.memory_space<vmem>>, vector<1x16xf32>,
      %swap3A_159 = vector.shape_cast %swap3A_158 : vector<1x16xf32> to vector<16xf32>
      %swap3A_160 = vector.shape_cast %select_n3A : vector<16xf32> to vector<1x16xf32>
      tpu.vector_store %arg28[%swap3A, %swap3A_157], %swap3A_160 {strides = array<i32>} : memref<80x16xf32, #tpu.memory_space<vmem>>, vector<1x16xf32>,
    }
    %scan3A_51 = arith.constant 80 : i32
    %barrier3A = arith.constant 0 : index
    tpu.barrier barrier_id(%barrier3A)
    "tpu.region"() ({
      %run_scoped3A = tpu.sem_alloc : memref<!tpu.dma_semaphore, #tpu.memory_space<semaphore_mem>>
      %dma_start3A_156 = tpu.memref_slice %arg2[%mul3A_2] : memref<320000xi32, #tpu.memory_space<hbm>> -> memref<80xi32, #tpu.memory_space<hbm>>
      %dma_start3A_157 = tpu.memref_slice %arg2[%mul3A_2] : memref<320000xi32, #tpu.memory_space<hbm>> -> memref<80xi32, #tpu.memory_space<hbm>>
      tpu.enqueue_dma source(%dma_start3A_157 : memref<80xi32, #tpu.memory_space<hbm>>) target(%arg13 : memref<80xi32, #tpu.memory_space<vmem>>) target_semaphore(%run_scoped3A : memref<!tpu.dma_semaphore, #tpu.memory_space<semaphore_mem>>)
      %dma_wait3A_158 = tpu.memref_slice %arg2[%mul3A_2] : memref<320000xi32, #tpu.memory_space<hbm>> -> memref<80xi32, #tpu.memory_space<hbm>>
      %dma_wait3A_159 = tpu.memref_slice %arg2[%mul3A_2] : memref<320000xi32, #tpu.memory_space<hbm>> -> memref<80xi32, #tpu.memory_space<hbm>>
      tpu.wait_dma2 semaphore(%run_scoped3A : memref<!tpu.dma_semaphore, #tpu.memory_space<semaphore_mem>>) src(%dma_wait3A_159 : memref<80xi32, #tpu.memory_space<hbm>>) dst(%arg13 : memref<80xi32, #tpu.memory_space<vmem>>)
      tpu.yield
    }) : () -> ()
    "tpu.region"() ({
      %run_scoped3A = tpu.sem_alloc : memref<!tpu.dma_semaphore, #tpu.memory_space<semaphore_mem>>
      %dma_start3A_156 = tpu.memref_slice %arg4[%mul3A_2] : memref<320000xi32, #tpu.memory_space<hbm>> -> memref<80xi32, #tpu.memory_space<hbm>>
      %dma_start3A_157 = tpu.memref_slice %arg4[%mul3A_2] : memref<320000xi32, #tpu.memory_space<hbm>> -> memref<80xi32, #tpu.memory_space<hbm>>
      tpu.enqueue_dma source(%dma_start3A_157 : memref<80xi32, #tpu.memory_space<hbm>>) target(%arg19 : memref<80xi32, #tpu.memory_space<vmem>>) target_semaphore(%run_scoped3A : memref<!tpu.dma_semaphore, #tpu.memory_space<semaphore_mem>>)
      %dma_wait3A_158 = tpu.memref_slice %arg4[%mul3A_2] : memref<320000xi32, #tpu.memory_space<hbm>> -> memref<80xi32, #tpu.memory_space<hbm>>
      %dma_wait3A_159 = tpu.memref_slice %arg4[%mul3A_2] : memref<320000xi32, #tpu.memory_space<hbm>> -> memref<80xi32, #tpu.memory_space<hbm>>
      tpu.wait_dma2 semaphore(%run_scoped3A : memref<!tpu.dma_semaphore, #tpu.memory_space<semaphore_mem>>) src(%dma_wait3A_159 : memref<80xi32, #tpu.memory_space<hbm>>) dst(%arg19 : memref<80xi32, #tpu.memory_space<vmem>>)
      tpu.yield
    }) : () -> ()
    "tpu.region"() ({
      %run_scoped3A = tpu.sem_alloc : memref<!tpu.dma_semaphore, #tpu.memory_space<semaphore_mem>>
      %dma_start3A_156 = tpu.memref_slice %arg3[%mul3A_2] : memref<320000xi32, #tpu.memory_space<hbm>> -> memref<80xi32, #tpu.memory_space<hbm>>
      %dma_start3A_157 = tpu.memref_slice %arg3[%mul3A_2] : memref<320000xi32, #tpu.memory_space<hbm>> -> memref<80xi32, #tpu.memory_space<hbm>>
      tpu.enqueue_dma source(%dma_start3A_157 : memref<80xi32, #tpu.memory_space<hbm>>) target(%arg16 : memref<80xi32, #tpu.memory_space<vmem>>) target_semaphore(%run_scoped3A : memref<!tpu.dma_semaphore, #tpu.memory_space<semaphore_mem>>)
      %dma_wait3A_158 = tpu.memref_slice %arg3[%mul3A_2] : memref<320000xi32, #tpu.memory_space<hbm>> -> memref<80xi32, #tpu.memory_space<hbm>>
      %dma_wait3A_159 = tpu.memref_slice %arg3[%mul3A_2] : memref<320000xi32, #tpu.memory_space<hbm>> -> memref<80xi32, #tpu.memory_space<hbm>>
      tpu.wait_dma2 semaphore(%run_scoped3A : memref<!tpu.dma_semaphore, #tpu.memory_space<semaphore_mem>>) src(%dma_wait3A_159 : memref<80xi32, #tpu.memory_space<hbm>>) dst(%arg16 : memref<80xi32, #tpu.memory_space<vmem>>)
      tpu.yield
    }) : () -> ()
    %dma_start3A = arith.constant 0 : i32
    %dma_start3A_52 = arith.constant 0 : i32
    %dma_start3A_53 = tpu.memref_slice %arg12[%dma_start3A, %dma_start3A_52] : memref<10000x128xbf16, #tpu.memory_space<vmem_shared>> -> memref<10000x128xbf16, #tpu.memory_space<vmem_shared>>
    tpu.enqueue_indirect_dma source(%dma_start3A_53 : memref<10000x128xbf16, #tpu.memory_space<vmem_shared>>) target(%arg22 : memref<80x128xbf16, #tpu.memory_space<vmem>>) offsets(%arg13 : memref<80xi32, #tpu.memory_space<vmem>>) semaphore(%arg35 : memref<!tpu.dma_semaphore, #tpu.memory_space<semaphore_mem>>)
    %dma_start3A_54 = arith.constant 0 : i32
    %dma_start3A_55 = arith.constant 0 : i32
    %dma_start3A_56 = tpu.memref_slice %arg9[%dma_start3A_54, %dma_start3A_55] : memref<32x128xbf16, #tpu.memory_space<vmem_shared>> -> memref<32x128xbf16, #tpu.memory_space<vmem_shared>>
    tpu.enqueue_indirect_dma source(%dma_start3A_56 : memref<32x128xbf16, #tpu.memory_space<vmem_shared>>) target(%arg25 : memref<80x128xbf16, #tpu.memory_space<vmem>>) offsets(%arg19 : memref<80xi32, #tpu.memory_space<vmem>>) semaphore(%arg38 : memref<!tpu.dma_semaphore, #tpu.memory_space<semaphore_mem>>)
    %add3A_57 = arith.constant 80 : i32
    %add3A_58 = arith.addi %mul3A_2, %add3A_57 : i32
    %dma_start3A_59 = tpu.memref_slice %arg2[%add3A_58] : memref<320000xi32, #tpu.memory_space<hbm>> -> memref<80xi32, #tpu.memory_space<hbm>>
    %dma_start3A_60 = tpu.memref_slice %arg2[%add3A_58] : memref<320000xi32, #tpu.memory_space<hbm>> -> memref<80xi32, #tpu.memory_space<hbm>>
    tpu.enqueue_dma source(%dma_start3A_60 : memref<80xi32, #tpu.memory_space<hbm>>) target(%arg14 : memref<80xi32, #tpu.memory_space<vmem>>) target_semaphore(%arg30 : memref<!tpu.dma_semaphore, #tpu.memory_space<semaphore_mem>>)
    %dma_start3A_61 = tpu.memref_slice %arg4[%add3A_58] : memref<320000xi32, #tpu.memory_space<hbm>> -> memref<80xi32, #tpu.memory_space<hbm>>
    %dma_start3A_62 = tpu.memref_slice %arg4[%add3A_58] : memref<320000xi32, #tpu.memory_space<hbm>> -> memref<80xi32, #tpu.memory_space<hbm>>
    tpu.enqueue_dma source(%dma_start3A_62 : memref<80xi32, #tpu.memory_space<hbm>>) target(%arg20 : memref<80xi32, #tpu.memory_space<vmem>>) target_semaphore(%arg30 : memref<!tpu.dma_semaphore, #tpu.memory_space<semaphore_mem>>)
    %scan3A_63 = arith.constant 0 : i32
    %scan3A_64 = arith.constant 0 : i32
    %scan3A_65 = arith.constant 41 : i32
    %scan3A_66 = arith.addi %scan3A_64, %scan3A_65 : i32
    %scan3A_67 = arith.constant 1 : i32
    scf.for %scan3A_156 = %scan3A_64 to %scan3A_66 step %scan3A_67  : i32 {
      %mul3A_157 = arith.constant 3 : i32
      %mul3A_158 = arith.muli %mul3A_157, %scan3A_156 : i32
      %add3A_159 = arith.constant 0 : i32
      %add3A_160 = arith.addi %mul3A_158, %add3A_159 : i32
      %ge3A = arith.constant 2 : i32
      %ge3A_161 = arith.cmpi sge, %add3A_160, %ge3A : i32
      %convert_element_type3A_162 = arith.extui %ge3A_161 : i1 to i32
      %cond3A_163 = arith.constant 0 : i32
      %cond3A_164 = arith.cmpi ne, %convert_element_type3A_162, %cond3A_163 : i32
      scf.if %cond3A_164 {
        %dma_wait3A_336 = arith.constant 0 : i32
        %dma_wait3A_337 = arith.constant 0 : i32
        %dma_wait3A_338 = tpu.memref_slice %arg10[%dma_wait3A_336, %dma_wait3A_337] : memref<10000x128xbf16, #tpu.memory_space<vmem_shared>> -> memref<10000x128xbf16, #tpu.memory_space<vmem_shared>>
        tpu.wait_indirect_dma semaphore(%arg42 : memref<!tpu.dma_semaphore, #tpu.memory_space<semaphore_mem>>) src(%arg23 : memref<80x128xbf16, #tpu.memory_space<vmem>>) dst(%dma_wait3A_338 : memref<10000x128xbf16, #tpu.memory_space<vmem_shared>>)
        %dma_wait3A_339 = arith.constant 0 : i32
        %dma_wait3A_340 = arith.constant 0 : i32
        %dma_wait3A_341 = tpu.memref_slice %arg11[%dma_wait3A_339, %dma_wait3A_340] : memref<10000x16xf32, #tpu.memory_space<vmem_shared>> -> memref<10000x16xf32, #tpu.memory_space<vmem_shared>>
        tpu.wait_indirect_dma semaphore(%arg45 : memref<!tpu.dma_semaphore, #tpu.memory_space<semaphore_mem>>) src(%arg28 : memref<80x16xf32, #tpu.memory_space<vmem>>) dst(%dma_wait3A_341 : memref<10000x16xf32, #tpu.memory_space<vmem_shared>>)
      } else {
      }
      %add3A_165 = arith.constant 1 : i32
      %add3A_166 = arith.addi %add3A_160, %add3A_165 : i32
      %mul3A_167 = arith.constant 80 : i32
      %mul3A_168 = arith.muli %add3A_166, %mul3A_167 : i32
      %add3A_169 = arith.addi %mul3A_2, %mul3A_168 : i32
      %dma_start3A_170 = tpu.memref_slice %arg3[%add3A_169] : memref<320000xi32, #tpu.memory_space<hbm>> -> memref<80xi32, #tpu.memory_space<hbm>>
      %dma_start3A_171 = tpu.memref_slice %arg3[%add3A_169] : memref<320000xi32, #tpu.memory_space<hbm>> -> memref<80xi32, #tpu.memory_space<hbm>>
      tpu.enqueue_dma source(%dma_start3A_171 : memref<80xi32, #tpu.memory_space<hbm>>) target(%arg17 : memref<80xi32, #tpu.memory_space<vmem>>) target_semaphore(%arg33 : memref<!tpu.dma_semaphore, #tpu.memory_space<semaphore_mem>>)
      %add3A_172 = arith.constant 1 : i32
      %add3A_173 = arith.addi %add3A_160, %add3A_172 : i32
      %mul3A_174 = arith.constant 80 : i32
      %mul3A_175 = arith.muli %add3A_173, %mul3A_174 : i32
      %add3A_176 = arith.addi %mul3A_2, %mul3A_175 : i32
      %dma_wait3A_177 = tpu.memref_slice %arg2[%add3A_176] : memref<320000xi32, #tpu.memory_space<hbm>> -> memref<80xi32, #tpu.memory_space<hbm>>
      %dma_wait3A_178 = tpu.memref_slice %arg2[%add3A_176] : memref<320000xi32, #tpu.memory_space<hbm>> -> memref<80xi32, #tpu.memory_space<hbm>>
      tpu.wait_dma2 semaphore(%arg30 : memref<!tpu.dma_semaphore, #tpu.memory_space<semaphore_mem>>) src(%dma_wait3A_178 : memref<80xi32, #tpu.memory_space<hbm>>) dst(%arg14 : memref<80xi32, #tpu.memory_space<vmem>>)
      %dma_wait3A_179 = tpu.memref_slice %arg4[%add3A_176] : memref<320000xi32, #tpu.memory_space<hbm>> -> memref<80xi32, #tpu.memory_space<hbm>>
      %dma_wait3A_180 = tpu.memref_slice %arg4[%add3A_176] : memref<320000xi32, #tpu.memory_space<hbm>> -> memref<80xi32, #tpu.memory_space<hbm>>
      tpu.wait_dma2 semaphore(%arg30 : memref<!tpu.dma_semaphore, #tpu.memory_space<semaphore_mem>>) src(%dma_wait3A_180 : memref<80xi32, #tpu.memory_space<hbm>>) dst(%arg20 : memref<80xi32, #tpu.memory_space<vmem>>)
      %dma_start3A_181 = arith.constant 0 : i32
      %dma_start3A_182 = arith.constant 0 : i32
      %dma_start3A_183 = tpu.memref_slice %arg12[%dma_start3A_181, %dma_start3A_182] : memref<10000x128xbf16, #tpu.memory_space<vmem_shared>> -> memref<10000x128xbf16, #tpu.memory_space<vmem_shared>>
      tpu.enqueue_indirect_dma source(%dma_start3A_183 : memref<10000x128xbf16, #tpu.memory_space<vmem_shared>>) target(%arg23 : memref<80x128xbf16, #tpu.memory_space<vmem>>) offsets(%arg14 : memref<80xi32, #tpu.memory_space<vmem>>) semaphore(%arg36 : memref<!tpu.dma_semaphore, #tpu.memory_space<semaphore_mem>>)
      %dma_start3A_184 = arith.constant 0 : i32
      %dma_start3A_185 = arith.constant 0 : i32
      %dma_start3A_186 = tpu.memref_slice %arg9[%dma_start3A_184, %dma_start3A_185] : memref<32x128xbf16, #tpu.memory_space<vmem_shared>> -> memref<32x128xbf16, #tpu.memory_space<vmem_shared>>
      tpu.enqueue_indirect_dma source(%dma_start3A_186 : memref<32x128xbf16, #tpu.memory_space<vmem_shared>>) target(%arg26 : memref<80x128xbf16, #tpu.memory_space<vmem>>) offsets(%arg20 : memref<80xi32, #tpu.memory_space<vmem>>) semaphore(%arg39 : memref<!tpu.dma_semaphore, #tpu.memory_space<semaphore_mem>>)
      %dma_wait3A_187 = arith.constant 0 : i32
      %dma_wait3A_188 = arith.constant 0 : i32
      %dma_wait3A_189 = tpu.memref_slice %arg12[%dma_wait3A_187, %dma_wait3A_188] : memref<10000x128xbf16, #tpu.memory_space<vmem_shared>> -> memref<10000x128xbf16, #tpu.memory_space<vmem_shared>>
      tpu.wait_indirect_dma semaphore(%arg35 : memref<!tpu.dma_semaphore, #tpu.memory_space<semaphore_mem>>) src(%dma_wait3A_189 : memref<10000x128xbf16, #tpu.memory_space<vmem_shared>>) dst(%arg22 : memref<80x128xbf16, #tpu.memory_space<vmem>>)
      %dma_wait3A_190 = arith.constant 0 : i32
      %dma_wait3A_191 = arith.constant 0 : i32
      %dma_wait3A_192 = tpu.memref_slice %arg9[%dma_wait3A_190, %dma_wait3A_191] : memref<32x128xbf16, #tpu.memory_space<vmem_shared>> -> memref<32x128xbf16, #tpu.memory_space<vmem_shared>>
      tpu.wait_indirect_dma semaphore(%arg38 : memref<!tpu.dma_semaphore, #tpu.memory_space<semaphore_mem>>) src(%dma_wait3A_192 : memref<32x128xbf16, #tpu.memory_space<vmem_shared>>) dst(%arg25 : memref<80x128xbf16, #tpu.memory_space<vmem>>)
      %parallel_loop3A_193 = arith.constant 0 : i32
      %parallel_loop3A_194 = arith.constant 80 : i32
      %parallel_loop3A_195 = arith.constant 1 : i32
      scf.for %parallel_loop3A_336 = %parallel_loop3A_193 to %parallel_loop3A_194 step %parallel_loop3A_195  : i32 {
        %parallel_loop3A_337 = arith.index_cast %parallel_loop3A_336 : i32 to index
        %parallel_loop3A_338 = arith.constant 0 : index
        %parallel_loop3A_339 = tpu.vector_load %arg22[%parallel_loop3A_337, %parallel_loop3A_338] {strides = array<i32>} : memref<80x128xbf16, #tpu.memory_space<vmem>>, vector<1x32xbf16>,
        %parallel_loop3A_340 = vector.shape_cast %parallel_loop3A_339 : vector<1x32xbf16> to vector<32xbf16>
        %parallel_loop3A_341 = arith.index_cast %parallel_loop3A_336 : i32 to index
        %parallel_loop3A_342 = arith.constant 0 : index
        %parallel_loop3A_343 = tpu.vector_load %arg25[%parallel_loop3A_341, %parallel_loop3A_342] {strides = array<i32>} : memref<80x128xbf16, #tpu.memory_space<vmem>>, vector<1x32xbf16>,
        %parallel_loop3A_344 = vector.shape_cast %parallel_loop3A_343 : vector<1x32xbf16> to vector<32xbf16>
        %parallel_loop3A_345 = arith.mulf %parallel_loop3A_340, %parallel_loop3A_344 : vector<32xbf16>
        %parallel_loop3A_346 = arith.index_cast %parallel_loop3A_336 : i32 to index
        %parallel_loop3A_347 = arith.constant 0 : index
        %parallel_loop3A_348 = tpu.vector_load %arg22[%parallel_loop3A_346, %parallel_loop3A_347] {strides = array<i32>} : memref<80x128xbf16, #tpu.memory_space<vmem>>, vector<1x32xbf16>,
        %parallel_loop3A_349 = vector.shape_cast %parallel_loop3A_348 : vector<1x32xbf16> to vector<32xbf16>
        %parallel_loop3A_350 = vector.shape_cast %parallel_loop3A_345 : vector<32xbf16> to vector<1x32xbf16>
        tpu.vector_store %arg22[%parallel_loop3A_346, %parallel_loop3A_347], %parallel_loop3A_350 {strides = array<i32>} : memref<80x128xbf16, #tpu.memory_space<vmem>>, vector<1x32xbf16>,
        %parallel_loop3A_351 = arith.index_cast %parallel_loop3A_336 : i32 to index
        %parallel_loop3A_352 = arith.constant 32 : index
        %parallel_loop3A_353 = tpu.vector_load %arg22[%parallel_loop3A_351, %parallel_loop3A_352] {strides = array<i32>} : memref<80x128xbf16, #tpu.memory_space<vmem>>, vector<1x32xbf16>,
        %parallel_loop3A_354 = vector.shape_cast %parallel_loop3A_353 : vector<1x32xbf16> to vector<32xbf16>
        %parallel_loop3A_355 = arith.index_cast %parallel_loop3A_336 : i32 to index
        %parallel_loop3A_356 = arith.constant 32 : index
        %parallel_loop3A_357 = tpu.vector_load %arg25[%parallel_loop3A_355, %parallel_loop3A_356] {strides = array<i32>} : memref<80x128xbf16, #tpu.memory_space<vmem>>, vector<1x32xbf16>,
        %parallel_loop3A_358 = vector.shape_cast %parallel_loop3A_357 : vector<1x32xbf16> to vector<32xbf16>
        %parallel_loop3A_359 = arith.mulf %parallel_loop3A_354, %parallel_loop3A_358 : vector<32xbf16>
        %parallel_loop3A_360 = arith.index_cast %parallel_loop3A_336 : i32 to index
        %parallel_loop3A_361 = arith.constant 32 : index
        %parallel_loop3A_362 = tpu.vector_load %arg22[%parallel_loop3A_360, %parallel_loop3A_361] {strides = array<i32>} : memref<80x128xbf16, #tpu.memory_space<vmem>>, vector<1x32xbf16>,
        %parallel_loop3A_363 = vector.shape_cast %parallel_loop3A_362 : vector<1x32xbf16> to vector<32xbf16>
        %parallel_loop3A_364 = vector.shape_cast %parallel_loop3A_359 : vector<32xbf16> to vector<1x32xbf16>
        tpu.vector_store %arg22[%parallel_loop3A_360, %parallel_loop3A_361], %parallel_loop3A_364 {strides = array<i32>} : memref<80x128xbf16, #tpu.memory_space<vmem>>, vector<1x32xbf16>,
        %parallel_loop3A_365 = arith.index_cast %parallel_loop3A_336 : i32 to index
        %parallel_loop3A_366 = arith.constant 64 : index
        %parallel_loop3A_367 = tpu.vector_load %arg22[%parallel_loop3A_365, %parallel_loop3A_366] {strides = array<i32>} : memref<80x128xbf16, #tpu.memory_space<vmem>>, vector<1x32xbf16>,
        %parallel_loop3A_368 = vector.shape_cast %parallel_loop3A_367 : vector<1x32xbf16> to vector<32xbf16>
        %parallel_loop3A_369 = arith.index_cast %parallel_loop3A_336 : i32 to index
        %parallel_loop3A_370 = arith.constant 64 : index
        %parallel_loop3A_371 = tpu.vector_load %arg25[%parallel_loop3A_369, %parallel_loop3A_370] {strides = array<i32>} : memref<80x128xbf16, #tpu.memory_space<vmem>>, vector<1x32xbf16>,
        %parallel_loop3A_372 = vector.shape_cast %parallel_loop3A_371 : vector<1x32xbf16> to vector<32xbf16>
        %parallel_loop3A_373 = arith.mulf %parallel_loop3A_368, %parallel_loop3A_372 : vector<32xbf16>
        %parallel_loop3A_374 = arith.index_cast %parallel_loop3A_336 : i32 to index
        %parallel_loop3A_375 = arith.constant 64 : index
        %parallel_loop3A_376 = tpu.vector_load %arg22[%parallel_loop3A_374, %parallel_loop3A_375] {strides = array<i32>} : memref<80x128xbf16, #tpu.memory_space<vmem>>, vector<1x32xbf16>,
        %parallel_loop3A_377 = vector.shape_cast %parallel_loop3A_376 : vector<1x32xbf16> to vector<32xbf16>
        %parallel_loop3A_378 = vector.shape_cast %parallel_loop3A_373 : vector<32xbf16> to vector<1x32xbf16>
        tpu.vector_store %arg22[%parallel_loop3A_374, %parallel_loop3A_375], %parallel_loop3A_378 {strides = array<i32>} : memref<80x128xbf16, #tpu.memory_space<vmem>>, vector<1x32xbf16>,
        %parallel_loop3A_379 = arith.index_cast %parallel_loop3A_336 : i32 to index
        %parallel_loop3A_380 = arith.constant 96 : index
        %parallel_loop3A_381 = tpu.vector_load %arg22[%parallel_loop3A_379, %parallel_loop3A_380] {strides = array<i32>} : memref<80x128xbf16, #tpu.memory_space<vmem>>, vector<1x32xbf16>,
        %parallel_loop3A_382 = vector.shape_cast %parallel_loop3A_381 : vector<1x32xbf16> to vector<32xbf16>
        %parallel_loop3A_383 = arith.index_cast %parallel_loop3A_336 : i32 to index
        %parallel_loop3A_384 = arith.constant 96 : index
        %parallel_loop3A_385 = tpu.vector_load %arg25[%parallel_loop3A_383, %parallel_loop3A_384] {strides = array<i32>} : memref<80x128xbf16, #tpu.memory_space<vmem>>, vector<1x32xbf16>,
        %parallel_loop3A_386 = vector.shape_cast %parallel_loop3A_385 : vector<1x32xbf16> to vector<32xbf16>
        %parallel_loop3A_387 = arith.mulf %parallel_loop3A_382, %parallel_loop3A_386 : vector<32xbf16>
        %parallel_loop3A_388 = arith.index_cast %parallel_loop3A_336 : i32 to index
        %parallel_loop3A_389 = arith.constant 96 : index
        %parallel_loop3A_390 = tpu.vector_load %arg22[%parallel_loop3A_388, %parallel_loop3A_389] {strides = array<i32>} : memref<80x128xbf16, #tpu.memory_space<vmem>>, vector<1x32xbf16>,
        %parallel_loop3A_391 = vector.shape_cast %parallel_loop3A_390 : vector<1x32xbf16> to vector<32xbf16>
        %parallel_loop3A_392 = vector.shape_cast %parallel_loop3A_387 : vector<32xbf16> to vector<1x32xbf16>
        tpu.vector_store %arg22[%parallel_loop3A_388, %parallel_loop3A_389], %parallel_loop3A_392 {strides = array<i32>} : memref<80x128xbf16, #tpu.memory_space<vmem>>, vector<1x32xbf16>,
      } {sc.loop_unroll_factor = 2 : i64, sc.parallel_access}
      %ge3A_196 = arith.constant 1 : i32
      %ge3A_197 = arith.cmpi sge, %add3A_160, %ge3A_196 : i32
      %convert_element_type3A_198 = arith.extui %ge3A_197 : i1 to i32
      %cond3A_199 = arith.constant 0 : i32
      %cond3A_200 = arith.cmpi ne, %convert_element_type3A_198, %cond3A_199 : i32
      scf.if %cond3A_200 {
        %mul3A_336 = arith.constant 80 : i32
        %mul3A_337 = arith.muli %add3A_160, %mul3A_336 : i32
        %add3A_338 = arith.addi %mul3A_2, %mul3A_337 : i32
        %dma_wait3A_339 = tpu.memref_slice %arg3[%add3A_338] : memref<320000xi32, #tpu.memory_space<hbm>> -> memref<80xi32, #tpu.memory_space<hbm>>
        %dma_wait3A_340 = tpu.memref_slice %arg3[%add3A_338] : memref<320000xi32, #tpu.memory_space<hbm>> -> memref<80xi32, #tpu.memory_space<hbm>>
        tpu.wait_dma2 semaphore(%arg32 : memref<!tpu.dma_semaphore, #tpu.memory_space<semaphore_mem>>) src(%dma_wait3A_340 : memref<80xi32, #tpu.memory_space<hbm>>) dst(%arg16 : memref<80xi32, #tpu.memory_space<vmem>>)
      } else {
      }
      %dma_start3A_201 = arith.constant 0 : i32
      %dma_start3A_202 = arith.constant 0 : i32
      %dma_start3A_203 = tpu.memref_slice %arg10[%dma_start3A_201, %dma_start3A_202] : memref<10000x128xbf16, #tpu.memory_space<vmem_shared>> -> memref<10000x128xbf16, #tpu.memory_space<vmem_shared>>
      tpu.enqueue_indirect_dma source(%arg22 : memref<80x128xbf16, #tpu.memory_space<vmem>>) target(%dma_start3A_203 : memref<10000x128xbf16, #tpu.memory_space<vmem_shared>>) offsets(%arg16 : memref<80xi32, #tpu.memory_space<vmem>>) semaphore(%arg41 : memref<!tpu.dma_semaphore, #tpu.memory_space<semaphore_mem>>) {add = true}
      %dma_start3A_204 = arith.constant 0 : i32
      %dma_start3A_205 = arith.constant 0 : i32
      %dma_start3A_206 = tpu.memref_slice %arg11[%dma_start3A_204, %dma_start3A_205] : memref<10000x16xf32, #tpu.memory_space<vmem_shared>> -> memref<10000x16xf32, #tpu.memory_space<vmem_shared>>
      tpu.enqueue_indirect_dma source(%arg28 : memref<80x16xf32, #tpu.memory_space<vmem>>) target(%dma_start3A_206 : memref<10000x16xf32, #tpu.memory_space<vmem_shared>>) offsets(%arg16 : memref<80xi32, #tpu.memory_space<vmem>>) semaphore(%arg44 : memref<!tpu.dma_semaphore, #tpu.memory_space<semaphore_mem>>) {add = true}
      %add3A_207 = arith.constant 2 : i32
      %add3A_208 = arith.addi %add3A_160, %add3A_207 : i32
      %mul3A_209 = arith.constant 80 : i32
      %mul3A_210 = arith.muli %add3A_208, %mul3A_209 : i32
      %add3A_211 = arith.addi %mul3A_2, %mul3A_210 : i32
      %dma_start3A_212 = tpu.memref_slice %arg2[%add3A_211] : memref<320000xi32, #tpu.memory_space<hbm>> -> memref<80xi32, #tpu.memory_space<hbm>>
      %dma_start3A_213 = tpu.memref_slice %arg2[%add3A_211] : memref<320000xi32, #tpu.memory_space<hbm>> -> memref<80xi32, #tpu.memory_space<hbm>>
      tpu.enqueue_dma source(%dma_start3A_213 : memref<80xi32, #tpu.memory_space<hbm>>) target(%arg15 : memref<80xi32, #tpu.memory_space<vmem>>) target_semaphore(%arg31 : memref<!tpu.dma_semaphore, #tpu.memory_space<semaphore_mem>>)
      %dma_start3A_214 = tpu.memref_slice %arg4[%add3A_211] : memref<320000xi32, #tpu.memory_space<hbm>> -> memref<80xi32, #tpu.memory_space<hbm>>
      %dma_start3A_215 = tpu.memref_slice %arg4[%add3A_211] : memref<320000xi32, #tpu.memory_space<hbm>> -> memref<80xi32, #tpu.memory_space<hbm>>
      tpu.enqueue_dma source(%dma_start3A_215 : memref<80xi32, #tpu.memory_space<hbm>>) target(%arg21 : memref<80xi32, #tpu.memory_space<vmem>>) target_semaphore(%arg31 : memref<!tpu.dma_semaphore, #tpu.memory_space<semaphore_mem>>)
      %mul3A_216 = arith.constant 3 : i32
      %mul3A_217 = arith.muli %mul3A_216, %scan3A_156 : i32
      %add3A_218 = arith.constant 1 : i32
      %add3A_219 = arith.addi %mul3A_217, %add3A_218 : i32
      %ge3A_220 = arith.constant 2 : i32
      %ge3A_221 = arith.cmpi sge, %add3A_219, %ge3A_220 : i32
      %convert_element_type3A_222 = arith.extui %ge3A_221 : i1 to i32
      %cond3A_223 = arith.constant 0 : i32
      %cond3A_224 = arith.cmpi ne, %convert_element_type3A_222, %cond3A_223 : i32
      scf.if %cond3A_224 {
        %dma_wait3A_336 = arith.constant 0 : i32
        %dma_wait3A_337 = arith.constant 0 : i32
        %dma_wait3A_338 = tpu.memref_slice %arg10[%dma_wait3A_336, %dma_wait3A_337] : memref<10000x128xbf16, #tpu.memory_space<vmem_shared>> -> memref<10000x128xbf16, #tpu.memory_space<vmem_shared>>
        tpu.wait_indirect_dma semaphore(%arg43 : memref<!tpu.dma_semaphore, #tpu.memory_space<semaphore_mem>>) src(%arg24 : memref<80x128xbf16, #tpu.memory_space<vmem>>) dst(%dma_wait3A_338 : memref<10000x128xbf16, #tpu.memory_space<vmem_shared>>)
        %dma_wait3A_339 = arith.constant 0 : i32
        %dma_wait3A_340 = arith.constant 0 : i32
        %dma_wait3A_341 = tpu.memref_slice %arg11[%dma_wait3A_339, %dma_wait3A_340] : memref<10000x16xf32, #tpu.memory_space<vmem_shared>> -> memref<10000x16xf32, #tpu.memory_space<vmem_shared>>
        tpu.wait_indirect_dma semaphore(%arg46 : memref<!tpu.dma_semaphore, #tpu.memory_space<semaphore_mem>>) src(%arg28 : memref<80x16xf32, #tpu.memory_space<vmem>>) dst(%dma_wait3A_341 : memref<10000x16xf32, #tpu.memory_space<vmem_shared>>)
      } else {
      }
      %add3A_225 = arith.constant 1 : i32
      %add3A_226 = arith.addi %add3A_219, %add3A_225 : i32
      %mul3A_227 = arith.constant 80 : i32
      %mul3A_228 = arith.muli %add3A_226, %mul3A_227 : i32
      %add3A_229 = arith.addi %mul3A_2, %mul3A_228 : i32
      %dma_start3A_230 = tpu.memref_slice %arg3[%add3A_229] : memref<320000xi32, #tpu.memory_space<hbm>> -> memref<80xi32, #tpu.memory_space<hbm>>
      %dma_start3A_231 = tpu.memref_slice %arg3[%add3A_229] : memref<320000xi32, #tpu.memory_space<hbm>> -> memref<80xi32, #tpu.memory_space<hbm>>
      tpu.enqueue_dma source(%dma_start3A_231 : memref<80xi32, #tpu.memory_space<hbm>>) target(%arg18 : memref<80xi32, #tpu.memory_space<vmem>>) target_semaphore(%arg34 : memref<!tpu.dma_semaphore, #tpu.memory_space<semaphore_mem>>)
      %add3A_232 = arith.constant 1 : i32
      %add3A_233 = arith.addi %add3A_219, %add3A_232 : i32
      %mul3A_234 = arith.constant 80 : i32
      %mul3A_235 = arith.muli %add3A_233, %mul3A_234 : i32
      %add3A_236 = arith.addi %mul3A_2, %mul3A_235 : i32
      %dma_wait3A_237 = tpu.memref_slice %arg2[%add3A_236] : memref<320000xi32, #tpu.memory_space<hbm>> -> memref<80xi32, #tpu.memory_space<hbm>>
      %dma_wait3A_238 = tpu.memref_slice %arg2[%add3A_236] : memref<320000xi32, #tpu.memory_space<hbm>> -> memref<80xi32, #tpu.memory_space<hbm>>
      tpu.wait_dma2 semaphore(%arg31 : memref<!tpu.dma_semaphore, #tpu.memory_space<semaphore_mem>>) src(%dma_wait3A_238 : memref<80xi32, #tpu.memory_space<hbm>>) dst(%arg15 : memref<80xi32, #tpu.memory_space<vmem>>)
      %dma_wait3A_239 = tpu.memref_slice %arg4[%add3A_236] : memref<320000xi32, #tpu.memory_space<hbm>> -> memref<80xi32, #tpu.memory_space<hbm>>
      %dma_wait3A_240 = tpu.memref_slice %arg4[%add3A_236] : memref<320000xi32, #tpu.memory_space<hbm>> -> memref<80xi32, #tpu.memory_space<hbm>>
      tpu.wait_dma2 semaphore(%arg31 : memref<!tpu.dma_semaphore, #tpu.memory_space<semaphore_mem>>) src(%dma_wait3A_240 : memref<80xi32, #tpu.memory_space<hbm>>) dst(%arg21 : memref<80xi32, #tpu.memory_space<vmem>>)
      %dma_start3A_241 = arith.constant 0 : i32
      %dma_start3A_242 = arith.constant 0 : i32
      %dma_start3A_243 = tpu.memref_slice %arg12[%dma_start3A_241, %dma_start3A_242] : memref<10000x128xbf16, #tpu.memory_space<vmem_shared>> -> memref<10000x128xbf16, #tpu.memory_space<vmem_shared>>
      tpu.enqueue_indirect_dma source(%dma_start3A_243 : memref<10000x128xbf16, #tpu.memory_space<vmem_shared>>) target(%arg24 : memref<80x128xbf16, #tpu.memory_space<vmem>>) offsets(%arg15 : memref<80xi32, #tpu.memory_space<vmem>>) semaphore(%arg37 : memref<!tpu.dma_semaphore, #tpu.memory_space<semaphore_mem>>)
      %dma_start3A_244 = arith.constant 0 : i32
      %dma_start3A_245 = arith.constant 0 : i32
      %dma_start3A_246 = tpu.memref_slice %arg9[%dma_start3A_244, %dma_start3A_245] : memref<32x128xbf16, #tpu.memory_space<vmem_shared>> -> memref<32x128xbf16, #tpu.memory_space<vmem_shared>>
      tpu.enqueue_indirect_dma source(%dma_start3A_246 : memref<32x128xbf16, #tpu.memory_space<vmem_shared>>) target(%arg27 : memref<80x128xbf16, #tpu.memory_space<vmem>>) offsets(%arg21 : memref<80xi32, #tpu.memory_space<vmem>>) semaphore(%arg40 : memref<!tpu.dma_semaphore, #tpu.memory_space<semaphore_mem>>)
      %dma_wait3A_247 = arith.constant 0 : i32
      %dma_wait3A_248 = arith.constant 0 : i32
      %dma_wait3A_249 = tpu.memref_slice %arg12[%dma_wait3A_247, %dma_wait3A_248] : memref<10000x128xbf16, #tpu.memory_space<vmem_shared>> -> memref<10000x128xbf16, #tpu.memory_space<vmem_shared>>
      tpu.wait_indirect_dma semaphore(%arg36 : memref<!tpu.dma_semaphore, #tpu.memory_space<semaphore_mem>>) src(%dma_wait3A_249 : memref<10000x128xbf16, #tpu.memory_space<vmem_shared>>) dst(%arg23 : memref<80x128xbf16, #tpu.memory_space<vmem>>)
      %dma_wait3A_250 = arith.constant 0 : i32
      %dma_wait3A_251 = arith.constant 0 : i32
      %dma_wait3A_252 = tpu.memref_slice %arg9[%dma_wait3A_250, %dma_wait3A_251] : memref<32x128xbf16, #tpu.memory_space<vmem_shared>> -> memref<32x128xbf16, #tpu.memory_space<vmem_shared>>
      tpu.wait_indirect_dma semaphore(%arg39 : memref<!tpu.dma_semaphore, #tpu.memory_space<semaphore_mem>>) src(%dma_wait3A_252 : memref<32x128xbf16, #tpu.memory_space<vmem_shared>>) dst(%arg26 : memref<80x128xbf16, #tpu.memory_space<vmem>>)
      %parallel_loop3A_253 = arith.constant 0 : i32
      %parallel_loop3A_254 = arith.constant 80 : i32
      %parallel_loop3A_255 = arith.constant 1 : i32
      scf.for %parallel_loop3A_336 = %parallel_loop3A_253 to %parallel_loop3A_254 step %parallel_loop3A_255  : i32 {
        %parallel_loop3A_337 = arith.index_cast %parallel_loop3A_336 : i32 to index
        %parallel_loop3A_338 = arith.constant 0 : index
        %parallel_loop3A_339 = tpu.vector_load %arg23[%parallel_loop3A_337, %parallel_loop3A_338] {strides = array<i32>} : memref<80x128xbf16, #tpu.memory_space<vmem>>, vector<1x32xbf16>,
        %parallel_loop3A_340 = vector.shape_cast %parallel_loop3A_339 : vector<1x32xbf16> to vector<32xbf16>
        %parallel_loop3A_341 = arith.index_cast %parallel_loop3A_336 : i32 to index
        %parallel_loop3A_342 = arith.constant 0 : index
        %parallel_loop3A_343 = tpu.vector_load %arg26[%parallel_loop3A_341, %parallel_loop3A_342] {strides = array<i32>} : memref<80x128xbf16, #tpu.memory_space<vmem>>, vector<1x32xbf16>,
        %parallel_loop3A_344 = vector.shape_cast %parallel_loop3A_343 : vector<1x32xbf16> to vector<32xbf16>
        %parallel_loop3A_345 = arith.mulf %parallel_loop3A_340, %parallel_loop3A_344 : vector<32xbf16>
        %parallel_loop3A_346 = arith.index_cast %parallel_loop3A_336 : i32 to index
        %parallel_loop3A_347 = arith.constant 0 : index
        %parallel_loop3A_348 = tpu.vector_load %arg23[%parallel_loop3A_346, %parallel_loop3A_347] {strides = array<i32>} : memref<80x128xbf16, #tpu.memory_space<vmem>>, vector<1x32xbf16>,
        %parallel_loop3A_349 = vector.shape_cast %parallel_loop3A_348 : vector<1x32xbf16> to vector<32xbf16>
        %parallel_loop3A_350 = vector.shape_cast %parallel_loop3A_345 : vector<32xbf16> to vector<1x32xbf16>
        tpu.vector_store %arg23[%parallel_loop3A_346, %parallel_loop3A_347], %parallel_loop3A_350 {strides = array<i32>} : memref<80x128xbf16, #tpu.memory_space<vmem>>, vector<1x32xbf16>,
        %parallel_loop3A_351 = arith.index_cast %parallel_loop3A_336 : i32 to index
        %parallel_loop3A_352 = arith.constant 32 : index
        %parallel_loop3A_353 = tpu.vector_load %arg23[%parallel_loop3A_351, %parallel_loop3A_352] {strides = array<i32>} : memref<80x128xbf16, #tpu.memory_space<vmem>>, vector<1x32xbf16>,
        %parallel_loop3A_354 = vector.shape_cast %parallel_loop3A_353 : vector<1x32xbf16> to vector<32xbf16>
        %parallel_loop3A_355 = arith.index_cast %parallel_loop3A_336 : i32 to index
        %parallel_loop3A_356 = arith.constant 32 : index
        %parallel_loop3A_357 = tpu.vector_load %arg26[%parallel_loop3A_355, %parallel_loop3A_356] {strides = array<i32>} : memref<80x128xbf16, #tpu.memory_space<vmem>>, vector<1x32xbf16>,
        %parallel_loop3A_358 = vector.shape_cast %parallel_loop3A_357 : vector<1x32xbf16> to vector<32xbf16>
        %parallel_loop3A_359 = arith.mulf %parallel_loop3A_354, %parallel_loop3A_358 : vector<32xbf16>
        %parallel_loop3A_360 = arith.index_cast %parallel_loop3A_336 : i32 to index
        %parallel_loop3A_361 = arith.constant 32 : index
        %parallel_loop3A_362 = tpu.vector_load %arg23[%parallel_loop3A_360, %parallel_loop3A_361] {strides = array<i32>} : memref<80x128xbf16, #tpu.memory_space<vmem>>, vector<1x32xbf16>,
        %parallel_loop3A_363 = vector.shape_cast %parallel_loop3A_362 : vector<1x32xbf16> to vector<32xbf16>
        %parallel_loop3A_364 = vector.shape_cast %parallel_loop3A_359 : vector<32xbf16> to vector<1x32xbf16>
        tpu.vector_store %arg23[%parallel_loop3A_360, %parallel_loop3A_361], %parallel_loop3A_364 {strides = array<i32>} : memref<80x128xbf16, #tpu.memory_space<vmem>>, vector<1x32xbf16>,
        %parallel_loop3A_365 = arith.index_cast %parallel_loop3A_336 : i32 to index
        %parallel_loop3A_366 = arith.constant 64 : index
        %parallel_loop3A_367 = tpu.vector_load %arg23[%parallel_loop3A_365, %parallel_loop3A_366] {strides = array<i32>} : memref<80x128xbf16, #tpu.memory_space<vmem>>, vector<1x32xbf16>,
        %parallel_loop3A_368 = vector.shape_cast %parallel_loop3A_367 : vector<1x32xbf16> to vector<32xbf16>
        %parallel_loop3A_369 = arith.index_cast %parallel_loop3A_336 : i32 to index
        %parallel_loop3A_370 = arith.constant 64 : index
        %parallel_loop3A_371 = tpu.vector_load %arg26[%parallel_loop3A_369, %parallel_loop3A_370] {strides = array<i32>} : memref<80x128xbf16, #tpu.memory_space<vmem>>, vector<1x32xbf16>,
        %parallel_loop3A_372 = vector.shape_cast %parallel_loop3A_371 : vector<1x32xbf16> to vector<32xbf16>
        %parallel_loop3A_373 = arith.mulf %parallel_loop3A_368, %parallel_loop3A_372 : vector<32xbf16>
        %parallel_loop3A_374 = arith.index_cast %parallel_loop3A_336 : i32 to index
        %parallel_loop3A_375 = arith.constant 64 : index
        %parallel_loop3A_376 = tpu.vector_load %arg23[%parallel_loop3A_374, %parallel_loop3A_375] {strides = array<i32>} : memref<80x128xbf16, #tpu.memory_space<vmem>>, vector<1x32xbf16>,
        %parallel_loop3A_377 = vector.shape_cast %parallel_loop3A_376 : vector<1x32xbf16> to vector<32xbf16>
        %parallel_loop3A_378 = vector.shape_cast %parallel_loop3A_373 : vector<32xbf16> to vector<1x32xbf16>
        tpu.vector_store %arg23[%parallel_loop3A_374, %parallel_loop3A_375], %parallel_loop3A_378 {strides = array<i32>} : memref<80x128xbf16, #tpu.memory_space<vmem>>, vector<1x32xbf16>,
        %parallel_loop3A_379 = arith.index_cast %parallel_loop3A_336 : i32 to index
        %parallel_loop3A_380 = arith.constant 96 : index
        %parallel_loop3A_381 = tpu.vector_load %arg23[%parallel_loop3A_379, %parallel_loop3A_380] {strides = array<i32>} : memref<80x128xbf16, #tpu.memory_space<vmem>>, vector<1x32xbf16>,
        %parallel_loop3A_382 = vector.shape_cast %parallel_loop3A_381 : vector<1x32xbf16> to vector<32xbf16>
        %parallel_loop3A_383 = arith.index_cast %parallel_loop3A_336 : i32 to index
        %parallel_loop3A_384 = arith.constant 96 : index
        %parallel_loop3A_385 = tpu.vector_load %arg26[%parallel_loop3A_383, %parallel_loop3A_384] {strides = array<i32>} : memref<80x128xbf16, #tpu.memory_space<vmem>>, vector<1x32xbf16>,
        %parallel_loop3A_386 = vector.shape_cast %parallel_loop3A_385 : vector<1x32xbf16> to vector<32xbf16>
        %parallel_loop3A_387 = arith.mulf %parallel_loop3A_382, %parallel_loop3A_386 : vector<32xbf16>
        %parallel_loop3A_388 = arith.index_cast %parallel_loop3A_336 : i32 to index
        %parallel_loop3A_389 = arith.constant 96 : index
        %parallel_loop3A_390 = tpu.vector_load %arg23[%parallel_loop3A_388, %parallel_loop3A_389] {strides = array<i32>} : memref<80x128xbf16, #tpu.memory_space<vmem>>, vector<1x32xbf16>,
        %parallel_loop3A_391 = vector.shape_cast %parallel_loop3A_390 : vector<1x32xbf16> to vector<32xbf16>
        %parallel_loop3A_392 = vector.shape_cast %parallel_loop3A_387 : vector<32xbf16> to vector<1x32xbf16>
        tpu.vector_store %arg23[%parallel_loop3A_388, %parallel_loop3A_389], %parallel_loop3A_392 {strides = array<i32>} : memref<80x128xbf16, #tpu.memory_space<vmem>>, vector<1x32xbf16>,
      } {sc.loop_unroll_factor = 2 : i64, sc.parallel_access}
      %ge3A_256 = arith.constant 1 : i32
      %ge3A_257 = arith.cmpi sge, %add3A_219, %ge3A_256 : i32
      %convert_element_type3A_258 = arith.extui %ge3A_257 : i1 to i32
      %cond3A_259 = arith.constant 0 : i32
      %cond3A_260 = arith.cmpi ne, %convert_element_type3A_258, %cond3A_259 : i32
      scf.if %cond3A_260 {
        %mul3A_336 = arith.constant 80 : i32
        %mul3A_337 = arith.muli %add3A_219, %mul3A_336 : i32
        %add3A_338 = arith.addi %mul3A_2, %mul3A_337 : i32
        %dma_wait3A_339 = tpu.memref_slice %arg3[%add3A_338] : memref<320000xi32, #tpu.memory_space<hbm>> -> memref<80xi32, #tpu.memory_space<hbm>>
        %dma_wait3A_340 = tpu.memref_slice %arg3[%add3A_338] : memref<320000xi32, #tpu.memory_space<hbm>> -> memref<80xi32, #tpu.memory_space<hbm>>
        tpu.wait_dma2 semaphore(%arg33 : memref<!tpu.dma_semaphore, #tpu.memory_space<semaphore_mem>>) src(%dma_wait3A_340 : memref<80xi32, #tpu.memory_space<hbm>>) dst(%arg17 : memref<80xi32, #tpu.memory_space<vmem>>)
      } else {
      }
      %dma_start3A_261 = arith.constant 0 : i32
      %dma_start3A_262 = arith.constant 0 : i32
      %dma_start3A_263 = tpu.memref_slice %arg10[%dma_start3A_261, %dma_start3A_262] : memref<10000x128xbf16, #tpu.memory_space<vmem_shared>> -> memref<10000x128xbf16, #tpu.memory_space<vmem_shared>>
      tpu.enqueue_indirect_dma source(%arg23 : memref<80x128xbf16, #tpu.memory_space<vmem>>) target(%dma_start3A_263 : memref<10000x128xbf16, #tpu.memory_space<vmem_shared>>) offsets(%arg17 : memref<80xi32, #tpu.memory_space<vmem>>) semaphore(%arg42 : memref<!tpu.dma_semaphore, #tpu.memory_space<semaphore_mem>>) {add = true}
      %dma_start3A_264 = arith.constant 0 : i32
      %dma_start3A_265 = arith.constant 0 : i32
      %dma_start3A_266 = tpu.memref_slice %arg11[%dma_start3A_264, %dma_start3A_265] : memref<10000x16xf32, #tpu.memory_space<vmem_shared>> -> memref<10000x16xf32, #tpu.memory_space<vmem_shared>>
      tpu.enqueue_indirect_dma source(%arg28 : memref<80x16xf32, #tpu.memory_space<vmem>>) target(%dma_start3A_266 : memref<10000x16xf32, #tpu.memory_space<vmem_shared>>) offsets(%arg17 : memref<80xi32, #tpu.memory_space<vmem>>) semaphore(%arg45 : memref<!tpu.dma_semaphore, #tpu.memory_space<semaphore_mem>>) {add = true}
      %add3A_267 = arith.constant 2 : i32
      %add3A_268 = arith.addi %add3A_219, %add3A_267 : i32
      %mul3A_269 = arith.constant 80 : i32
      %mul3A_270 = arith.muli %add3A_268, %mul3A_269 : i32
      %add3A_271 = arith.addi %mul3A_2, %mul3A_270 : i32
      %dma_start3A_272 = tpu.memref_slice %arg2[%add3A_271] : memref<320000xi32, #tpu.memory_space<hbm>> -> memref<80xi32, #tpu.memory_space<hbm>>
      %dma_start3A_273 = tpu.memref_slice %arg2[%add3A_271] : memref<320000xi32, #tpu.memory_space<hbm>> -> memref<80xi32, #tpu.memory_space<hbm>>
      tpu.enqueue_dma source(%dma_start3A_273 : memref<80xi32, #tpu.memory_space<hbm>>) target(%arg13 : memref<80xi32, #tpu.memory_space<vmem>>) target_semaphore(%arg29 : memref<!tpu.dma_semaphore, #tpu.memory_space<semaphore_mem>>)
      %dma_start3A_274 = tpu.memref_slice %arg4[%add3A_271] : memref<320000xi32, #tpu.memory_space<hbm>> -> memref<80xi32, #tpu.memory_space<hbm>>
      %dma_start3A_275 = tpu.memref_slice %arg4[%add3A_271] : memref<320000xi32, #tpu.memory_space<hbm>> -> memref<80xi32, #tpu.memory_space<hbm>>
      tpu.enqueue_dma source(%dma_start3A_275 : memref<80xi32, #tpu.memory_space<hbm>>) target(%arg19 : memref<80xi32, #tpu.memory_space<vmem>>) target_semaphore(%arg29 : memref<!tpu.dma_semaphore, #tpu.memory_space<semaphore_mem>>)
      %mul3A_276 = arith.constant 3 : i32
      %mul3A_277 = arith.muli %mul3A_276, %scan3A_156 : i32
      %add3A_278 = arith.constant 2 : i32
      %add3A_279 = arith.addi %mul3A_277, %add3A_278 : i32
      %ge3A_280 = arith.constant 2 : i32
      %ge3A_281 = arith.cmpi sge, %add3A_279, %ge3A_280 : i32
      %convert_element_type3A_282 = arith.extui %ge3A_281 : i1 to i32
      %cond3A_283 = arith.constant 0 : i32
      %cond3A_284 = arith.cmpi ne, %convert_element_type3A_282, %cond3A_283 : i32
      scf.if %cond3A_284 {
        %dma_wait3A_336 = arith.constant 0 : i32
        %dma_wait3A_337 = arith.constant 0 : i32
        %dma_wait3A_338 = tpu.memref_slice %arg10[%dma_wait3A_336, %dma_wait3A_337] : memref<10000x128xbf16, #tpu.memory_space<vmem_shared>> -> memref<10000x128xbf16, #tpu.memory_space<vmem_shared>>
        tpu.wait_indirect_dma semaphore(%arg41 : memref<!tpu.dma_semaphore, #tpu.memory_space<semaphore_mem>>) src(%arg22 : memref<80x128xbf16, #tpu.memory_space<vmem>>) dst(%dma_wait3A_338 : memref<10000x128xbf16, #tpu.memory_space<vmem_shared>>)
        %dma_wait3A_339 = arith.constant 0 : i32
        %dma_wait3A_340 = arith.constant 0 : i32
        %dma_wait3A_341 = tpu.memref_slice %arg11[%dma_wait3A_339, %dma_wait3A_340] : memref<10000x16xf32, #tpu.memory_space<vmem_shared>> -> memref<10000x16xf32, #tpu.memory_space<vmem_shared>>
        tpu.wait_indirect_dma semaphore(%arg44 : memref<!tpu.dma_semaphore, #tpu.memory_space<semaphore_mem>>) src(%arg28 : memref<80x16xf32, #tpu.memory_space<vmem>>) dst(%dma_wait3A_341 : memref<10000x16xf32, #tpu.memory_space<vmem_shared>>)
      } else {
      }
      %add3A_285 = arith.constant 1 : i32
      %add3A_286 = arith.addi %add3A_279, %add3A_285 : i32
      %mul3A_287 = arith.constant 80 : i32
      %mul3A_288 = arith.muli %add3A_286, %mul3A_287 : i32
      %add3A_289 = arith.addi %mul3A_2, %mul3A_288 : i32
      %dma_start3A_290 = tpu.memref_slice %arg3[%add3A_289] : memref<320000xi32, #tpu.memory_space<hbm>> -> memref<80xi32, #tpu.memory_space<hbm>>
      %dma_start3A_291 = tpu.memref_slice %arg3[%add3A_289] : memref<320000xi32, #tpu.memory_space<hbm>> -> memref<80xi32, #tpu.memory_space<hbm>>
      tpu.enqueue_dma source(%dma_start3A_291 : memref<80xi32, #tpu.memory_space<hbm>>) target(%arg16 : memref<80xi32, #tpu.memory_space<vmem>>) target_semaphore(%arg32 : memref<!tpu.dma_semaphore, #tpu.memory_space<semaphore_mem>>)
      %add3A_292 = arith.constant 1 : i32
      %add3A_293 = arith.addi %add3A_279, %add3A_292 : i32
      %mul3A_294 = arith.constant 80 : i32
      %mul3A_295 = arith.muli %add3A_293, %mul3A_294 : i32
      %add3A_296 = arith.addi %mul3A_2, %mul3A_295 : i32
      %dma_wait3A_297 = tpu.memref_slice %arg2[%add3A_296] : memref<320000xi32, #tpu.memory_space<hbm>> -> memref<80xi32, #tpu.memory_space<hbm>>
      %dma_wait3A_298 = tpu.memref_slice %arg2[%add3A_296] : memref<320000xi32, #tpu.memory_space<hbm>> -> memref<80xi32, #tpu.memory_space<hbm>>
      tpu.wait_dma2 semaphore(%arg29 : memref<!tpu.dma_semaphore, #tpu.memory_space<semaphore_mem>>) src(%dma_wait3A_298 : memref<80xi32, #tpu.memory_space<hbm>>) dst(%arg13 : memref<80xi32, #tpu.memory_space<vmem>>)
      %dma_wait3A_299 = tpu.memref_slice %arg4[%add3A_296] : memref<320000xi32, #tpu.memory_space<hbm>> -> memref<80xi32, #tpu.memory_space<hbm>>
      %dma_wait3A_300 = tpu.memref_slice %arg4[%add3A_296] : memref<320000xi32, #tpu.memory_space<hbm>> -> memref<80xi32, #tpu.memory_space<hbm>>
      tpu.wait_dma2 semaphore(%arg29 : memref<!tpu.dma_semaphore, #tpu.memory_space<semaphore_mem>>) src(%dma_wait3A_300 : memref<80xi32, #tpu.memory_space<hbm>>) dst(%arg19 : memref<80xi32, #tpu.memory_space<vmem>>)
      %dma_start3A_301 = arith.constant 0 : i32
      %dma_start3A_302 = arith.constant 0 : i32
      %dma_start3A_303 = tpu.memref_slice %arg12[%dma_start3A_301, %dma_start3A_302] : memref<10000x128xbf16, #tpu.memory_space<vmem_shared>> -> memref<10000x128xbf16, #tpu.memory_space<vmem_shared>>
      tpu.enqueue_indirect_dma source(%dma_start3A_303 : memref<10000x128xbf16, #tpu.memory_space<vmem_shared>>) target(%arg22 : memref<80x128xbf16, #tpu.memory_space<vmem>>) offsets(%arg13 : memref<80xi32, #tpu.memory_space<vmem>>) semaphore(%arg35 : memref<!tpu.dma_semaphore, #tpu.memory_space<semaphore_mem>>)
      %dma_start3A_304 = arith.constant 0 : i32
      %dma_start3A_305 = arith.constant 0 : i32
      %dma_start3A_306 = tpu.memref_slice %arg9[%dma_start3A_304, %dma_start3A_305] : memref<32x128xbf16, #tpu.memory_space<vmem_shared>> -> memref<32x128xbf16, #tpu.memory_space<vmem_shared>>
      tpu.enqueue_indirect_dma source(%dma_start3A_306 : memref<32x128xbf16, #tpu.memory_space<vmem_shared>>) target(%arg25 : memref<80x128xbf16, #tpu.memory_space<vmem>>) offsets(%arg19 : memref<80xi32, #tpu.memory_space<vmem>>) semaphore(%arg38 : memref<!tpu.dma_semaphore, #tpu.memory_space<semaphore_mem>>)
      %dma_wait3A_307 = arith.constant 0 : i32
      %dma_wait3A_308 = arith.constant 0 : i32
      %dma_wait3A_309 = tpu.memref_slice %arg12[%dma_wait3A_307, %dma_wait3A_308] : memref<10000x128xbf16, #tpu.memory_space<vmem_shared>> -> memref<10000x128xbf16, #tpu.memory_space<vmem_shared>>
      tpu.wait_indirect_dma semaphore(%arg37 : memref<!tpu.dma_semaphore, #tpu.memory_space<semaphore_mem>>) src(%dma_wait3A_309 : memref<10000x128xbf16, #tpu.memory_space<vmem_shared>>) dst(%arg24 : memref<80x128xbf16, #tpu.memory_space<vmem>>)
      %dma_wait3A_310 = arith.constant 0 : i32
      %dma_wait3A_311 = arith.constant 0 : i32
      %dma_wait3A_312 = tpu.memref_slice %arg9[%dma_wait3A_310, %dma_wait3A_311] : memref<32x128xbf16, #tpu.memory_space<vmem_shared>> -> memref<32x128xbf16, #tpu.memory_space<vmem_shared>>
      tpu.wait_indirect_dma semaphore(%arg40 : memref<!tpu.dma_semaphore, #tpu.memory_space<semaphore_mem>>) src(%dma_wait3A_312 : memref<32x128xbf16, #tpu.memory_space<vmem_shared>>) dst(%arg27 : memref<80x128xbf16, #tpu.memory_space<vmem>>)
      %parallel_loop3A_313 = arith.constant 0 : i32
      %parallel_loop3A_314 = arith.constant 80 : i32
      %parallel_loop3A_315 = arith.constant 1 : i32
      scf.for %parallel_loop3A_336 = %parallel_loop3A_313 to %parallel_loop3A_314 step %parallel_loop3A_315  : i32 {
        %parallel_loop3A_337 = arith.index_cast %parallel_loop3A_336 : i32 to index
        %parallel_loop3A_338 = arith.constant 0 : index
        %parallel_loop3A_339 = tpu.vector_load %arg24[%parallel_loop3A_337, %parallel_loop3A_338] {strides = array<i32>} : memref<80x128xbf16, #tpu.memory_space<vmem>>, vector<1x32xbf16>,
        %parallel_loop3A_340 = vector.shape_cast %parallel_loop3A_339 : vector<1x32xbf16> to vector<32xbf16>
        %parallel_loop3A_341 = arith.index_cast %parallel_loop3A_336 : i32 to index
        %parallel_loop3A_342 = arith.constant 0 : index
        %parallel_loop3A_343 = tpu.vector_load %arg27[%parallel_loop3A_341, %parallel_loop3A_342] {strides = array<i32>} : memref<80x128xbf16, #tpu.memory_space<vmem>>, vector<1x32xbf16>,
        %parallel_loop3A_344 = vector.shape_cast %parallel_loop3A_343 : vector<1x32xbf16> to vector<32xbf16>
        %parallel_loop3A_345 = arith.mulf %parallel_loop3A_340, %parallel_loop3A_344 : vector<32xbf16>
        %parallel_loop3A_346 = arith.index_cast %parallel_loop3A_336 : i32 to index
        %parallel_loop3A_347 = arith.constant 0 : index
        %parallel_loop3A_348 = tpu.vector_load %arg24[%parallel_loop3A_346, %parallel_loop3A_347] {strides = array<i32>} : memref<80x128xbf16, #tpu.memory_space<vmem>>, vector<1x32xbf16>,
        %parallel_loop3A_349 = vector.shape_cast %parallel_loop3A_348 : vector<1x32xbf16> to vector<32xbf16>
        %parallel_loop3A_350 = vector.shape_cast %parallel_loop3A_345 : vector<32xbf16> to vector<1x32xbf16>
        tpu.vector_store %arg24[%parallel_loop3A_346, %parallel_loop3A_347], %parallel_loop3A_350 {strides = array<i32>} : memref<80x128xbf16, #tpu.memory_space<vmem>>, vector<1x32xbf16>,
        %parallel_loop3A_351 = arith.index_cast %parallel_loop3A_336 : i32 to index
        %parallel_loop3A_352 = arith.constant 32 : index
        %parallel_loop3A_353 = tpu.vector_load %arg24[%parallel_loop3A_351, %parallel_loop3A_352] {strides = array<i32>} : memref<80x128xbf16, #tpu.memory_space<vmem>>, vector<1x32xbf16>,
        %parallel_loop3A_354 = vector.shape_cast %parallel_loop3A_353 : vector<1x32xbf16> to vector<32xbf16>
        %parallel_loop3A_355 = arith.index_cast %parallel_loop3A_336 : i32 to index
        %parallel_loop3A_356 = arith.constant 32 : index
        %parallel_loop3A_357 = tpu.vector_load %arg27[%parallel_loop3A_355, %parallel_loop3A_356] {strides = array<i32>} : memref<80x128xbf16, #tpu.memory_space<vmem>>, vector<1x32xbf16>,
        %parallel_loop3A_358 = vector.shape_cast %parallel_loop3A_357 : vector<1x32xbf16> to vector<32xbf16>
        %parallel_loop3A_359 = arith.mulf %parallel_loop3A_354, %parallel_loop3A_358 : vector<32xbf16>
        %parallel_loop3A_360 = arith.index_cast %parallel_loop3A_336 : i32 to index
        %parallel_loop3A_361 = arith.constant 32 : index
        %parallel_loop3A_362 = tpu.vector_load %arg24[%parallel_loop3A_360, %parallel_loop3A_361] {strides = array<i32>} : memref<80x128xbf16, #tpu.memory_space<vmem>>, vector<1x32xbf16>,
        %parallel_loop3A_363 = vector.shape_cast %parallel_loop3A_362 : vector<1x32xbf16> to vector<32xbf16>
        %parallel_loop3A_364 = vector.shape_cast %parallel_loop3A_359 : vector<32xbf16> to vector<1x32xbf16>
        tpu.vector_store %arg24[%parallel_loop3A_360, %parallel_loop3A_361], %parallel_loop3A_364 {strides = array<i32>} : memref<80x128xbf16, #tpu.memory_space<vmem>>, vector<1x32xbf16>,
        %parallel_loop3A_365 = arith.index_cast %parallel_loop3A_336 : i32 to index
        %parallel_loop3A_366 = arith.constant 64 : index
        %parallel_loop3A_367 = tpu.vector_load %arg24[%parallel_loop3A_365, %parallel_loop3A_366] {strides = array<i32>} : memref<80x128xbf16, #tpu.memory_space<vmem>>, vector<1x32xbf16>,
        %parallel_loop3A_368 = vector.shape_cast %parallel_loop3A_367 : vector<1x32xbf16> to vector<32xbf16>
        %parallel_loop3A_369 = arith.index_cast %parallel_loop3A_336 : i32 to index
        %parallel_loop3A_370 = arith.constant 64 : index
        %parallel_loop3A_371 = tpu.vector_load %arg27[%parallel_loop3A_369, %parallel_loop3A_370] {strides = array<i32>} : memref<80x128xbf16, #tpu.memory_space<vmem>>, vector<1x32xbf16>,
        %parallel_loop3A_372 = vector.shape_cast %parallel_loop3A_371 : vector<1x32xbf16> to vector<32xbf16>
        %parallel_loop3A_373 = arith.mulf %parallel_loop3A_368, %parallel_loop3A_372 : vector<32xbf16>
        %parallel_loop3A_374 = arith.index_cast %parallel_loop3A_336 : i32 to index
        %parallel_loop3A_375 = arith.constant 64 : index
        %parallel_loop3A_376 = tpu.vector_load %arg24[%parallel_loop3A_374, %parallel_loop3A_375] {strides = array<i32>} : memref<80x128xbf16, #tpu.memory_space<vmem>>, vector<1x32xbf16>,
        %parallel_loop3A_377 = vector.shape_cast %parallel_loop3A_376 : vector<1x32xbf16> to vector<32xbf16>
        %parallel_loop3A_378 = vector.shape_cast %parallel_loop3A_373 : vector<32xbf16> to vector<1x32xbf16>
        tpu.vector_store %arg24[%parallel_loop3A_374, %parallel_loop3A_375], %parallel_loop3A_378 {strides = array<i32>} : memref<80x128xbf16, #tpu.memory_space<vmem>>, vector<1x32xbf16>,
        %parallel_loop3A_379 = arith.index_cast %parallel_loop3A_336 : i32 to index
        %parallel_loop3A_380 = arith.constant 96 : index
        %parallel_loop3A_381 = tpu.vector_load %arg24[%parallel_loop3A_379, %parallel_loop3A_380] {strides = array<i32>} : memref<80x128xbf16, #tpu.memory_space<vmem>>, vector<1x32xbf16>,
        %parallel_loop3A_382 = vector.shape_cast %parallel_loop3A_381 : vector<1x32xbf16> to vector<32xbf16>
        %parallel_loop3A_383 = arith.index_cast %parallel_loop3A_336 : i32 to index
        %parallel_loop3A_384 = arith.constant 96 : index
        %parallel_loop3A_385 = tpu.vector_load %arg27[%parallel_loop3A_383, %parallel_loop3A_384] {strides = array<i32>} : memref<80x128xbf16, #tpu.memory_space<vmem>>, vector<1x32xbf16>,
        %parallel_loop3A_386 = vector.shape_cast %parallel_loop3A_385 : vector<1x32xbf16> to vector<32xbf16>
        %parallel_loop3A_387 = arith.mulf %parallel_loop3A_382, %parallel_loop3A_386 : vector<32xbf16>
        %parallel_loop3A_388 = arith.index_cast %parallel_loop3A_336 : i32 to index
        %parallel_loop3A_389 = arith.constant 96 : index
        %parallel_loop3A_390 = tpu.vector_load %arg24[%parallel_loop3A_388, %parallel_loop3A_389] {strides = array<i32>} : memref<80x128xbf16, #tpu.memory_space<vmem>>, vector<1x32xbf16>,
        %parallel_loop3A_391 = vector.shape_cast %parallel_loop3A_390 : vector<1x32xbf16> to vector<32xbf16>
        %parallel_loop3A_392 = vector.shape_cast %parallel_loop3A_387 : vector<32xbf16> to vector<1x32xbf16>
        tpu.vector_store %arg24[%parallel_loop3A_388, %parallel_loop3A_389], %parallel_loop3A_392 {strides = array<i32>} : memref<80x128xbf16, #tpu.memory_space<vmem>>, vector<1x32xbf16>,
      } {sc.loop_unroll_factor = 2 : i64, sc.parallel_access}
      %ge3A_316 = arith.constant 1 : i32
      %ge3A_317 = arith.cmpi sge, %add3A_279, %ge3A_316 : i32
      %convert_element_type3A_318 = arith.extui %ge3A_317 : i1 to i32
      %cond3A_319 = arith.constant 0 : i32
      %cond3A_320 = arith.cmpi ne, %convert_element_type3A_318, %cond3A_319 : i32
      scf.if %cond3A_320 {
        %mul3A_336 = arith.constant 80 : i32
        %mul3A_337 = arith.muli %add3A_279, %mul3A_336 : i32
        %add3A_338 = arith.addi %mul3A_2, %mul3A_337 : i32
        %dma_wait3A_339 = tpu.memref_slice %arg3[%add3A_338] : memref<320000xi32, #tpu.memory_space<hbm>> -> memref<80xi32, #tpu.memory_space<hbm>>
        %dma_wait3A_340 = tpu.memref_slice %arg3[%add3A_338] : memref<320000xi32, #tpu.memory_space<hbm>> -> memref<80xi32, #tpu.memory_space<hbm>>
        tpu.wait_dma2 semaphore(%arg34 : memref<!tpu.dma_semaphore, #tpu.memory_space<semaphore_mem>>) src(%dma_wait3A_340 : memref<80xi32, #tpu.memory_space<hbm>>) dst(%arg18 : memref<80xi32, #tpu.memory_space<vmem>>)
      } else {
      }
      %dma_start3A_321 = arith.constant 0 : i32
      %dma_start3A_322 = arith.constant 0 : i32
      %dma_start3A_323 = tpu.memref_slice %arg10[%dma_start3A_321, %dma_start3A_322] : memref<10000x128xbf16, #tpu.memory_space<vmem_shared>> -> memref<10000x128xbf16, #tpu.memory_space<vmem_shared>>
      tpu.enqueue_indirect_dma source(%arg24 : memref<80x128xbf16, #tpu.memory_space<vmem>>) target(%dma_start3A_323 : memref<10000x128xbf16, #tpu.memory_space<vmem_shared>>) offsets(%arg18 : memref<80xi32, #tpu.memory_space<vmem>>) semaphore(%arg43 : memref<!tpu.dma_semaphore, #tpu.memory_space<semaphore_mem>>) {add = true}
      %dma_start3A_324 = arith.constant 0 : i32
      %dma_start3A_325 = arith.constant 0 : i32
      %dma_start3A_326 = tpu.memref_slice %arg11[%dma_start3A_324, %dma_start3A_325] : memref<10000x16xf32, #tpu.memory_space<vmem_shared>> -> memref<10000x16xf32, #tpu.memory_space<vmem_shared>>
      tpu.enqueue_indirect_dma source(%arg28 : memref<80x16xf32, #tpu.memory_space<vmem>>) target(%dma_start3A_326 : memref<10000x16xf32, #tpu.memory_space<vmem_shared>>) offsets(%arg18 : memref<80xi32, #tpu.memory_space<vmem>>) semaphore(%arg46 : memref<!tpu.dma_semaphore, #tpu.memory_space<semaphore_mem>>) {add = true}
      %add3A_327 = arith.constant 2 : i32
      %add3A_328 = arith.addi %add3A_279, %add3A_327 : i32
      %mul3A_329 = arith.constant 80 : i32
      %mul3A_330 = arith.muli %add3A_328, %mul3A_329 : i32
      %add3A_331 = arith.addi %mul3A_2, %mul3A_330 : i32
      %dma_start3A_332 = tpu.memref_slice %arg2[%add3A_331] : memref<320000xi32, #tpu.memory_space<hbm>> -> memref<80xi32, #tpu.memory_space<hbm>>
      %dma_start3A_333 = tpu.memref_slice %arg2[%add3A_331] : memref<320000xi32, #tpu.memory_space<hbm>> -> memref<80xi32, #tpu.memory_space<hbm>>
      tpu.enqueue_dma source(%dma_start3A_333 : memref<80xi32, #tpu.memory_space<hbm>>) target(%arg14 : memref<80xi32, #tpu.memory_space<vmem>>) target_semaphore(%arg30 : memref<!tpu.dma_semaphore, #tpu.memory_space<semaphore_mem>>)
      %dma_start3A_334 = tpu.memref_slice %arg4[%add3A_331] : memref<320000xi32, #tpu.memory_space<hbm>> -> memref<80xi32, #tpu.memory_space<hbm>>
      %dma_start3A_335 = tpu.memref_slice %arg4[%add3A_331] : memref<320000xi32, #tpu.memory_space<hbm>> -> memref<80xi32, #tpu.memory_space<hbm>>
      tpu.enqueue_dma source(%dma_start3A_335 : memref<80xi32, #tpu.memory_space<hbm>>) target(%arg20 : memref<80xi32, #tpu.memory_space<vmem>>) target_semaphore(%arg30 : memref<!tpu.dma_semaphore, #tpu.memory_space<semaphore_mem>>)
    }
    %scan3A_68 = arith.constant 41 : i32
    %dma_wait3A = arith.constant 0 : i32
    %dma_wait3A_69 = arith.constant 0 : i32
    %dma_wait3A_70 = tpu.memref_slice %arg10[%dma_wait3A, %dma_wait3A_69] : memref<10000x128xbf16, #tpu.memory_space<vmem_shared>> -> memref<10000x128xbf16, #tpu.memory_space<vmem_shared>>
    tpu.wait_indirect_dma semaphore(%arg42 : memref<!tpu.dma_semaphore, #tpu.memory_space<semaphore_mem>>) src(%arg23 : memref<80x128xbf16, #tpu.memory_space<vmem>>) dst(%dma_wait3A_70 : memref<10000x128xbf16, #tpu.memory_space<vmem_shared>>)
    %dma_wait3A_71 = arith.constant 0 : i32
    %dma_wait3A_72 = arith.constant 0 : i32
    %dma_wait3A_73 = tpu.memref_slice %arg11[%dma_wait3A_71, %dma_wait3A_72] : memref<10000x16xf32, #tpu.memory_space<vmem_shared>> -> memref<10000x16xf32, #tpu.memory_space<vmem_shared>>
    tpu.wait_indirect_dma semaphore(%arg45 : memref<!tpu.dma_semaphore, #tpu.memory_space<semaphore_mem>>) src(%arg28 : memref<80x16xf32, #tpu.memory_space<vmem>>) dst(%dma_wait3A_73 : memref<10000x16xf32, #tpu.memory_space<vmem_shared>>)
    %add3A_74 = arith.constant 9920 : i32
    %add3A_75 = arith.addi %mul3A_2, %add3A_74 : i32
    %dma_start3A_76 = tpu.memref_slice %arg3[%add3A_75] : memref<320000xi32, #tpu.memory_space<hbm>> -> memref<80xi32, #tpu.memory_space<hbm>>
    %dma_start3A_77 = tpu.memref_slice %arg3[%add3A_75] : memref<320000xi32, #tpu.memory_space<hbm>> -> memref<80xi32, #tpu.memory_space<hbm>>
    tpu.enqueue_dma source(%dma_start3A_77 : memref<80xi32, #tpu.memory_space<hbm>>) target(%arg17 : memref<80xi32, #tpu.memory_space<vmem>>) target_semaphore(%arg33 : memref<!tpu.dma_semaphore, #tpu.memory_space<semaphore_mem>>)
    %add3A_78 = arith.constant 9920 : i32
    %add3A_79 = arith.addi %mul3A_2, %add3A_78 : i32
    %dma_wait3A_80 = tpu.memref_slice %arg2[%add3A_79] : memref<320000xi32, #tpu.memory_space<hbm>> -> memref<80xi32, #tpu.memory_space<hbm>>
    %dma_wait3A_81 = tpu.memref_slice %arg2[%add3A_79] : memref<320000xi32, #tpu.memory_space<hbm>> -> memref<80xi32, #tpu.memory_space<hbm>>
    tpu.wait_dma2 semaphore(%arg30 : memref<!tpu.dma_semaphore, #tpu.memory_space<semaphore_mem>>) src(%dma_wait3A_81 : memref<80xi32, #tpu.memory_space<hbm>>) dst(%arg14 : memref<80xi32, #tpu.memory_space<vmem>>)
    %dma_wait3A_82 = tpu.memref_slice %arg4[%add3A_79] : memref<320000xi32, #tpu.memory_space<hbm>> -> memref<80xi32, #tpu.memory_space<hbm>>
    %dma_wait3A_83 = tpu.memref_slice %arg4[%add3A_79] : memref<320000xi32, #tpu.memory_space<hbm>> -> memref<80xi32, #tpu.memory_space<hbm>>
    tpu.wait_dma2 semaphore(%arg30 : memref<!tpu.dma_semaphore, #tpu.memory_space<semaphore_mem>>) src(%dma_wait3A_83 : memref<80xi32, #tpu.memory_space<hbm>>) dst(%arg20 : memref<80xi32, #tpu.memory_space<vmem>>)
    %dma_start3A_84 = arith.constant 0 : i32
    %dma_start3A_85 = arith.constant 0 : i32
    %dma_start3A_86 = tpu.memref_slice %arg12[%dma_start3A_84, %dma_start3A_85] : memref<10000x128xbf16, #tpu.memory_space<vmem_shared>> -> memref<10000x128xbf16, #tpu.memory_space<vmem_shared>>
    tpu.enqueue_indirect_dma source(%dma_start3A_86 : memref<10000x128xbf16, #tpu.memory_space<vmem_shared>>) target(%arg23 : memref<80x128xbf16, #tpu.memory_space<vmem>>) offsets(%arg14 : memref<80xi32, #tpu.memory_space<vmem>>) semaphore(%arg36 : memref<!tpu.dma_semaphore, #tpu.memory_space<semaphore_mem>>)
    %dma_start3A_87 = arith.constant 0 : i32
    %dma_start3A_88 = arith.constant 0 : i32
    %dma_start3A_89 = tpu.memref_slice %arg9[%dma_start3A_87, %dma_start3A_88] : memref<32x128xbf16, #tpu.memory_space<vmem_shared>> -> memref<32x128xbf16, #tpu.memory_space<vmem_shared>>
    tpu.enqueue_indirect_dma source(%dma_start3A_89 : memref<32x128xbf16, #tpu.memory_space<vmem_shared>>) target(%arg26 : memref<80x128xbf16, #tpu.memory_space<vmem>>) offsets(%arg20 : memref<80xi32, #tpu.memory_space<vmem>>) semaphore(%arg39 : memref<!tpu.dma_semaphore, #tpu.memory_space<semaphore_mem>>)
    %dma_wait3A_90 = arith.constant 0 : i32
    %dma_wait3A_91 = arith.constant 0 : i32
    %dma_wait3A_92 = tpu.memref_slice %arg12[%dma_wait3A_90, %dma_wait3A_91] : memref<10000x128xbf16, #tpu.memory_space<vmem_shared>> -> memref<10000x128xbf16, #tpu.memory_space<vmem_shared>>
    tpu.wait_indirect_dma semaphore(%arg35 : memref<!tpu.dma_semaphore, #tpu.memory_space<semaphore_mem>>) src(%dma_wait3A_92 : memref<10000x128xbf16, #tpu.memory_space<vmem_shared>>) dst(%arg22 : memref<80x128xbf16, #tpu.memory_space<vmem>>)
    %dma_wait3A_93 = arith.constant 0 : i32
    %dma_wait3A_94 = arith.constant 0 : i32
    %dma_wait3A_95 = tpu.memref_slice %arg9[%dma_wait3A_93, %dma_wait3A_94] : memref<32x128xbf16, #tpu.memory_space<vmem_shared>> -> memref<32x128xbf16, #tpu.memory_space<vmem_shared>>
    tpu.wait_indirect_dma semaphore(%arg38 : memref<!tpu.dma_semaphore, #tpu.memory_space<semaphore_mem>>) src(%dma_wait3A_95 : memref<32x128xbf16, #tpu.memory_space<vmem_shared>>) dst(%arg25 : memref<80x128xbf16, #tpu.memory_space<vmem>>)
    %parallel_loop3A = arith.constant 0 : i32
    %parallel_loop3A_96 = arith.constant 80 : i32
    %parallel_loop3A_97 = arith.constant 1 : i32
    scf.for %parallel_loop3A_156 = %parallel_loop3A to %parallel_loop3A_96 step %parallel_loop3A_97  : i32 {
      %parallel_loop3A_157 = arith.index_cast %parallel_loop3A_156 : i32 to index
      %parallel_loop3A_158 = arith.constant 0 : index
      %parallel_loop3A_159 = tpu.vector_load %arg22[%parallel_loop3A_157, %parallel_loop3A_158] {strides = array<i32>} : memref<80x128xbf16, #tpu.memory_space<vmem>>, vector<1x32xbf16>,
      %parallel_loop3A_160 = vector.shape_cast %parallel_loop3A_159 : vector<1x32xbf16> to vector<32xbf16>
      %parallel_loop3A_161 = arith.index_cast %parallel_loop3A_156 : i32 to index
      %parallel_loop3A_162 = arith.constant 0 : index
      %parallel_loop3A_163 = tpu.vector_load %arg25[%parallel_loop3A_161, %parallel_loop3A_162] {strides = array<i32>} : memref<80x128xbf16, #tpu.memory_space<vmem>>, vector<1x32xbf16>,
      %parallel_loop3A_164 = vector.shape_cast %parallel_loop3A_163 : vector<1x32xbf16> to vector<32xbf16>
      %parallel_loop3A_165 = arith.mulf %parallel_loop3A_160, %parallel_loop3A_164 : vector<32xbf16>
      %parallel_loop3A_166 = arith.index_cast %parallel_loop3A_156 : i32 to index
      %parallel_loop3A_167 = arith.constant 0 : index
      %parallel_loop3A_168 = tpu.vector_load %arg22[%parallel_loop3A_166, %parallel_loop3A_167] {strides = array<i32>} : memref<80x128xbf16, #tpu.memory_space<vmem>>, vector<1x32xbf16>,
      %parallel_loop3A_169 = vector.shape_cast %parallel_loop3A_168 : vector<1x32xbf16> to vector<32xbf16>
      %parallel_loop3A_170 = vector.shape_cast %parallel_loop3A_165 : vector<32xbf16> to vector<1x32xbf16>
      tpu.vector_store %arg22[%parallel_loop3A_166, %parallel_loop3A_167], %parallel_loop3A_170 {strides = array<i32>} : memref<80x128xbf16, #tpu.memory_space<vmem>>, vector<1x32xbf16>,
      %parallel_loop3A_171 = arith.index_cast %parallel_loop3A_156 : i32 to index
      %parallel_loop3A_172 = arith.constant 32 : index
      %parallel_loop3A_173 = tpu.vector_load %arg22[%parallel_loop3A_171, %parallel_loop3A_172] {strides = array<i32>} : memref<80x128xbf16, #tpu.memory_space<vmem>>, vector<1x32xbf16>,
      %parallel_loop3A_174 = vector.shape_cast %parallel_loop3A_173 : vector<1x32xbf16> to vector<32xbf16>
      %parallel_loop3A_175 = arith.index_cast %parallel_loop3A_156 : i32 to index
      %parallel_loop3A_176 = arith.constant 32 : index
      %parallel_loop3A_177 = tpu.vector_load %arg25[%parallel_loop3A_175, %parallel_loop3A_176] {strides = array<i32>} : memref<80x128xbf16, #tpu.memory_space<vmem>>, vector<1x32xbf16>,
      %parallel_loop3A_178 = vector.shape_cast %parallel_loop3A_177 : vector<1x32xbf16> to vector<32xbf16>
      %parallel_loop3A_179 = arith.mulf %parallel_loop3A_174, %parallel_loop3A_178 : vector<32xbf16>
      %parallel_loop3A_180 = arith.index_cast %parallel_loop3A_156 : i32 to index
      %parallel_loop3A_181 = arith.constant 32 : index
      %parallel_loop3A_182 = tpu.vector_load %arg22[%parallel_loop3A_180, %parallel_loop3A_181] {strides = array<i32>} : memref<80x128xbf16, #tpu.memory_space<vmem>>, vector<1x32xbf16>,
      %parallel_loop3A_183 = vector.shape_cast %parallel_loop3A_182 : vector<1x32xbf16> to vector<32xbf16>
      %parallel_loop3A_184 = vector.shape_cast %parallel_loop3A_179 : vector<32xbf16> to vector<1x32xbf16>
      tpu.vector_store %arg22[%parallel_loop3A_180, %parallel_loop3A_181], %parallel_loop3A_184 {strides = array<i32>} : memref<80x128xbf16, #tpu.memory_space<vmem>>, vector<1x32xbf16>,
      %parallel_loop3A_185 = arith.index_cast %parallel_loop3A_156 : i32 to index
      %parallel_loop3A_186 = arith.constant 64 : index
      %parallel_loop3A_187 = tpu.vector_load %arg22[%parallel_loop3A_185, %parallel_loop3A_186] {strides = array<i32>} : memref<80x128xbf16, #tpu.memory_space<vmem>>, vector<1x32xbf16>,
      %parallel_loop3A_188 = vector.shape_cast %parallel_loop3A_187 : vector<1x32xbf16> to vector<32xbf16>
      %parallel_loop3A_189 = arith.index_cast %parallel_loop3A_156 : i32 to index
      %parallel_loop3A_190 = arith.constant 64 : index
      %parallel_loop3A_191 = tpu.vector_load %arg25[%parallel_loop3A_189, %parallel_loop3A_190] {strides = array<i32>} : memref<80x128xbf16, #tpu.memory_space<vmem>>, vector<1x32xbf16>,
      %parallel_loop3A_192 = vector.shape_cast %parallel_loop3A_191 : vector<1x32xbf16> to vector<32xbf16>
      %parallel_loop3A_193 = arith.mulf %parallel_loop3A_188, %parallel_loop3A_192 : vector<32xbf16>
      %parallel_loop3A_194 = arith.index_cast %parallel_loop3A_156 : i32 to index
      %parallel_loop3A_195 = arith.constant 64 : index
      %parallel_loop3A_196 = tpu.vector_load %arg22[%parallel_loop3A_194, %parallel_loop3A_195] {strides = array<i32>} : memref<80x128xbf16, #tpu.memory_space<vmem>>, vector<1x32xbf16>,
      %parallel_loop3A_197 = vector.shape_cast %parallel_loop3A_196 : vector<1x32xbf16> to vector<32xbf16>
      %parallel_loop3A_198 = vector.shape_cast %parallel_loop3A_193 : vector<32xbf16> to vector<1x32xbf16>
      tpu.vector_store %arg22[%parallel_loop3A_194, %parallel_loop3A_195], %parallel_loop3A_198 {strides = array<i32>} : memref<80x128xbf16, #tpu.memory_space<vmem>>, vector<1x32xbf16>,
      %parallel_loop3A_199 = arith.index_cast %parallel_loop3A_156 : i32 to index
      %parallel_loop3A_200 = arith.constant 96 : index
      %parallel_loop3A_201 = tpu.vector_load %arg22[%parallel_loop3A_199, %parallel_loop3A_200] {strides = array<i32>} : memref<80x128xbf16, #tpu.memory_space<vmem>>, vector<1x32xbf16>,
      %parallel_loop3A_202 = vector.shape_cast %parallel_loop3A_201 : vector<1x32xbf16> to vector<32xbf16>
      %parallel_loop3A_203 = arith.index_cast %parallel_loop3A_156 : i32 to index
      %parallel_loop3A_204 = arith.constant 96 : index
      %parallel_loop3A_205 = tpu.vector_load %arg25[%parallel_loop3A_203, %parallel_loop3A_204] {strides = array<i32>} : memref<80x128xbf16, #tpu.memory_space<vmem>>, vector<1x32xbf16>,
      %parallel_loop3A_206 = vector.shape_cast %parallel_loop3A_205 : vector<1x32xbf16> to vector<32xbf16>
      %parallel_loop3A_207 = arith.mulf %parallel_loop3A_202, %parallel_loop3A_206 : vector<32xbf16>
      %parallel_loop3A_208 = arith.index_cast %parallel_loop3A_156 : i32 to index
      %parallel_loop3A_209 = arith.constant 96 : index
      %parallel_loop3A_210 = tpu.vector_load %arg22[%parallel_loop3A_208, %parallel_loop3A_209] {strides = array<i32>} : memref<80x128xbf16, #tpu.memory_space<vmem>>, vector<1x32xbf16>,
      %parallel_loop3A_211 = vector.shape_cast %parallel_loop3A_210 : vector<1x32xbf16> to vector<32xbf16>
      %parallel_loop3A_212 = vector.shape_cast %parallel_loop3A_207 : vector<32xbf16> to vector<1x32xbf16>
      tpu.vector_store %arg22[%parallel_loop3A_208, %parallel_loop3A_209], %parallel_loop3A_212 {strides = array<i32>} : memref<80x128xbf16, #tpu.memory_space<vmem>>, vector<1x32xbf16>,
    } {sc.loop_unroll_factor = 2 : i64, sc.parallel_access}
    %add3A_98 = arith.constant 9840 : i32
    %add3A_99 = arith.addi %mul3A_2, %add3A_98 : i32
    %dma_wait3A_100 = tpu.memref_slice %arg3[%add3A_99] : memref<320000xi32, #tpu.memory_space<hbm>> -> memref<80xi32, #tpu.memory_space<hbm>>
    %dma_wait3A_101 = tpu.memref_slice %arg3[%add3A_99] : memref<320000xi32, #tpu.memory_space<hbm>> -> memref<80xi32, #tpu.memory_space<hbm>>
    tpu.wait_dma2 semaphore(%arg32 : memref<!tpu.dma_semaphore, #tpu.memory_space<semaphore_mem>>) src(%dma_wait3A_101 : memref<80xi32, #tpu.memory_space<hbm>>) dst(%arg16 : memref<80xi32, #tpu.memory_space<vmem>>)
    %dma_start3A_102 = arith.constant 0 : i32
    %dma_start3A_103 = arith.constant 0 : i32
    %dma_start3A_104 = tpu.memref_slice %arg10[%dma_start3A_102, %dma_start3A_103] : memref<10000x128xbf16, #tpu.memory_space<vmem_shared>> -> memref<10000x128xbf16, #tpu.memory_space<vmem_shared>>
    tpu.enqueue_indirect_dma source(%arg22 : memref<80x128xbf16, #tpu.memory_space<vmem>>) target(%dma_start3A_104 : memref<10000x128xbf16, #tpu.memory_space<vmem_shared>>) offsets(%arg16 : memref<80xi32, #tpu.memory_space<vmem>>) semaphore(%arg41 : memref<!tpu.dma_semaphore, #tpu.memory_space<semaphore_mem>>) {add = true}
    %dma_start3A_105 = arith.constant 0 : i32
    %dma_start3A_106 = arith.constant 0 : i32
    %dma_start3A_107 = tpu.memref_slice %arg11[%dma_start3A_105, %dma_start3A_106] : memref<10000x16xf32, #tpu.memory_space<vmem_shared>> -> memref<10000x16xf32, #tpu.memory_space<vmem_shared>>
    tpu.enqueue_indirect_dma source(%arg28 : memref<80x16xf32, #tpu.memory_space<vmem>>) target(%dma_start3A_107 : memref<10000x16xf32, #tpu.memory_space<vmem_shared>>) offsets(%arg16 : memref<80xi32, #tpu.memory_space<vmem>>) semaphore(%arg44 : memref<!tpu.dma_semaphore, #tpu.memory_space<semaphore_mem>>) {add = true}
    %dma_wait3A_108 = arith.constant 0 : i32
    %dma_wait3A_109 = arith.constant 0 : i32
    %dma_wait3A_110 = tpu.memref_slice %arg10[%dma_wait3A_108, %dma_wait3A_109] : memref<10000x128xbf16, #tpu.memory_space<vmem_shared>> -> memref<10000x128xbf16, #tpu.memory_space<vmem_shared>>
    tpu.wait_indirect_dma semaphore(%arg43 : memref<!tpu.dma_semaphore, #tpu.memory_space<semaphore_mem>>) src(%arg24 : memref<80x128xbf16, #tpu.memory_space<vmem>>) dst(%dma_wait3A_110 : memref<10000x128xbf16, #tpu.memory_space<vmem_shared>>)
    %dma_wait3A_111 = arith.constant 0 : i32
    %dma_wait3A_112 = arith.constant 0 : i32
    %dma_wait3A_113 = tpu.memref_slice %arg11[%dma_wait3A_111, %dma_wait3A_112] : memref<10000x16xf32, #tpu.memory_space<vmem_shared>> -> memref<10000x16xf32, #tpu.memory_space<vmem_shared>>
    tpu.wait_indirect_dma semaphore(%arg46 : memref<!tpu.dma_semaphore, #tpu.memory_space<semaphore_mem>>) src(%arg28 : memref<80x16xf32, #tpu.memory_space<vmem>>) dst(%dma_wait3A_113 : memref<10000x16xf32, #tpu.memory_space<vmem_shared>>)
    %dma_wait3A_114 = arith.constant 0 : i32
    %dma_wait3A_115 = arith.constant 0 : i32
    %dma_wait3A_116 = tpu.memref_slice %arg12[%dma_wait3A_114, %dma_wait3A_115] : memref<10000x128xbf16, #tpu.memory_space<vmem_shared>> -> memref<10000x128xbf16, #tpu.memory_space<vmem_shared>>
    tpu.wait_indirect_dma semaphore(%arg36 : memref<!tpu.dma_semaphore, #tpu.memory_space<semaphore_mem>>) src(%dma_wait3A_116 : memref<10000x128xbf16, #tpu.memory_space<vmem_shared>>) dst(%arg23 : memref<80x128xbf16, #tpu.memory_space<vmem>>)
    %dma_wait3A_117 = arith.constant 0 : i32
    %dma_wait3A_118 = arith.constant 0 : i32
    %dma_wait3A_119 = tpu.memref_slice %arg9[%dma_wait3A_117, %dma_wait3A_118] : memref<32x128xbf16, #tpu.memory_space<vmem_shared>> -> memref<32x128xbf16, #tpu.memory_space<vmem_shared>>
    tpu.wait_indirect_dma semaphore(%arg39 : memref<!tpu.dma_semaphore, #tpu.memory_space<semaphore_mem>>) src(%dma_wait3A_119 : memref<32x128xbf16, #tpu.memory_space<vmem_shared>>) dst(%arg26 : memref<80x128xbf16, #tpu.memory_space<vmem>>)
    %parallel_loop3A_120 = arith.constant 0 : i32
    %parallel_loop3A_121 = arith.constant 80 : i32
    %parallel_loop3A_122 = arith.constant 1 : i32
    scf.for %parallel_loop3A_156 = %parallel_loop3A_120 to %parallel_loop3A_121 step %parallel_loop3A_122  : i32 {
      %parallel_loop3A_157 = arith.index_cast %parallel_loop3A_156 : i32 to index
      %parallel_loop3A_158 = arith.constant 0 : index
      %parallel_loop3A_159 = tpu.vector_load %arg23[%parallel_loop3A_157, %parallel_loop3A_158] {strides = array<i32>} : memref<80x128xbf16, #tpu.memory_space<vmem>>, vector<1x32xbf16>,
      %parallel_loop3A_160 = vector.shape_cast %parallel_loop3A_159 : vector<1x32xbf16> to vector<32xbf16>
      %parallel_loop3A_161 = arith.index_cast %parallel_loop3A_156 : i32 to index
      %parallel_loop3A_162 = arith.constant 0 : index
      %parallel_loop3A_163 = tpu.vector_load %arg26[%parallel_loop3A_161, %parallel_loop3A_162] {strides = array<i32>} : memref<80x128xbf16, #tpu.memory_space<vmem>>, vector<1x32xbf16>,
      %parallel_loop3A_164 = vector.shape_cast %parallel_loop3A_163 : vector<1x32xbf16> to vector<32xbf16>
      %parallel_loop3A_165 = arith.mulf %parallel_loop3A_160, %parallel_loop3A_164 : vector<32xbf16>
      %parallel_loop3A_166 = arith.index_cast %parallel_loop3A_156 : i32 to index
      %parallel_loop3A_167 = arith.constant 0 : index
      %parallel_loop3A_168 = tpu.vector_load %arg23[%parallel_loop3A_166, %parallel_loop3A_167] {strides = array<i32>} : memref<80x128xbf16, #tpu.memory_space<vmem>>, vector<1x32xbf16>,
      %parallel_loop3A_169 = vector.shape_cast %parallel_loop3A_168 : vector<1x32xbf16> to vector<32xbf16>
      %parallel_loop3A_170 = vector.shape_cast %parallel_loop3A_165 : vector<32xbf16> to vector<1x32xbf16>
      tpu.vector_store %arg23[%parallel_loop3A_166, %parallel_loop3A_167], %parallel_loop3A_170 {strides = array<i32>} : memref<80x128xbf16, #tpu.memory_space<vmem>>, vector<1x32xbf16>,
      %parallel_loop3A_171 = arith.index_cast %parallel_loop3A_156 : i32 to index
      %parallel_loop3A_172 = arith.constant 32 : index
      %parallel_loop3A_173 = tpu.vector_load %arg23[%parallel_loop3A_171, %parallel_loop3A_172] {strides = array<i32>} : memref<80x128xbf16, #tpu.memory_space<vmem>>, vector<1x32xbf16>,
      %parallel_loop3A_174 = vector.shape_cast %parallel_loop3A_173 : vector<1x32xbf16> to vector<32xbf16>
      %parallel_loop3A_175 = arith.index_cast %parallel_loop3A_156 : i32 to index
      %parallel_loop3A_176 = arith.constant 32 : index
      %parallel_loop3A_177 = tpu.vector_load %arg26[%parallel_loop3A_175, %parallel_loop3A_176] {strides = array<i32>} : memref<80x128xbf16, #tpu.memory_space<vmem>>, vector<1x32xbf16>,
      %parallel_loop3A_178 = vector.shape_cast %parallel_loop3A_177 : vector<1x32xbf16> to vector<32xbf16>
      %parallel_loop3A_179 = arith.mulf %parallel_loop3A_174, %parallel_loop3A_178 : vector<32xbf16>
      %parallel_loop3A_180 = arith.index_cast %parallel_loop3A_156 : i32 to index
      %parallel_loop3A_181 = arith.constant 32 : index
      %parallel_loop3A_182 = tpu.vector_load %arg23[%parallel_loop3A_180, %parallel_loop3A_181] {strides = array<i32>} : memref<80x128xbf16, #tpu.memory_space<vmem>>, vector<1x32xbf16>,
      %parallel_loop3A_183 = vector.shape_cast %parallel_loop3A_182 : vector<1x32xbf16> to vector<32xbf16>
      %parallel_loop3A_184 = vector.shape_cast %parallel_loop3A_179 : vector<32xbf16> to vector<1x32xbf16>
      tpu.vector_store %arg23[%parallel_loop3A_180, %parallel_loop3A_181], %parallel_loop3A_184 {strides = array<i32>} : memref<80x128xbf16, #tpu.memory_space<vmem>>, vector<1x32xbf16>,
      %parallel_loop3A_185 = arith.index_cast %parallel_loop3A_156 : i32 to index
      %parallel_loop3A_186 = arith.constant 64 : index
      %parallel_loop3A_187 = tpu.vector_load %arg23[%parallel_loop3A_185, %parallel_loop3A_186] {strides = array<i32>} : memref<80x128xbf16, #tpu.memory_space<vmem>>, vector<1x32xbf16>,
      %parallel_loop3A_188 = vector.shape_cast %parallel_loop3A_187 : vector<1x32xbf16> to vector<32xbf16>
      %parallel_loop3A_189 = arith.index_cast %parallel_loop3A_156 : i32 to index
      %parallel_loop3A_190 = arith.constant 64 : index
      %parallel_loop3A_191 = tpu.vector_load %arg26[%parallel_loop3A_189, %parallel_loop3A_190] {strides = array<i32>} : memref<80x128xbf16, #tpu.memory_space<vmem>>, vector<1x32xbf16>,
      %parallel_loop3A_192 = vector.shape_cast %parallel_loop3A_191 : vector<1x32xbf16> to vector<32xbf16>
      %parallel_loop3A_193 = arith.mulf %parallel_loop3A_188, %parallel_loop3A_192 : vector<32xbf16>
      %parallel_loop3A_194 = arith.index_cast %parallel_loop3A_156 : i32 to index
      %parallel_loop3A_195 = arith.constant 64 : index
      %parallel_loop3A_196 = tpu.vector_load %arg23[%parallel_loop3A_194, %parallel_loop3A_195] {strides = array<i32>} : memref<80x128xbf16, #tpu.memory_space<vmem>>, vector<1x32xbf16>,
      %parallel_loop3A_197 = vector.shape_cast %parallel_loop3A_196 : vector<1x32xbf16> to vector<32xbf16>
      %parallel_loop3A_198 = vector.shape_cast %parallel_loop3A_193 : vector<32xbf16> to vector<1x32xbf16>
      tpu.vector_store %arg23[%parallel_loop3A_194, %parallel_loop3A_195], %parallel_loop3A_198 {strides = array<i32>} : memref<80x128xbf16, #tpu.memory_space<vmem>>, vector<1x32xbf16>,
      %parallel_loop3A_199 = arith.index_cast %parallel_loop3A_156 : i32 to index
      %parallel_loop3A_200 = arith.constant 96 : index
      %parallel_loop3A_201 = tpu.vector_load %arg23[%parallel_loop3A_199, %parallel_loop3A_200] {strides = array<i32>} : memref<80x128xbf16, #tpu.memory_space<vmem>>, vector<1x32xbf16>,
      %parallel_loop3A_202 = vector.shape_cast %parallel_loop3A_201 : vector<1x32xbf16> to vector<32xbf16>
      %parallel_loop3A_203 = arith.index_cast %parallel_loop3A_156 : i32 to index
      %parallel_loop3A_204 = arith.constant 96 : index
      %parallel_loop3A_205 = tpu.vector_load %arg26[%parallel_loop3A_203, %parallel_loop3A_204] {strides = array<i32>} : memref<80x128xbf16, #tpu.memory_space<vmem>>, vector<1x32xbf16>,
      %parallel_loop3A_206 = vector.shape_cast %parallel_loop3A_205 : vector<1x32xbf16> to vector<32xbf16>
      %parallel_loop3A_207 = arith.mulf %parallel_loop3A_202, %parallel_loop3A_206 : vector<32xbf16>
      %parallel_loop3A_208 = arith.index_cast %parallel_loop3A_156 : i32 to index
      %parallel_loop3A_209 = arith.constant 96 : index
      %parallel_loop3A_210 = tpu.vector_load %arg23[%parallel_loop3A_208, %parallel_loop3A_209] {strides = array<i32>} : memref<80x128xbf16, #tpu.memory_space<vmem>>, vector<1x32xbf16>,
      %parallel_loop3A_211 = vector.shape_cast %parallel_loop3A_210 : vector<1x32xbf16> to vector<32xbf16>
      %parallel_loop3A_212 = vector.shape_cast %parallel_loop3A_207 : vector<32xbf16> to vector<1x32xbf16>
      tpu.vector_store %arg23[%parallel_loop3A_208, %parallel_loop3A_209], %parallel_loop3A_212 {strides = array<i32>} : memref<80x128xbf16, #tpu.memory_space<vmem>>, vector<1x32xbf16>,
    } {sc.loop_unroll_factor = 2 : i64, sc.parallel_access}
    %add3A_123 = arith.constant 9920 : i32
    %add3A_124 = arith.addi %mul3A_2, %add3A_123 : i32
    %dma_wait3A_125 = tpu.memref_slice %arg3[%add3A_124] : memref<320000xi32, #tpu.memory_space<hbm>> -> memref<80xi32, #tpu.memory_space<hbm>>
    %dma_wait3A_126 = tpu.memref_slice %arg3[%add3A_124] : memref<320000xi32, #tpu.memory_space<hbm>> -> memref<80xi32, #tpu.memory_space<hbm>>
    tpu.wait_dma2 semaphore(%arg33 : memref<!tpu.dma_semaphore, #tpu.memory_space<semaphore_mem>>) src(%dma_wait3A_126 : memref<80xi32, #tpu.memory_space<hbm>>) dst(%arg17 : memref<80xi32, #tpu.memory_space<vmem>>)
    %dma_start3A_127 = arith.constant 0 : i32
    %dma_start3A_128 = arith.constant 0 : i32
    %dma_start3A_129 = tpu.memref_slice %arg10[%dma_start3A_127, %dma_start3A_128] : memref<10000x128xbf16, #tpu.memory_space<vmem_shared>> -> memref<10000x128xbf16, #tpu.memory_space<vmem_shared>>
    tpu.enqueue_indirect_dma source(%arg23 : memref<80x128xbf16, #tpu.memory_space<vmem>>) target(%dma_start3A_129 : memref<10000x128xbf16, #tpu.memory_space<vmem_shared>>) offsets(%arg17 : memref<80xi32, #tpu.memory_space<vmem>>) semaphore(%arg42 : memref<!tpu.dma_semaphore, #tpu.memory_space<semaphore_mem>>) {add = true}
    %dma_start3A_130 = arith.constant 0 : i32
    %dma_start3A_131 = arith.constant 0 : i32
    %dma_start3A_132 = tpu.memref_slice %arg11[%dma_start3A_130, %dma_start3A_131] : memref<10000x16xf32, #tpu.memory_space<vmem_shared>> -> memref<10000x16xf32, #tpu.memory_space<vmem_shared>>
    tpu.enqueue_indirect_dma source(%arg28 : memref<80x16xf32, #tpu.memory_space<vmem>>) target(%dma_start3A_132 : memref<10000x16xf32, #tpu.memory_space<vmem_shared>>) offsets(%arg17 : memref<80xi32, #tpu.memory_space<vmem>>) semaphore(%arg45 : memref<!tpu.dma_semaphore, #tpu.memory_space<semaphore_mem>>) {add = true}
    %dma_wait3A_133 = arith.constant 0 : i32
    %dma_wait3A_134 = arith.constant 0 : i32
    %dma_wait3A_135 = tpu.memref_slice %arg10[%dma_wait3A_133, %dma_wait3A_134] : memref<10000x128xbf16, #tpu.memory_space<vmem_shared>> -> memref<10000x128xbf16, #tpu.memory_space<vmem_shared>>
    tpu.wait_indirect_dma semaphore(%arg41 : memref<!tpu.dma_semaphore, #tpu.memory_space<semaphore_mem>>) src(%arg22 : memref<80x128xbf16, #tpu.memory_space<vmem>>) dst(%dma_wait3A_135 : memref<10000x128xbf16, #tpu.memory_space<vmem_shared>>)
    %dma_wait3A_136 = arith.constant 0 : i32
    %dma_wait3A_137 = arith.constant 0 : i32
    %dma_wait3A_138 = tpu.memref_slice %arg11[%dma_wait3A_136, %dma_wait3A_137] : memref<10000x16xf32, #tpu.memory_space<vmem_shared>> -> memref<10000x16xf32, #tpu.memory_space<vmem_shared>>
    tpu.wait_indirect_dma semaphore(%arg44 : memref<!tpu.dma_semaphore, #tpu.memory_space<semaphore_mem>>) src(%arg28 : memref<80x16xf32, #tpu.memory_space<vmem>>) dst(%dma_wait3A_138 : memref<10000x16xf32, #tpu.memory_space<vmem_shared>>)
    %dma_wait3A_139 = arith.constant 0 : i32
    %dma_wait3A_140 = arith.constant 0 : i32
    %dma_wait3A_141 = tpu.memref_slice %arg10[%dma_wait3A_139, %dma_wait3A_140] : memref<10000x128xbf16, #tpu.memory_space<vmem_shared>> -> memref<10000x128xbf16, #tpu.memory_space<vmem_shared>>
    tpu.wait_indirect_dma semaphore(%arg42 : memref<!tpu.dma_semaphore, #tpu.memory_space<semaphore_mem>>) src(%arg23 : memref<80x128xbf16, #tpu.memory_space<vmem>>) dst(%dma_wait3A_141 : memref<10000x128xbf16, #tpu.memory_space<vmem_shared>>)
    %dma_wait3A_142 = arith.constant 0 : i32
    %dma_wait3A_143 = arith.constant 0 : i32
    %dma_wait3A_144 = tpu.memref_slice %arg11[%dma_wait3A_142, %dma_wait3A_143] : memref<10000x16xf32, #tpu.memory_space<vmem_shared>> -> memref<10000x16xf32, #tpu.memory_space<vmem_shared>>
    tpu.wait_indirect_dma semaphore(%arg45 : memref<!tpu.dma_semaphore, #tpu.memory_space<semaphore_mem>>) src(%arg28 : memref<80x16xf32, #tpu.memory_space<vmem>>) dst(%dma_wait3A_144 : memref<10000x16xf32, #tpu.memory_space<vmem_shared>>)
    %barrier3A_145 = arith.constant 0 : index
    tpu.barrier barrier_id(%barrier3A_145)
    %lt3A_146 = arith.constant 15 : i32
    %lt3A_147 = arith.cmpi slt, %arg1, %lt3A_146 : i32
    %convert_element_type3A_148 = arith.extui %lt3A_147 : i1 to i32
    %cond3A_149 = arith.constant 0 : i32
    %cond3A_150 = arith.cmpi ne, %convert_element_type3A_148, %cond3A_149 : i32
    scf.if %cond3A_150 {
      "tpu.region"() ({
        %run_scoped3A = tpu.sem_alloc : memref<!tpu.dma_semaphore, #tpu.memory_space<semaphore_mem>>
        %dma_start3A_156 = arith.constant 0 : i32
        %dma_start3A_157 = tpu.memref_slice %arg7[%arg0, %mul3A_20, %dma_start3A_156] : memref<2x10000x128xbf16, #tpu.memory_space<hbm>> -> memref<1x624x128xbf16, #tpu.memory_space<hbm>>
        %dma_start3A_158 = tpu.memref_squeeze %dma_start3A_157 : memref<1x624x128xbf16, #tpu.memory_space<hbm>> -> memref<624x128xbf16, #tpu.memory_space<hbm>>
        %dma_start3A_159 = arith.constant 0 : i32
        %dma_start3A_160 = tpu.memref_slice %arg10[%mul3A_20, %dma_start3A_159] : memref<10000x128xbf16, #tpu.memory_space<vmem_shared>> -> memref<624x128xbf16, #tpu.memory_space<vmem_shared>>
        tpu.enqueue_dma source(%dma_start3A_160 : memref<624x128xbf16, #tpu.memory_space<vmem_shared>>) target(%dma_start3A_158 : memref<624x128xbf16, #tpu.memory_space<hbm>>) target_semaphore(%run_scoped3A : memref<!tpu.dma_semaphore, #tpu.memory_space<semaphore_mem>>)
        %dma_wait3A_161 = arith.constant 0 : i32
        %dma_wait3A_162 = tpu.memref_slice %arg7[%arg0, %mul3A_20, %dma_wait3A_161] : memref<2x10000x128xbf16, #tpu.memory_space<hbm>> -> memref<1x624x128xbf16, #tpu.memory_space<hbm>>
        %dma_wait3A_163 = tpu.memref_squeeze %dma_wait3A_162 : memref<1x624x128xbf16, #tpu.memory_space<hbm>> -> memref<624x128xbf16, #tpu.memory_space<hbm>>
        %dma_wait3A_164 = arith.constant 0 : i32
        %dma_wait3A_165 = tpu.memref_slice %arg10[%mul3A_20, %dma_wait3A_164] : memref<10000x128xbf16, #tpu.memory_space<vmem_shared>> -> memref<624x128xbf16, #tpu.memory_space<vmem_shared>>
        tpu.wait_dma2 semaphore(%run_scoped3A : memref<!tpu.dma_semaphore, #tpu.memory_space<semaphore_mem>>) src(%dma_wait3A_165 : memref<624x128xbf16, #tpu.memory_space<vmem_shared>>) dst(%dma_wait3A_163 : memref<624x128xbf16, #tpu.memory_space<hbm>>)
        tpu.yield
      }) : () -> ()
      "tpu.region"() ({
        %run_scoped3A = tpu.sem_alloc : memref<!tpu.dma_semaphore, #tpu.memory_space<semaphore_mem>>
        %dma_start3A_156 = arith.constant 0 : i32
        %dma_start3A_157 = tpu.memref_slice %arg8[%arg0, %mul3A_20, %dma_start3A_156] : memref<2x10000x16xf32, #tpu.memory_space<hbm>> -> memref<1x624x16xf32, #tpu.memory_space<hbm>>
        %dma_start3A_158 = tpu.memref_squeeze %dma_start3A_157 : memref<1x624x16xf32, #tpu.memory_space<hbm>> -> memref<624x16xf32, #tpu.memory_space<hbm>>
        %dma_start3A_159 = arith.constant 0 : i32
        %dma_start3A_160 = tpu.memref_slice %arg11[%mul3A_20, %dma_start3A_159] : memref<10000x16xf32, #tpu.memory_space<vmem_shared>> -> memref<624x16xf32, #tpu.memory_space<vmem_shared>>
        tpu.enqueue_dma source(%dma_start3A_160 : memref<624x16xf32, #tpu.memory_space<vmem_shared>>) target(%dma_start3A_158 : memref<624x16xf32, #tpu.memory_space<hbm>>) target_semaphore(%run_scoped3A : memref<!tpu.dma_semaphore, #tpu.memory_space<semaphore_mem>>)
        %dma_wait3A_161 = arith.constant 0 : i32
        %dma_wait3A_162 = tpu.memref_slice %arg8[%arg0, %mul3A_20, %dma_wait3A_161] : memref<2x10000x16xf32, #tpu.memory_space<hbm>> -> memref<1x624x16xf32, #tpu.memory_space<hbm>>
        %dma_wait3A_163 = tpu.memref_squeeze %dma_wait3A_162 : memref<1x624x16xf32, #tpu.memory_space<hbm>> -> memref<624x16xf32, #tpu.memory_space<hbm>>
        %dma_wait3A_164 = arith.constant 0 : i32
        %dma_wait3A_165 = tpu.memref_slice %arg11[%mul3A_20, %dma_wait3A_164] : memref<10000x16xf32, #tpu.memory_space<vmem_shared>> -> memref<624x16xf32, #tpu.memory_space<vmem_shared>>
        tpu.wait_dma2 semaphore(%run_scoped3A : memref<!tpu.dma_semaphore, #tpu.memory_space<semaphore_mem>>) src(%dma_wait3A_165 : memref<624x16xf32, #tpu.memory_space<vmem_shared>>) dst(%dma_wait3A_163 : memref<624x16xf32, #tpu.memory_space<hbm>>)
        tpu.yield
      }) : () -> ()
    } else {
    }
    %eq3A_151 = arith.constant 15 : i32
    %eq3A_152 = arith.cmpi eq, %arg1, %eq3A_151 : i32
    %convert_element_type3A_153 = arith.extui %eq3A_152 : i1 to i32
    %cond3A_154 = arith.constant 0 : i32
    %cond3A_155 = arith.cmpi ne, %convert_element_type3A_153, %cond3A_154 : i32
    scf.if %cond3A_155 {
      "tpu.region"() ({
        %run_scoped3A = tpu.sem_alloc : memref<!tpu.dma_semaphore, #tpu.memory_space<semaphore_mem>>
        %dma_start3A_156 = arith.constant 0 : i32
        %dma_start3A_157 = tpu.memref_slice %arg7[%arg0, %mul3A_20, %dma_start3A_156] : memref<2x10000x128xbf16, #tpu.memory_space<hbm>> -> memref<1x640x128xbf16, #tpu.memory_space<hbm>>
        %dma_start3A_158 = tpu.memref_squeeze %dma_start3A_157 : memref<1x640x128xbf16, #tpu.memory_space<hbm>> -> memref<640x128xbf16, #tpu.memory_space<hbm>>
        %dma_start3A_159 = arith.constant 0 : i32
        %dma_start3A_160 = tpu.memref_slice %arg10[%mul3A_20, %dma_start3A_159] : memref<10000x128xbf16, #tpu.memory_space<vmem_shared>> -> memref<640x128xbf16, #tpu.memory_space<vmem_shared>>
        tpu.enqueue_dma source(%dma_start3A_160 : memref<640x128xbf16, #tpu.memory_space<vmem_shared>>) target(%dma_start3A_158 : memref<640x128xbf16, #tpu.memory_space<hbm>>) target_semaphore(%run_scoped3A : memref<!tpu.dma_semaphore, #tpu.memory_space<semaphore_mem>>)
        %dma_wait3A_161 = arith.constant 0 : i32
        %dma_wait3A_162 = tpu.memref_slice %arg7[%arg0, %mul3A_20, %dma_wait3A_161] : memref<2x10000x128xbf16, #tpu.memory_space<hbm>> -> memref<1x640x128xbf16, #tpu.memory_space<hbm>>
        %dma_wait3A_163 = tpu.memref_squeeze %dma_wait3A_162 : memref<1x640x128xbf16, #tpu.memory_space<hbm>> -> memref<640x128xbf16, #tpu.memory_space<hbm>>
        %dma_wait3A_164 = arith.constant 0 : i32
        %dma_wait3A_165 = tpu.memref_slice %arg10[%mul3A_20, %dma_wait3A_164] : memref<10000x128xbf16, #tpu.memory_space<vmem_shared>> -> memref<640x128xbf16, #tpu.memory_space<vmem_shared>>
        tpu.wait_dma2 semaphore(%run_scoped3A : memref<!tpu.dma_semaphore, #tpu.memory_space<semaphore_mem>>) src(%dma_wait3A_165 : memref<640x128xbf16, #tpu.memory_space<vmem_shared>>) dst(%dma_wait3A_163 : memref<640x128xbf16, #tpu.memory_space<hbm>>)
        tpu.yield
      }) : () -> ()
      "tpu.region"() ({
        %run_scoped3A = tpu.sem_alloc : memref<!tpu.dma_semaphore, #tpu.memory_space<semaphore_mem>>
        %dma_start3A_156 = arith.constant 0 : i32
        %dma_start3A_157 = tpu.memref_slice %arg8[%arg0, %mul3A_20, %dma_start3A_156] : memref<2x10000x16xf32, #tpu.memory_space<hbm>> -> memref<1x640x16xf32, #tpu.memory_space<hbm>>
        %dma_start3A_158 = tpu.memref_squeeze %dma_start3A_157 : memref<1x640x16xf32, #tpu.memory_space<hbm>> -> memref<640x16xf32, #tpu.memory_space<hbm>>
        %dma_start3A_159 = arith.constant 0 : i32
        %dma_start3A_160 = tpu.memref_slice %arg11[%mul3A_20, %dma_start3A_159] : memref<10000x16xf32, #tpu.memory_space<vmem_shared>> -> memref<640x16xf32, #tpu.memory_space<vmem_shared>>
        tpu.enqueue_dma source(%dma_start3A_160 : memref<640x16xf32, #tpu.memory_space<vmem_shared>>) target(%dma_start3A_158 : memref<640x16xf32, #tpu.memory_space<hbm>>) target_semaphore(%run_scoped3A : memref<!tpu.dma_semaphore, #tpu.memory_space<semaphore_mem>>)
        %dma_wait3A_161 = arith.constant 0 : i32
        %dma_wait3A_162 = tpu.memref_slice %arg8[%arg0, %mul3A_20, %dma_wait3A_161] : memref<2x10000x16xf32, #tpu.memory_space<hbm>> -> memref<1x640x16xf32, #tpu.memory_space<hbm>>
        %dma_wait3A_163 = tpu.memref_squeeze %dma_wait3A_162 : memref<1x640x16xf32, #tpu.memory_space<hbm>> -> memref<640x16xf32, #tpu.memory_space<hbm>>
        %dma_wait3A_164 = arith.constant 0 : i32
        %dma_wait3A_165 = tpu.memref_slice %arg11[%mul3A_20, %dma_wait3A_164] : memref<10000x16xf32, #tpu.memory_space<vmem_shared>> -> memref<640x16xf32, #tpu.memory_space<vmem_shared>>
        tpu.wait_dma2 semaphore(%run_scoped3A : memref<!tpu.dma_semaphore, #tpu.memory_space<semaphore_mem>>) src(%dma_wait3A_165 : memref<640x16xf32, #tpu.memory_space<vmem_shared>>) dst(%dma_wait3A_163 : memref<640x16xf32, #tpu.memory_space<hbm>>)
        tpu.yield
      }) : () -> ()
    } else {
    }
    return
  }
}

module attributes {stable_mosaic.version = 14 : i64} {
  func.func @_tc_body(%arg0: i32, %arg1: memref<2x1000x128xbf16, #tpu.memory_space<vmem>>, %arg2: memref<2x1000x16xf32, #tpu.memory_space<vmem>>, %arg3: memref<1000x128xf32, #tpu.memory_space<vmem>>, %arg4: memref<1000x128xf32, #tpu.memory_space<vmem>>, %arg5: memref<1000x128xf32, #tpu.memory_space<vmem>>, %arg6: memref<512x128xf32, #tpu.memory_space<vmem>>, %arg7: memref<512x128xf32, #tpu.memory_space<vmem>>, %arg8: memref<1x512xf32, #tpu.memory_space<vmem>>, %arg9: memref<1000x128xf32, #tpu.memory_space<vmem>>) attributes {dimension_semantics = [#tpu.dimension_semantics<arbitrary>], iteration_bounds = array<i64: 10>, scalar_prefetch = 0 : i64, scratch_operands = 0 : i64, tpu.core_type = #tpu.core_type<tc>, window_params = [{transform_indices = @transform_0, window_bounds = array<i64: 2, 1000, 128>}, {transform_indices = @transform_1, window_bounds = array<i64: 2, 1000, 16>}, {transform_indices = @transform_2, window_bounds = array<i64: 1000, 128>}, {transform_indices = @transform_3, window_bounds = array<i64: 1000, 128>}, {transform_indices = @transform_4, window_bounds = array<i64: 1000, 128>}, {pipeline_mode = #tpu.pipeline_mode<synchronous>, transform_indices = @transform_5, window_bounds = array<i64: 512, 128>}, {pipeline_mode = #tpu.pipeline_mode<synchronous>, transform_indices = @transform_6, window_bounds = array<i64: 512, 128>}, {pipeline_mode = #tpu.pipeline_mode<synchronous>, transform_indices = @transform_7, window_bounds = array<i64: 1, 512>}, {transform_indices = @transform_8, window_bounds = array<i64: 1000, 128>}]} {
    %get3A = arith.constant 0 : index
    %get3A_0 = arith.constant 0 : index
    %get3A_1 = arith.constant 0 : index
    %get3A_2 = vector.load %arg1[%get3A, %get3A_0, %get3A_1] : memref<2x1000x128xbf16, #tpu.memory_space<vmem>>, vector<1x1000x128xbf16>
    %get3A_3 = vector.shape_cast %get3A_2 : vector<1x1000x128xbf16> to vector<1000x128xbf16>
    %convert_element_type3A = arith.extf %get3A_3 : vector<1000x128xbf16> to vector<1000x128xf32>
    %get3A_4 = arith.constant 1 : index
    %get3A_5 = arith.constant 0 : index
    %get3A_6 = arith.constant 0 : index
    %get3A_7 = vector.load %arg1[%get3A_4, %get3A_5, %get3A_6] : memref<2x1000x128xbf16, #tpu.memory_space<vmem>>, vector<1x1000x128xbf16>
    %get3A_8 = vector.shape_cast %get3A_7 : vector<1x1000x128xbf16> to vector<1000x128xbf16>
    %convert_element_type3A_9 = arith.extf %get3A_8 : vector<1000x128xbf16> to vector<1000x128xf32>
    %add3A = arith.addf %convert_element_type3A, %convert_element_type3A_9 : vector<1000x128xf32>
    %get3A_10 = arith.constant 0 : index
    %get3A_11 = arith.constant 0 : index
    %get3A_12 = arith.constant 0 : index
    %get3A_13 = vector.load %arg2[%get3A_10, %get3A_11, %get3A_12] : memref<2x1000x16xf32, #tpu.memory_space<vmem>>, vector<1x1000x1xf32>
    %get3A_14 = vector.shape_cast %get3A_13 : vector<1x1000x1xf32> to vector<1000x1xf32>
    %get3A_15 = arith.constant 1 : index
    %get3A_16 = arith.constant 0 : index
    %get3A_17 = arith.constant 0 : index
    %get3A_18 = vector.load %arg2[%get3A_15, %get3A_16, %get3A_17] : memref<2x1000x16xf32, #tpu.memory_space<vmem>>, vector<1x1000x1xf32>
    %get3A_19 = vector.shape_cast %get3A_18 : vector<1x1000x1xf32> to vector<1000x1xf32>
    %add3A_20 = arith.addf %get3A_14, %get3A_19 : vector<1000x1xf32>
    %max3A = arith.constant 1.000000e+00 : f32
    %max3A_21 = vector.broadcast %max3A : f32 to vector<1000x1xf32>
    %max3A_22 = arith.maximumf %add3A_20, %max3A_21 : vector<1000x1xf32>
    %div3A = vector.broadcast %max3A_22 : vector<1000x1xf32> to vector<1000x128xf32>
    %div3A_23 = arith.divf %add3A, %div3A : vector<1000x128xf32>
    %get3A_24 = arith.constant 0 : index
    %get3A_25 = arith.constant 0 : index
    %get3A_26 = vector.load %arg4[%get3A_24, %get3A_25] : memref<1000x128xf32, #tpu.memory_space<vmem>>, vector<1000x128xf32>
    %add3A_27 = arith.addf %get3A_26, %div3A_23 : vector<1000x128xf32>
    %get3A_28 = arith.constant 0 : index
    %get3A_29 = arith.constant 0 : index
    %get3A_30 = vector.load %arg3[%get3A_28, %get3A_29] : memref<1000x128xf32, #tpu.memory_space<vmem>>, vector<1000x128xf32>
    %get3A_31 = arith.constant 0 : index
    %get3A_32 = arith.constant 0 : index
    %get3A_33 = vector.load %arg6[%get3A_31, %get3A_32] : memref<512x128xf32, #tpu.memory_space<vmem>>, vector<512x128xf32>
    %dot_general3A = arith.constant dense<0.000000e+00> : vector<1000x512xf32>
    %dot_general3A_34 = tpu.matmul %get3A_30, %get3A_33, %dot_general3A {dimension_numbers = #tpu.dot_dimension_numbers<[1], [1], [0], [0], [0, 0, 1, 0], [], []>, transpose_lhs_hint = false} : vector<1000x128xf32>, vector<512x128xf32>, vector<1000x512xf32> -> vector<1000x512xf32>
    %get3A_35 = arith.constant 0 : index
    %get3A_36 = arith.constant 0 : index
    %get3A_37 = vector.load %arg7[%get3A_35, %get3A_36] : memref<512x128xf32, #tpu.memory_space<vmem>>, vector<512x128xf32>
    %dot_general3A_38 = arith.constant dense<0.000000e+00> : vector<1000x512xf32>
    %dot_general3A_39 = tpu.matmul %add3A_27, %get3A_37, %dot_general3A_38 {dimension_numbers = #tpu.dot_dimension_numbers<[1], [1], [0], [0], [0, 0, 1, 0], [], []>, transpose_lhs_hint = false} : vector<1000x128xf32>, vector<512x128xf32>, vector<1000x512xf32> -> vector<1000x512xf32>
    %add3A_40 = arith.addf %dot_general3A_34, %dot_general3A_39 : vector<1000x512xf32>
    %get3A_41 = arith.constant 0 : index
    %get3A_42 = arith.constant 0 : index
    %get3A_43 = vector.load %arg8[%get3A_41, %get3A_42] : memref<1x512xf32, #tpu.memory_space<vmem>>, vector<1x512xf32>
    %add3A_44 = vector.broadcast %get3A_43 : vector<1x512xf32> to vector<1000x512xf32>
    %add3A_45 = arith.addf %add3A_40, %add3A_44 : vector<1000x512xf32>
    %slice3A = vector.extract_strided_slice %add3A_45 {offsets = [0, 0], sizes = [1000, 128], strides = [1, 1]} : vector<1000x512xf32> to vector<1000x128xf32>
    %logistic3A = arith.negf %slice3A : vector<1000x128xf32>
    %logistic3A_46 = math.exp %logistic3A : vector<1000x128xf32>
    %logistic3A_47 = arith.constant 1.000000e+00 : f32
    %logistic3A_48 = vector.broadcast %logistic3A_47 : f32 to vector<1000x128xf32>
    %logistic3A_49 = arith.addf %logistic3A_48, %logistic3A_46 : vector<1000x128xf32>
    %logistic3A_50 = arith.divf %logistic3A_48, %logistic3A_49 : vector<1000x128xf32>
    %slice3A_51 = vector.extract_strided_slice %add3A_45 {offsets = [0, 128], sizes = [1000, 128], strides = [1, 1]} : vector<1000x512xf32> to vector<1000x128xf32>
    %logistic3A_52 = arith.negf %slice3A_51 : vector<1000x128xf32>
    %logistic3A_53 = math.exp %logistic3A_52 : vector<1000x128xf32>
    %logistic3A_54 = arith.constant 1.000000e+00 : f32
    %logistic3A_55 = vector.broadcast %logistic3A_54 : f32 to vector<1000x128xf32>
    %logistic3A_56 = arith.addf %logistic3A_55, %logistic3A_53 : vector<1000x128xf32>
    %logistic3A_57 = arith.divf %logistic3A_55, %logistic3A_56 : vector<1000x128xf32>
    %slice3A_58 = vector.extract_strided_slice %add3A_45 {offsets = [0, 256], sizes = [1000, 128], strides = [1, 1]} : vector<1000x512xf32> to vector<1000x128xf32>
    %tanh3A = math.tanh %slice3A_58 : vector<1000x128xf32>
    %slice3A_59 = vector.extract_strided_slice %add3A_45 {offsets = [0, 384], sizes = [1000, 128], strides = [1, 1]} : vector<1000x512xf32> to vector<1000x128xf32>
    %logistic3A_60 = arith.negf %slice3A_59 : vector<1000x128xf32>
    %logistic3A_61 = math.exp %logistic3A_60 : vector<1000x128xf32>
    %logistic3A_62 = arith.constant 1.000000e+00 : f32
    %logistic3A_63 = vector.broadcast %logistic3A_62 : f32 to vector<1000x128xf32>
    %logistic3A_64 = arith.addf %logistic3A_63, %logistic3A_61 : vector<1000x128xf32>
    %logistic3A_65 = arith.divf %logistic3A_63, %logistic3A_64 : vector<1000x128xf32>
    %get3A_66 = arith.constant 0 : index
    %get3A_67 = arith.constant 0 : index
    %get3A_68 = vector.load %arg5[%get3A_66, %get3A_67] : memref<1000x128xf32, #tpu.memory_space<vmem>>, vector<1000x128xf32>
    %mul3A = arith.mulf %logistic3A_57, %get3A_68 : vector<1000x128xf32>
    %mul3A_69 = arith.mulf %logistic3A_50, %tanh3A : vector<1000x128xf32>
    %add3A_70 = arith.addf %mul3A, %mul3A_69 : vector<1000x128xf32>
    %tanh3A_71 = math.tanh %add3A_70 : vector<1000x128xf32>
    %mul3A_72 = arith.mulf %logistic3A_65, %tanh3A_71 : vector<1000x128xf32>
    %swap3A = arith.constant 0 : index
    %swap3A_73 = arith.constant 0 : index
    %swap3A_74 = vector.load %arg9[%swap3A, %swap3A_73] : memref<1000x128xf32, #tpu.memory_space<vmem>>, vector<1000x128xf32>
    tpu.vector_store %arg9[%swap3A, %swap3A_73], %mul3A_72 {strides = array<i32>} : memref<1000x128xf32, #tpu.memory_space<vmem>>, vector<1000x128xf32>,
    return
  }
  func.func @transform_0(%arg0: i32) -> (i32, i32, i32) {
    %c0_i32 = arith.constant 0 : i32
    %c0_i32_0 = arith.constant 0 : i32
    %c0_i32_1 = arith.constant 0 : i32
    return %c0_i32, %arg0, %c0_i32_0 : i32, i32, i32
  }
  func.func @transform_1(%arg0: i32) -> (i32, i32, i32) {
    %c0_i32 = arith.constant 0 : i32
    %c0_i32_0 = arith.constant 0 : i32
    %c0_i32_1 = arith.constant 0 : i32
    return %c0_i32, %arg0, %c0_i32_0 : i32, i32, i32
  }
  func.func @transform_2(%arg0: i32) -> (i32, i32) {
    %c0_i32 = arith.constant 0 : i32
    %c0_i32_0 = arith.constant 0 : i32
    return %arg0, %c0_i32 : i32, i32
  }
  func.func @transform_3(%arg0: i32) -> (i32, i32) {
    %c0_i32 = arith.constant 0 : i32
    %c0_i32_0 = arith.constant 0 : i32
    return %arg0, %c0_i32 : i32, i32
  }
  func.func @transform_4(%arg0: i32) -> (i32, i32) {
    %c0_i32 = arith.constant 0 : i32
    %c0_i32_0 = arith.constant 0 : i32
    return %arg0, %c0_i32 : i32, i32
  }
  func.func @transform_5(%arg0: i32) -> (i32, i32) {
    %c0_i32 = arith.constant 0 : i32
    %c0_i32_0 = arith.constant 0 : i32
    %c0_i32_1 = arith.constant 0 : i32
    return %c0_i32, %c0_i32_0 : i32, i32
  }
  func.func @transform_6(%arg0: i32) -> (i32, i32) {
    %c0_i32 = arith.constant 0 : i32
    %c0_i32_0 = arith.constant 0 : i32
    %c0_i32_1 = arith.constant 0 : i32
    return %c0_i32, %c0_i32_0 : i32, i32
  }
  func.func @transform_7(%arg0: i32) -> (i32, i32) {
    %c0_i32 = arith.constant 0 : i32
    %c0_i32_0 = arith.constant 0 : i32
    %c0_i32_1 = arith.constant 0 : i32
    return %c0_i32, %c0_i32_0 : i32, i32
  }
  func.func @transform_8(%arg0: i32) -> (i32, i32) {
    %c0_i32 = arith.constant 0 : i32
    %c0_i32_0 = arith.constant 0 : i32
    return %arg0, %c0_i32 : i32, i32
  }
}

</mosaic_0001>

<sc_bundles>
// kernel: kernel.4.cloned.1.call-start
scs
__scs_entry_jumppad:
0x0: {  	(pc) =	sbr.rel $0x88, $3  }
0x1: {  	(tag) =	ssettag $0x0;
	lr =	simm.s32 $0x1  }
0x2: {  	[smem:$0x3F96] =	sst lr;
	_ =	strace $0xD0000000  }
0x3: {  	_ = 	snop  }
0x4: {  	_ = 	snop  }
0x5: {  	_ = 	snop  }
0x6: {  	_ = 	snop  }
0x7: {  	_ = 	snop  }
__scs_overlays_trampoline_lowered:
0x8: {  	[smem:$0x3FA5] =	sst s0  }
0x9: {  	[smem:$0x3FA6] =	sst s1  }
0xa: {  	[smem:$0x3FA7] =	sst s2  }
0xb: {  	[smem:$0x3FA8] =	sst s3  }
0xc: {  	[smem:$0x3FA9] =	sst s4  }
0xd: {  	[smem:$0x3FAA] =	sst s5  }
0xe: {  	[smem:$0x3FAB] =	sst s6  }
0xf: {  	[smem:$0x3FAC] =	sst s7  }
0x10: {  	[smem:$0x3FAD] =	sst s8  }
0x11: {  	[smem:$0x3FAE] =	sst s9;
	s0 =	simm.s32 @!p0 $0x0  }
0x12: {  	s1 =	sld [smem:$0x3F94];
	s0 =	simm.s32 @p0 $0x1  }
0x13: {  	[smem:$0x3FAF] =	sst s0;
	s0 =	simm.s32 @!p1 $0x0  }
0x14: {  	s2 =	sld [smem:$0x3F93];
	s0 =	simm.s32 @p1 $0x1  }
0x15: {  	[smem:$0x3FB0] =	sst s0;
	s0 =	simm.s32 @!p2 $0x0  }
0x16: {  	s3 =	sld [smem:$0x3FDB];
	s0 =	simm.s32 @p2 $0x1  }
0x17: {  	s4 =	simm.s32 $0x1BF5;
	[smem:$0x3FB2] =	sst s0  }
0x18: {  	s0 =	sld [smem:$0x3F95];
	_ =	swait.ge [sflag:s4], $0x0  }
0x19: {  	s7 =	sld [smem:$0x3F96]  }
0x1a: {  	s8 =	sadd.s32 $0xFFFFE003, lr  }
0x1b: {  	s9 =	sadd.s32 $0xFFFFFEF7, lr;
	s5 =	simm.s32 $0xFFFFFFFF;
	p2 =	slt.u32 s8, $0xFFFFF086  }
0x1c: {  	p1 =	slt.u32 s9, $0xF7A;
	s5 =	simm.s32 @!p2 $0x0  }
0x1d: {  	s5 =	simm.s32 @p1 $0x1;
	p0 =	seq.s32 s7, s2  }
0x1e: {  	s7 =	smul.u32 @!p0 $0xF7A, s2;
	p2 =	seq.s32 @!p0 s5, $0x0  }
0x1f: {  	s9 =	smul.u32 $0xF7A, s1;
	s8 =	simm.s32 @!p0 $0x1BF5;
	p2 =	por !p2, p0  }
0x20: {  	[sflag:s8] =	ssyncset.s32 @!p0 $0xFFFFF086;
	s6 =	sadd.s32 @!p0 s3, s7;
	s7 =	simm.s32 @!p0 $0x108  }
0x21: {  	s3 =	sadd.s32 s3, s9;
	s6 =	sadd.s32 @!p0 $0x88, s6;
	s7 =	simm.s32 @p2 $0x1082  }
0x22: {  	[simem:s7], [sflag:s8] =	dma.local @!p0 [hbm:s6], $0xF7A  }
0x23: {  	s9 =	sor.u32 $0xD0000000, s2;
	s6 =	simm.s32 $0x108;
	_ =	swait.ge @!p0 [sflag:s8], $0x0  }
0x24: {  	s3 =	sadd.s32 $0x88, s3;
	s6 =	simm.s32 @!p1 $0x1082;
	[sflag:s4] =	ssyncset.s32 $0xFFFFF086  }
0x25: {  	[simem:s6], [sflag:s4] =	dma.local [hbm:s3], $0xF7A  }
0x26: {  	[smem:$0x3F96] =	sst s1;
	(tag) =	ssettag s2;
	_ =	strace s9  }
0x27: {  	s1 =	sld [smem:$0x3FA6]  }
0x28: {  	s2 =	sld [smem:$0x3FA7]  }
0x29: {  	s4 =	sld [smem:$0x3FA9]  }
0x2a: {  	p0 =	seq.s32 s5, $0x0;
	s5 =	sld [smem:$0x3FAA]  }
0x2b: {  	s6 =	sld [smem:$0x3FAB]  }
0x2c: {  	s7 =	sld [smem:$0x3FAC]  }
0x2d: {  	s3 =	simm.s32 $0x108;
	s8 =	sld [smem:$0x3FAD]  }
0x2e: {  	s3 =	simm.s32 @!p0 $0x1082;
	s9 =	sld [smem:$0x3FAE]  }
0x2f: {  	lr =	sadd.s32 s0, s3;
	s0 =	sld [smem:$0x3FA5]  }
0x30: {  	s3 =	sld [smem:$0x3FA8]  }
0x31: {  	[smem:$0x3FB1] =	sst s10  }
0x32: {  	s10 =	sld [smem:$0x3FAF];
	_ =	sdelay $0x3  }
0x33: {  	p0 =	seq.s32 s10, $0x1;
	s10 =	sld [smem:$0x3FB1];
	_ =	sdelay $0x3  }
0x34: {  	[smem:$0x3FB1] =	sst s10  }
0x35: {  	s10 =	sld [smem:$0x3FB0];
	_ =	sdelay $0x3  }
0x36: {  	p1 =	seq.s32 s10, $0x1;
	s10 =	sld [smem:$0x3FB1];
	_ =	sdelay $0x3  }
0x37: {  	[smem:$0x3FB1] =	sst s10  }
0x38: {  	s10 =	sld [smem:$0x3FB2]  }
0x39: {  	_ = 	snop;
	(pc) =	sbr.ind lr, $3  }
0x3a: {  	_ = 	snop  }
0x3b: {  	_ = 	snop  }
0x3c: {  	p2 =	seq.s32 s10, $0x1;
	s10 =	sld [smem:$0x3FB1]  }
0x3d: {  	_ =	shalt  }
0x3e: {  	_ =	shalt  }
0x3f: {  	_ =	shalt  }
0x40: {  	_ =	shalt  }
0x41: {  	_ =	shalt  }
0x42: {  	_ =	shalt  }
0x43: {  	_ =	shalt  }
0x44: {  	_ =	shalt  }
0x45: {  	_ =	shalt  }
0x46: {  	_ =	shalt  }
0x47: {  	_ =	shalt  }
0x48: {  	_ =	shalt  }
0x49: {  	_ =	shalt  }
0x4a: {  	_ =	shalt  }
0x4b: {  	_ =	shalt  }
0x4c: {  	_ =	shalt  }
0x4d: {  	_ =	shalt  }
0x4e: {  	_ =	shalt  }
0x4f: {  	_ =	shalt  }
0x50: {  	_ =	shalt  }
0x51: {  	_ =	shalt  }
0x52: {  	_ =	shalt  }
0x53: {  	_ =	shalt  }
0x54: {  	_ =	shalt  }
0x55: {  	_ =	shalt  }
0x56: {  	_ =	shalt  }
0x57: {  	_ =	shalt  }
0x58: {  	_ =	shalt  }
0x59: {  	_ =	shalt  }
0x5a: {  	_ =	shalt  }
0x5b: {  	_ =	shalt  }
0x5c: {  	_ =	shalt  }
0x5d: {  	_ =	shalt  }
0x5e: {  	_ =	shalt  }
0x5f: {  	_ =	shalt  }
0x60: {  	_ =	shalt  }
0x61: {  	_ =	shalt  }
0x62: {  	_ =	shalt  }
0x63: {  	_ =	shalt  }
0x64: {  	_ =	shalt  }
0x65: {  	_ =	shalt  }
0x66: {  	_ =	shalt  }
0x67: {  	_ =	shalt  }
0x68: {  	_ =	shalt  }
0x69: {  	_ =	shalt  }
0x6a: {  	_ =	shalt  }
0x6b: {  	_ =	shalt  }
0x6c: {  	_ =	shalt  }
0x6d: {  	_ =	shalt  }
0x6e: {  	_ =	shalt  }
0x6f: {  	_ =	shalt  }
0x70: {  	_ =	shalt  }
0x71: {  	_ =	shalt  }
0x72: {  	_ =	shalt  }
0x73: {  	_ =	shalt  }
0x74: {  	_ =	shalt  }
0x75: {  	_ =	shalt  }
0x76: {  	_ =	shalt  }
0x77: {  	_ =	shalt  }
0x78: {  	_ =	shalt  }
0x79: {  	_ =	shalt  }
0x7a: {  	_ =	shalt  }
0x7b: {  	_ =	shalt  }
0x7c: {  	_ =	shalt  }
0x7d: {  	_ =	shalt  }
0x7e: {  	_ =	shalt  }
0x7f: {  	_ =	shalt  }
0x80: {  	_ =	shalt  }
0x81: {  	_ =	shalt  }
0x82: {  	_ =	shalt  }
0x83: {  	_ =	shalt  }
0x84: {  	_ =	shalt  }
0x85: {  	_ =	shalt  }
0x86: {  	_ =	shalt  }
0x87: {  	_ =	shalt  }
.Lfunc_end0:
.L_simem_size_0:
called_computation_lowered:
.L_overlay_start_0:
0x88: {  	s2 =	sld [smem:$0x3FD9]  }
0x89: {  	s3 =	sld [smem:$0x3FFE];
	_ =	sdelay $0x1  }
0x8a: {  	s1 =	srdreg.scid  }
0x8b: {  	s0 =	sand.u32 $0x1, s1  }
0x8c: {  	s17 =	sshll.u32 s0, $0xA;
	s2 =	sadd.s32 s3, s2  }
0x8d: {  	s2 =	sadd.s32 s2, s17  }
0x8e: {  	[smem:$0x3FBD] =	sst s2  }
0x8f: {  	_ = 	snop  }
0x90: {  	s2 =	sld [smem:$0x3FC7]  }
0x91: {  	s18 =	sld [smem:$0x3FD0];
	(tm) =	ssettm $0x1  }
0x92: {  	s4 =	sld [smem:$0x3FFB];
	_ =	sdelay $0x3  }
0x93: {  	_ =	strace s4  }
0x94: {  	s4 =	sld [smem:$0x3FFC];
	_ =	sdelay $0x3  }
0x95: {  	_ =	strace s4  }
0x96: {  	s4 =	sld [smem:$0x3FFD];
	_ =	sdelay $0x3  }
0x97: {  	_ =	strace s4  }
0x98: {  	_ =	strace $0x8FFFFFFF  }
0x99: {  	s19 =	sld [smem:$0x3FDB];
	_ =	sdelay $0x1  }
0x9a: {  	s5 =	simm.s32 $_scs_section_size  }
0x9b: {  	s6 =	simm.s32 $_size__tile_overlayer_lowered;
	s7 =	simm.s32 $_tile_overlayer_lowered  }
0x9c: {  	s22 =	simm.s32 $0x1BFF;
	s21 =	sshll.u32 s7, $0x1;
	s4 =	sadd.s32 s5, s19  }
0x9d: {  	s8 =	simm.s32 $0x0;
	s20 =	sshll.u32 s6, $0x1;
	s6 =	sadd.s32 s21, s4  }
0x9e: {  	[timem:s8], [sflag:s22] =	dma.local [hbm:s6], s20  }
0x9f: {  	_ =	swait.ge [sflag:s22], s20  }
0xa0: {  	s5 =	ssub.s32 $0x0, s20;
	[sflag:s22] =	ssyncset.done $0x0  }
0xa1: {  	[sflag:s22] =	ssyncadd.s32 s5;
	_ =	sdelay $0x1  }
0xa2: {  	s23 =	simm.s32 $0x1B8B  }
0xa3: {  	_ =	swait.ge [sflag:s23], $0x1  }
0xa4: {  	[sflag:s23] =	ssyncset.done $0x0  }
0xa5: {  	s25 =	simm.s32 $0x1B8E;
	s24 =	sld [smem:$0x3FFE];
	[sflag:s23] =	ssyncadd.s32 $0xFFFFFFFF  }
0xa6: {  	s26 =	simm.s32 $execute0_lowered;
	[smem:$0x3FD2] =	sst s25  }
0xa7: {  	s6 =	sshll.u32 s26, $0x1;
	_ =	strace $0x80000046;
	[dreg:$0x1] =	wrdreg $0xFFFFFFFF  }
0xa8: {  	s28 =	simm.s32 $_size_execute0_lowered;
	s4 =	sadd.s32 s4, s6;
	[dreg:$0x0] =	wrdreg $0x0  }
0xa9: {  	s6 =	sshll.u32 s28, $0x1;
	[dreg:$0x2] =	wrdreg s4  }
0xaa: {  	[dreg:$0x3] =	wrdreg s6  }
0xab: {  	[dreg:$0x4] =	wrdreg $0xC0  }
0xac: {  	_ =	task [dreg:s8], $0x5FFFF  }
0xad: {  	[dreg:$0x1] =	wrdreg $0xFFFFFFFF  }
0xae: {  	[dreg:$0x0] =	wrdreg $0x60  }
0xaf: {  	[dreg:$0x2] =	wrdreg s24  }
0xb0: {  	[dreg:$0x3] =	wrdreg s2  }
0xb1: {  	[dreg:$0x4] =	wrdreg s18  }
0xb2: {  	[dreg:$0x5] =	wrdreg $0x0  }
0xb3: {  	[dreg:$0x6] =	wrdreg $0xC3D00  }
0xb4: {  	[dreg:$0x7] =	wrdreg $0x800  }
0xb5: {  	[dreg:$0x8] =	wrdreg $0x9CC00  }
0xb6: {  	[dreg:$0x9] =	wrdreg $0x9  }
0xb7: {  	_ =	task.clear_ibuf [dreg:s8], $0xAFFFF;
	_ =	strace $0x90000046  }
0xb8: {  	s29 =	simm.s32 $0x9;
	_ =	strace $0x80000048  }
0xb9: {  	_ =	swait.ge [sflag:s29], $0x1  }
0xba: {  	[sflag:s29] =	ssyncadd.s32 $0xFFFFFFFF  }
0xbb: {  	_ =	strace $0x90000048  }
0xbc: {  	_ =	sfence  }
0xbd: {  	s30 =	sld [smem:$0x0];
	_ =	sdelay $0x2  }
0xbe: {  	s31 =	sshll.u32 s1, $0xD;
	s1 =	sshrl.u32 s1, $0x2  }
0xbf: {  	s3 =	sand.u32 $0x4000, s31;
	s1 =	sadd.s32 s1, s30  }
0xc0: {  	s0 =	sor.u32 s3, s0;
	s1 =	sshll.u32 s1, $0x11  }
0xc1: {  	s0 =	sor.u32 s1, s0  }
0xc2: {  	s0 =	sadd.s32 $0x8F2B, s0  }
0xc3: {  	[sflag:s0] =	ssyncadd.remote.s32 $0x1  }
0xc4: {  	_ =	sfence.sel $0xFFFF  }
0xc5: {  	[dreg:$0x0] =	wrdreg $0xFFFFFFFF;
	(pc) =	sbr.abs _section_cstart, $3  }
0xc6: {  	[dreg:$0x1] =	wrdreg $0xFFFFFFFF  }
0xc7: {  	_ =	task.clear_ibuf [dreg:s8], $0x2FFFF;
	_ =	strace $0x9FFFFFFF  }
0xc8: {  	(tm) =	ssettm $0x7FFFFFFF  }
0xc9: {  	_ =	shalt  }
tec
execute0_lowered:
.L_overlay_start_1:
0x0: {  	(tag) =	ssettag $0x1  }
0x1: {  	s0 =	rddreg [dreg:$0x0]  }
0x2: {  	s2 =	rddreg [dreg:$0x1]  }
0x3: {  	s3 =	rddreg [dreg:$0x2]  }
0x4: {  	s18 =	rddreg [dreg:$0x4]  }
0x5: {  	s17 =	rddreg [dreg:$0x5]  }
0x6: {  	s19 =	rddreg [dreg:$0x6]  }
0x7: {  	s6 =	simm.s32 $0x0;
	s5 =	stileid.u32;
	s1 =	srdreg.scid  }
0x8: {  	s28 =	simm.s32 $0x16240;
	s30 =	simm.s32 $0x7;
	s31 =	simm.s32 $0xA  }
0x9: {  	s29 =	simm.s32 $0xC;
	[smem:$0x7FF] =	sst s6;
	s4 =	smul.u32 $0x13800, s5  }
0xa: {  	s8 =	sadd.s32 $0x1FE00, s0;
	s9 =	sadd.s32 $0x16000, s0;
	s10 =	sand.u32 $0x1, s1  }
0xb: {  	s15 =	sadd.s32 $0x2400, s0;
	s1 =	smul.u32 $0x270, s5;
	s14 =	sadd.s32 $0x29C00, s0  }
0xc: {  	p0 =	sne.s32 s5, $0x0;
	p1 =	seq.s32 s5, $0xF;
	_ =	strace $0x80000047  }
0xd: {  	[dreg:$0x8] =	wrdreg s15;
	s11 =	ssub.s32 $0x2, s10;
	s13 =	sshll.u32 s10, $0x4  }
0xe: {  	s22 =	smul.u32 $0x27100, s10;
	s7 =	sshrl.u32 s4, $0x4;
	s12 =	sshrl.u32 s11, $0x1  }
0xf: {  	s16 =	sor.u32 s5, s13;
	s13 =	sshrl.u32 s4, $0x1;
	s15 =	sadd.s32 $0x230, s1  }
0x10: {  	s7 =	sadd.s32 s7, s0;
	s11 =	ssub.s32 s11, s12;
	s12 =	smul.u32 $0x2710, s16  }
0x11: {  	s20 =	sshll.u32 s15, $0x6;
	s16 =	smul.u32 $0x138800, s10;
	s0 =	sadd.s32 $0x14A80, s0  }
0x12: {  	s23 =	sshll.u32 s15, $0x4;
	s7 =	sadd.s32 $0x2600, s7;
	[dreg:$0xa] =	wrdreg s0  }
0x13: {  	s10 =	smul.u32 $0x2700, s5;
	s21 =	sadd.s32 s20, s17;
	[dreg:$0x9] =	wrdreg s7  }
0x14: {  	s0 =	sshrl.u32 s22, $0x3;
	s11 =	smax.u32 s11, $0x1;
	[dreg:$0xb] =	wrdreg s21  }
0x15: {  	s4 =	sadd.s32 s4, s16;
	s7 =	sadd.s32 s23, s19;
	[dreg:$0x1a] =	wrdreg s11  }
0x16: {  	s24 =	sshrl.u32 s16, $0x4;
	s15 =	sadd.s32 $0x50, s12;
	[dreg:$0xc] =	wrdreg s7  }
0x17: {  	s25 =	sadd.s32 s10, s22;
	s22 =	sadd.s32 $0xA0, s12;
	[dreg:$0xf] =	wrdreg s15  }
0x18: {  	s26 =	sshrl.u32 s12, $0x3;
	s23 =	sadd.s32 $0xF0, s12;
	[dreg:$0x15] =	wrdreg s22  }
0x19: {  	s0 =	sadd.s32 s14, s0;
	s16 =	sadd.s32 s8, s26;
	[dreg:$0x16] =	wrdreg s23  }
0x1a: {  	s10 =	sadd.s32 s10, s19;
	s20 =	sadd.s32 s2, s26;
	[dreg:$0x10] =	wrdreg s16  }
0x1b: {  	s4 =	sshrl.u32 s4, $0x4;
	s0 =	sadd.s32 $0x4920, s0;
	[dreg:$0x11] =	wrdreg s20  }
0x1c: {  	s7 =	sadd.s32 s13, s17;
	s4 =	sadd.s32 s3, s4;
	[dreg:$0x19] =	wrdreg s0  }
0x1d: {  	s3 =	sadd.s32 s3, s24;
	s24 =	sadd.s32 $0x140, s12;
	[dreg:$0xd] =	wrdreg s4  }
0x1e: {  	s23 =	sadd.s32 $0xF0, s1;
	s4 =	sshrl.u32 s25, $0x3;
	[dreg:$0x17] =	wrdreg s24  }
0x1f: {  	s25 =	smul.u32 $0x27000, s5;
	s4 =	sadd.s32 s14, s4;
	s14 =	sadd.s32 s9, s26  }
0x20: {  	s26 =	sadd.s32 $0x12480, s3;
	[dreg:$0xe] =	wrdreg s4;
	s4 =	sshrl.u32 s15, $0x3  }
0x21: {  	[dreg:$0x18] =	wrdreg s26;
	s12 =	sshrl.u32 s25, $0x2;
	s15 =	sadd.s32 $0x50, s1  }
0x22: {  	s25 =	sshll.u32 s23, $0x6;
	s26 =	sshll.u32 s23, $0x4;
	[dreg:$0x12] =	wrdreg s14  }
0x23: {  	s21 =	sadd.s32 s8, s4;
	s2 =	sadd.s32 s2, s4;
	s4 =	sadd.s32 s13, s18  }
0x24: {  	s0 =	sadd.s32 s12, s17;
	s16 =	sshll.u32 s15, $0x6;
	[dreg:$0x13] =	wrdreg s21  }
0x25: {  	s3 =	sshll.u32 s15, $0x4;
	s12 =	sadd.s32 $0x190, s1;
	[dreg:$0x14] =	wrdreg s2  }
0x26: {  	s2 =	smul.u32 $0x9C00, s5;
	[dreg:$0x1b] =	wrdreg s0;
	s20 =	sadd.s32 s3, s19  }
0x27: {  	s21 =	sadd.s32 $0xA0, s1;
	s15 =	sshll.u32 s12, $0x6;
	s3 =	sshrl.u32 @!p1 s4, $0x3  }
0x28: {  	s5 =	smov.u32 s17;
	s4 =	simm.s32 $0x0;
	[dreg:$0x1e] =	wrdreg s20  }
0x29: {  	s22 =	sshll.u32 s21, $0x6;
	s20 =	sadd.s32 $0x1E0, s1;
	[smem:$0x7F6] =	sst s3  }
0x2a: {  	s13 =	sshrl.u32 s2, $0x2;
	s24 =	sadd.s32 s22, s17;
	s2 =	sadd.s32 $0x140, s1  }
0x2b: {  	s22 =	sshll.u32 s20, $0x6;
	s0 =	sadd.s32 s13, s19;
	[dreg:$0x1f] =	wrdreg s24  }
0x2c: {  	s11 =	sshll.u32 s2, $0x6;
	s13 =	sshll.u32 s2, $0x4;
	s23 =	sadd.s32 s22, s17  }
0x2d: {  	s24 =	sadd.s32 $0x9B000, s17;
	s22 =	simm.s32 $0x16150;
	[dreg:$0x1c] =	wrdreg s0  }
0x2e: {  	s2 =	simm.s32 $0x161A0;
	s0 =	sadd.s32 s16, s17;
	[smem:$0x7F3] =	sst s23  }
0x2f: {  	s16 =	sadd.s32 s15, s17;
	[smem:$0x7FB] =	sst s24;
	s15 =	simm.s32 $0x16100  }
0x30: {  	s23 =	simm.s32 $0x5;
	[dreg:$0x1d] =	wrdreg s0;
	s0 =	sshll.u32 s21, $0x4  }
0x31: {  	[smem:$0x7F1] =	sst s16;
	s21 =	sshll.u32 s12, $0x4;
	s0 =	sadd.s32 s0, s19  }
0x32: {  	s24 =	simm.s32 $0xD;
	s1 =	sadd.s32 s21, s19;
	[smem:$0x7EC] =	sst s0  }
0x33: {  	s16 =	simm.s32 $0x50;
	s0 =	sadd.s32 s25, s17;
	[smem:$0x7F2] =	sst s1  }
0x34: {  	s12 =	simm.s32 $0x8;
	[smem:$0x7ED] =	sst s0;
	s0 =	sadd.s32 s26, s19  }
0x35: {  	s21 =	simm.s32 $0x16060;
	[smem:$0x7EE] =	sst s0;
	s0 =	sadd.s32 s11, s17  }
0x36: {  	s1 =	sadd.s32 $0x24900, s19;
	[smem:$0x7EF] =	sst s0;
	s0 =	sadd.s32 s13, s19  }
0x37: {  	s25 =	sadd.s32 $0x26C00, s19;
	[smem:$0x7F0] =	sst s0;
	s0 =	sshll.u32 s20, $0x4  }
0x38: {  	[smem:$0x7FC] =	sst s25;
	s26 =	sadd.s32 $0x4D8, s14;
	s0 =	sadd.s32 s0, s19  }
0x39: {  	s25 =	simm.s32 $0x10;
	[smem:$0x7F4] =	sst s0;
	s0 =	sadd.s32 $0x92400, s18  }
0x3a: {  	[smem:$0x7FD] =	sst s26;
	s26 =	simm.s32 $0x2;
	s0 =	sshrl.u32 @p1 s0, $0x3  }
0x3b: {  	s13 =	simm.s32 $0x1DAE0;
	[smem:$0x7F5] =	sst s0;
	s0 =	sadd.s32 $0x92400, s17  }
0x3c: {  	s20 =	simm.s32 $0x6;
	s18 =	simm.s32 $0x3;
	s0 =	sshrl.u32 @p1 s0, $0x3  }
0x3d: {  	s17 =	simm.s32 $0xB;
	[smem:$0x7F7] =	sst s0;
	s0 =	sshrl.u32 @p1 s1, $0x3  }
0x3e: {  	s1 =	simm.s32 $0x1;
	[smem:$0x7F8] =	sst s0;
	s0 =	sshrl.u32 @!p1 s7, $0x3  }
0x3f: {  	v0 =	vimm.f32 $0.0e+00;
	vm0 =	vcmask $0x300;
	s7 =	simm.s32 $0x9;
	[smem:$0x7F9] =	sst s0;
	s0 =	sshrl.u32 @!p1 s10, $0x3  }
0x40: {  	v1 =	vimm.bf16 $0.0e+00;
	v2 =	vsel vm0, $0x3F800000, v0;
	s10 =	smov.u32 s19;
	s19 =	simm.s32 $0x13;
	[smem:$0x7FA] =	sst s0  }
.LBB2_1:
0x41: {  	[smem:$0x7EB] =	sst s4  }
0x42: {  	s0 =	rddreg [dreg:$0x3]  }
0x43: {  	s3 =	simm.s32 @!p0 $0x1C13;
	s4 =	rddreg [dreg:$0x8];
	s0 =	sshrl.u32 @!p0 s0, $0x3  }
0x44: {  	[spmem:s0], [sflag:s3] =	dma.local @!p0 [hbm:s4], $0x100  }
0x45: {  	s0 =	simm.s32 @!p0 $0x13  }
0x46: {  	_ =	swait.ge @!p0 [sflag:s0], $0x100  }
0x47: {  	[sflag:s0] =	ssyncset.done @!p0 $0x0  }
0x48: {  	[sflag:s0] =	ssyncadd.s32 @!p0 $0xFFFFFF00;
	s0 =	simm.s32 $0x16300  }
0x49: {  	[tilespmem:s0+$0x0] =	vst v1  }
0x4a: {  	[tilespmem:s0+$0xFFFFFFE0] =	vst v1  }
0x4b: {  	[tilespmem:s0+$0x10] =	vst v1  }
0x4c: {  	s3 =	simm.s32 $0x40;
	s4 =	simm.s32 $0x0;
	[tilespmem:s0+$0xFFFFFFF0] =	vst v1  }
.LBB2_2:
0x4d: {  	p2 =	sne.s32 s3, $0x13C0  }
0x4e: {  	[tilespmem:s4+$0x1DAE0] =	vst v0;
	s0 =	sadd.s32 $0x40, s0;
	s4 =	smov.u32 s3;
	s3 =	sadd.s32 $0x40, s3  }
.Ltmp0:
0x4f: {  	[tilespmem:s0+$0x0] =	vst v1;
	(pc) =	sbr.rel @p2 .LBB2_2-.Ltmp0, $4  }
0x50: {  	_ = 	snop  }
0x51: {  	[tilespmem:s0+$0xFFFFFFE0] =	vst v1  }
0x52: {  	[tilespmem:s0+$0x10] =	vst v1  }
0x53: {  	s4 =	sshra.s32 s4, $0x2;
	[tilespmem:s0+$0xFFFFFFF0] =	vst v1  }
0x54: {  	[tilespmem:s4+$0x1DAE0] =	vst v0;
	s4 =	sld [smem:$0x7F5];
	_ =	sdelay $0x1  }
0x55: {  	s0 =	simm.s32 @p1 $0x1FD3;
	s3 =	rddreg [dreg:$0xa];
	s14 =	simm.s32 @p1 $0x13  }
0x56: {  	[spmem:s4], [sflag:s0] =	dma.local @p1 [hbm:s3], $0x1400  }
0x57: {  	s0 =	stileid.u32;
	_ =	swait.ge @p1 [sflag:s14], $0x1400  }
0x58: {  	s0 =	sshll.u32 @!p1 s0, $0x6;
	s3 =	sld [smem:$0x7F6]  }
0x59: {  	[sflag:s14] =	ssyncset.done @p1 $0x0;
	s4 =	sor.u32 @!p1 $0x1C13, s0;
	s0 =	rddreg [dreg:$0x9]  }
0x5a: {  	s11 =	simm.s32 @!p1 $0x13;
	[sflag:s14] =	ssyncadd.s32 @p1 $0xFFFFEC00;
	[smem:$0x7EA] =	sst s4  }
0x5b: {  	[spmem:s3], [sflag:s4] =	dma.local @!p1 [hbm:s0], $0x1380  }
0x5c: {  	_ =	swait.ge @!p1 [sflag:s11], $0x1380  }
0x5d: {  	[sflag:s11] =	ssyncset.done @!p1 $0x0  }
0x5e: {  	s3 =	simm.s32 $0x162E0;
	s4 =	rddreg [dreg:$0x1b];
	[sflag:s11] =	ssyncadd.s32 @!p1 $0xFFFFEC80  }
0x5f: {  	[spmem:s4] =	stream.linear.scatter [tilespmem:s3], [sflag:$0x13], $0x1400, $0x38;
	[tilespmem:$0x1DFE0] =	vst v63  }
0x60: {  	_ =	swait.ge [sflag:s19], $0x1400  }
0x61: {  	[sflag:s19] =	ssyncset.done $0x0  }
0x62: {  	s4 =	rddreg [dreg:$0x1c];
	[sflag:s19] =	ssyncadd.s32 $0xFFFFEC00  }
0x63: {  	[spmem:s4] =	stream.linear.scatter [tilespmem:s13], [sflag:$0x13], $0x500, $0x38;
	[tilespmem:$0x1DFE0] =	vst v63  }
0x64: {  	_ =	swait.ge [sflag:s19], $0x500  }
0x65: {  	[sflag:s19] =	ssyncset.done $0x0  }
0x66: {  	s4 =	rddreg [dreg:$0x1d];
	[sflag:s19] =	ssyncadd.s32 $0xFFFFFB00  }
0x67: {  	[spmem:s4] =	stream.linear.scatter [tilespmem:s3], [sflag:$0x13], $0x1400, $0x38;
	[tilespmem:$0x1DFE0] =	vst v63  }
0x68: {  	_ =	swait.ge [sflag:s19], $0x1400  }
0x69: {  	[sflag:s19] =	ssyncset.done $0x0  }
0x6a: {  	s4 =	rddreg [dreg:$0x1e];
	[sflag:s19] =	ssyncadd.s32 $0xFFFFEC00  }
0x6b: {  	[spmem:s4] =	stream.linear.scatter [tilespmem:s13], [sflag:$0x13], $0x500, $0x38;
	[tilespmem:$0x1DFE0] =	vst v63  }
0x6c: {  	_ =	swait.ge [sflag:s19], $0x500  }
0x6d: {  	[sflag:s19] =	ssyncset.done $0x0  }
0x6e: {  	s4 =	rddreg [dreg:$0x1f];
	[sflag:s19] =	ssyncadd.s32 $0xFFFFFB00  }
0x6f: {  	[spmem:s4] =	stream.linear.scatter [tilespmem:s3], [sflag:$0x13], $0x1400, $0x38;
	[tilespmem:$0x1DFE0] =	vst v63  }
0x70: {  	_ =	swait.ge [sflag:s19], $0x1400  }
0x71: {  	s4 =	sld [smem:$0x7EC]  }
0x72: {  	[sflag:s19] =	ssyncset.done $0x0  }
0x73: {  	[sflag:s19] =	ssyncadd.s32 $0xFFFFEC00  }
0x74: {  	[spmem:s4] =	stream.linear.scatter [tilespmem:s13], [sflag:$0x13], $0x500, $0x38;
	[tilespmem:$0x1DFE0] =	vst v63  }
0x75: {  	_ =	swait.ge [sflag:s19], $0x500  }
0x76: {  	s4 =	sld [smem:$0x7ED]  }
0x77: {  	[sflag:s19] =	ssyncset.done $0x0  }
0x78: {  	[sflag:s19] =	ssyncadd.s32 $0xFFFFFB00  }
0x79: {  	[spmem:s4] =	stream.linear.scatter [tilespmem:s3], [sflag:$0x13], $0x1400, $0x38;
	[tilespmem:$0x1DFE0] =	vst v63  }
0x7a: {  	_ =	swait.ge [sflag:s19], $0x1400  }
0x7b: {  	s4 =	sld [smem:$0x7EE]  }
0x7c: {  	[sflag:s19] =	ssyncset.done $0x0  }
0x7d: {  	[sflag:s19] =	ssyncadd.s32 $0xFFFFEC00  }
0x7e: {  	[spmem:s4] =	stream.linear.scatter [tilespmem:s13], [sflag:$0x13], $0x500, $0x38;
	[tilespmem:$0x1DFE0] =	vst v63  }
0x7f: {  	_ =	swait.ge [sflag:s19], $0x500  }
0x80: {  	s4 =	sld [smem:$0x7EF]  }
0x81: {  	[sflag:s19] =	ssyncset.done $0x0  }
0x82: {  	[sflag:s19] =	ssyncadd.s32 $0xFFFFFB00  }
0x83: {  	[spmem:s4] =	stream.linear.scatter [tilespmem:s3], [sflag:$0x13], $0x1400, $0x38;
	[tilespmem:$0x1DFE0] =	vst v63  }
0x84: {  	_ =	swait.ge [sflag:s19], $0x1400  }
0x85: {  	s4 =	sld [smem:$0x7F0]  }
0x86: {  	[sflag:s19] =	ssyncset.done $0x0  }
0x87: {  	[sflag:s19] =	ssyncadd.s32 $0xFFFFEC00  }
0x88: {  	[spmem:s4] =	stream.linear.scatter [tilespmem:s13], [sflag:$0x13], $0x500, $0x38;
	[tilespmem:$0x1DFE0] =	vst v63  }
0x89: {  	_ =	swait.ge [sflag:s19], $0x500  }
0x8a: {  	s4 =	sld [smem:$0x7F1]  }
0x8b: {  	[sflag:s19] =	ssyncset.done $0x0  }
0x8c: {  	[sflag:s19] =	ssyncadd.s32 $0xFFFFFB00  }
0x8d: {  	[spmem:s4] =	stream.linear.scatter [tilespmem:s3], [sflag:$0x13], $0x1400, $0x38;
	[tilespmem:$0x1DFE0] =	vst v63  }
0x8e: {  	_ =	swait.ge [sflag:s19], $0x1400  }
0x8f: {  	s4 =	sld [smem:$0x7F2]  }
0x90: {  	[sflag:s19] =	ssyncset.done $0x0  }
0x91: {  	[sflag:s19] =	ssyncadd.s32 $0xFFFFEC00  }
0x92: {  	[spmem:s4] =	stream.linear.scatter [tilespmem:s13], [sflag:$0x13], $0x500, $0x38;
	[tilespmem:$0x1DFE0] =	vst v63  }
0x93: {  	_ =	swait.ge [sflag:s19], $0x500  }
0x94: {  	s4 =	sld [smem:$0x7F3]  }
0x95: {  	[sflag:s19] =	ssyncset.done $0x0  }
0x96: {  	[sflag:s19] =	ssyncadd.s32 $0xFFFFFB00  }
0x97: {  	[spmem:s4] =	stream.linear.scatter [tilespmem:s3], [sflag:$0x13], $0x1400, $0x38;
	[tilespmem:$0x1DFE0] =	vst v63  }
0x98: {  	_ =	swait.ge [sflag:s19], $0x1400  }
0x99: {  	s4 =	sld [smem:$0x7F4]  }
0x9a: {  	[sflag:s19] =	ssyncset.done $0x0  }
0x9b: {  	[sflag:s19] =	ssyncadd.s32 $0xFFFFEC00  }
0x9c: {  	[spmem:s4] =	stream.linear.scatter [tilespmem:s13], [sflag:$0x13], $0x500, $0x38;
	[tilespmem:$0x1DFE0] =	vst v63  }
0x9d: {  	_ =	swait.ge [sflag:s19], $0x500  }
0x9e: {  	s3 =	sld [smem:$0x7FB]  }
0x9f: {  	[sflag:s19] =	ssyncset.done $0x0  }
0xa0: {  	s0 =	simm.s32 @p1 $0x162E0;
	[sflag:s19] =	ssyncadd.s32 $0xFFFFFB00  }
0xa1: {  	[spmem:s3] =	stream.linear.scatter @p1 [tilespmem:s0], [sflag:$0x13], $0x1400, $0x38;
	[tilespmem:$0x1DFE0] =	vst v63  }
0xa2: {  	_ =	swait.ge @p1 [sflag:s14], $0x1400  }
0xa3: {  	s3 =	sld [smem:$0x7FC]  }
0xa4: {  	[sflag:s14] =	ssyncset.done @p1 $0x0  }
0xa5: {  	s0 =	simm.s32 @p1 $0x1DAE0;
	[sflag:s14] =	ssyncadd.s32 @p1 $0xFFFFEC00  }
0xa6: {  	[spmem:s3] =	stream.linear.scatter @p1 [tilespmem:s0], [sflag:$0x13], $0x500, $0x38;
	[tilespmem:$0x1DFE0] =	vst v63  }
0xa7: {  	_ =	swait.ge @p1 [sflag:s14], $0x500  }
0xa8: {  	[sflag:s14] =	ssyncset.done @p1 $0x0  }
0xa9: {  	s0 =	simm.s32 @!p1 $0x162E0;
	s3 =	rddreg [dreg:$0xb];
	[sflag:s14] =	ssyncadd.s32 @p1 $0xFFFFFB00  }
0xaa: {  	[spmem:s3] =	stream.linear.scatter @!p1 [tilespmem:s0], [sflag:$0x13], $0x1000, $0x38;
	[tilespmem:$0x1DFE0] =	vst v63  }
0xab: {  	_ =	swait.ge @!p1 [sflag:s11], $0x1000  }
0xac: {  	[sflag:s11] =	ssyncset.done @!p1 $0x0  }
0xad: {  	s0 =	simm.s32 @!p1 $0x1DAE0;
	s3 =	rddreg [dreg:$0xc];
	[sflag:s11] =	ssyncadd.s32 @!p1 $0xFFFFF000  }
0xae: {  	[spmem:s3] =	stream.linear.scatter @!p1 [tilespmem:s0], [sflag:$0x13], $0x400, $0x38;
	[tilespmem:$0x1DFE0] =	vst v63  }
0xaf: {  	_ =	swait.ge @!p1 [sflag:s11], $0x400  }
0xb0: {  	[sflag:s11] =	ssyncset.done @!p1 $0x0  }
0xb1: {  	s0 =	simm.s32 $0x40;
	s3 =	simm.s32 $0x0;
	[sflag:s11] =	ssyncadd.s32 @!p1 $0xFFFFFC00  }
.LBB2_4:
0xb2: {  	p2 =	sne.s32 s0, $0x13C0;
	[tilespmem:s3+$0x1DAE0] =	vst v2;
	s3 =	smov.u32 s0;
	s0 =	sadd.s32 $0x40, s0  }
.Ltmp1:
0xb3: {  	(pc) =	sbr.rel @p2 .LBB2_4-.Ltmp1, $2  }
0xb4: {  	_ =	sdelay $0x2  }
0xb5: {  	s3 =	sshra.s32 s3, $0x2  }
0xb6: {  	[tilespmem:s3+$0x1DAE0] =	vst v2  }
0xb7: {  	[bflag:$0x0] =	sbarrier.arrive $0xFFFF  }
0xb8: {  	s14 =	simm.s32 $0x0;
	s3 =	simm.s32 $0x16010;
	s0 =	rddreg [dreg:$0x10]  }
0xb9: {  	[tilespmem:s3], [sflag:$0x13] =	stream.linear.gather [hbm4b:s0+s14], $0x50, $0x38;
	[tilespmem:$0x1DFE0] =	vst v63  }
0xba: {  	_ =	swait.ge [sflag:s19], $0x50  }
0xbb: {  	[sflag:s19] =	ssyncset.done $0x0  }
0xbc: {  	s4 =	simm.s32 $0x161F0;
	s11 =	rddreg [dreg:$0x11];
	[sflag:s19] =	ssyncadd.s32 $0xFFFFFFB0  }
0xbd: {  	[tilespmem:s4], [sflag:$0x13] =	stream.linear.gather [hbm4b:s11+s14], $0x50, $0x38;
	[tilespmem:$0x1DFE0] =	vst v63  }
0xbe: {  	_ =	swait.ge [sflag:s19], $0x50  }
0xbf: {  	[sflag:s19] =	ssyncset.done $0x0  }
0xc0: {  	s11 =	rddreg [dreg:$0x12];
	[sflag:s19] =	ssyncadd.s32 $0xFFFFFFB0  }
0xc1: {  	[tilespmem:s15], [sflag:$0x13] =	stream.linear.gather [hbm4b:s11+s14], $0x50, $0x38;
	[tilespmem:$0x1DFE0] =	vst v63  }
0xc2: {  	_ =	swait.ge [sflag:s19], $0x50  }
0xc3: {  	[sflag:s19] =	ssyncset.done $0x0  }
0xc4: {  	[sflag:s19] =	ssyncadd.s32 $0xFFFFFFB0  }
0xc5: {  	s19 =	simm.s32 $0x162E0;
	s11 =	rddreg [dreg:$0x4]  }
0xc6: {  	[tilespmem:s19], [sflag:$0x7] =	stream.indirect.gather [spmem:s11], $0x40, s3, s16, $0xb8;
	[tilespmem:$0x1DFE0] =	vst v63  }
0xc7: {  	s11 =	rddreg [dreg:$0x3];
	s19 =	simm.s32 $0x19EE0  }
0xc8: {  	[tilespmem:s19], [sflag:$0xA] =	stream.indirect.gather [spmem:s11], $0x40, s4, s16, $0xb8;
	[tilespmem:$0x1DFE0] =	vst v63  }
0xc9: {  	s11 =	rddreg [dreg:$0x13]  }
0xca: {  	[tilespmem:s21], [sflag:$0x2] =	stream.linear.gather [hbm4b:s11+s14], $0x50, $0x38;
	[tilespmem:$0x1DFE0] =	vst v63  }
0xcb: {  	s19 =	rddreg [dreg:$0x14]  }
0xcc: {  	[tilespmem:s28], [sflag:$0x2] =	stream.linear.gather [hbm4b:s19+s14], $0x50, $0x38;
	[tilespmem:$0x1DFE0] =	vst v63  }
.LBB2_6:
0xcd: {  	p2 =	seq.s32 s14, $0x0  }
0xce: {  	s0 =	simm.s32 @!p2 $0xE  }
0xcf: {  	_ =	swait.ge @!p2 [sflag:s0], $0x1400  }
0xd0: {  	[sflag:s0] =	ssyncset.done @!p2 $0x0  }
0xd1: {  	[sflag:s0] =	ssyncadd.s32 @!p2 $0xFFFFEC00;
	s0 =	simm.s32 @!p2 $0x11  }
0xd2: {  	s19 =	smul.u32 $0xF0, s14;
	_ =	swait.ge @!p2 [sflag:s0], $0x500  }
0xd3: {  	s3 =	rddreg [dreg:$0xf]  }
0xd4: {  	s3 =	sadd.s32 s19, s3  }
0xd5: {  	[sflag:s0] =	ssyncset.done @!p2 $0x0;
	s3 =	sshrl.u32 s3, $0x3  }
0xd6: {  	[sflag:s0] =	ssyncadd.s32 @!p2 $0xFFFFFB00;
	s11 =	sadd.s32 s9, s3  }
0xd7: {  	[tilespmem:s22], [sflag:$0x5] =	stream.linear.gather [hbm4b:s11+s6], $0x50, $0x38;
	[tilespmem:$0x1DFE0] =	vst v63  }
0xd8: {  	_ =	swait.ge [sflag:s26], $0x50  }
0xd9: {  	[sflag:s26] =	ssyncset.done $0x0  }
0xda: {  	[sflag:s26] =	ssyncadd.s32 $0xFFFFFFB0  }
0xdb: {  	_ =	swait.ge [sflag:s26], $0x50  }
0xdc: {  	[sflag:s26] =	ssyncset.done $0x0  }
0xdd: {  	[sflag:s26] =	ssyncadd.s32 $0xFFFFFFB0  }
0xde: {  	s3 =	simm.s32 $0x176E0;
	s4 =	rddreg [dreg:$0x4]  }
0xdf: {  	[tilespmem:s3], [sflag:$0x8] =	stream.indirect.gather [spmem:s4], $0x40, s21, s16, $0xb8;
	[tilespmem:$0x1DFE0] =	vst v63  }
0xe0: {  	s11 =	rddreg [dreg:$0x3];
	s21 =	simm.s32 $0x1B2E0  }
0xe1: {  	[tilespmem:s21], [sflag:$0xB] =	stream.indirect.gather [spmem:s11], $0x40, s28, s16, $0xb8;
	[tilespmem:$0x1DFE0] =	vst v63  }
0xe2: {  	_ =	swait.ge [sflag:s30], $0x1400  }
0xe3: {  	[sflag:s30] =	ssyncset.done $0x0  }
0xe4: {  	[sflag:s30] =	ssyncadd.s32 $0xFFFFEC00  }
0xe5: {  	_ =	swait.ge [sflag:s31], $0x1400  }
0xe6: {  	[sflag:s31] =	ssyncset.done $0x0  }
0xe7: {  	s21 =	simm.s32 $0x16320;
	[sflag:s31] =	ssyncadd.s32 $0xFFFFEC00  }
0xe8: {  	s4 =	simm.s32 $0x19F20;
	v3 =	vld [tilespmem:s21+$0x0]  }
0xe9: {  	v4 =	vld [tilespmem:s4+$0x0];
	_ =	sdelay $0x1  }
0xea: {  	v5 =	vld [tilespmem:s4+$0xFFFFFFC0]  }
0xeb: {  	v6 =	vld [tilespmem:s21+$0xFFFFFFC0];
	_ =	sdelay $0x1  }
0xec: {  	v3 =	vmul.bf16 v4, v3;
	_ =	sdelay $0x1  }
0xed: {  	[tilespmem:s21+$0x0] =	vst v3;
	v3 =	vld [tilespmem:s21+$0x10]  }
0xee: {  	v4 =	vmul.bf16 v5, v6;
	v5 =	vld [tilespmem:s4+$0x10]  }
0xef: {  	v7 =	vld [tilespmem:s21+$0xFFFFFFE0]  }
0xf0: {  	v8 =	vld [tilespmem:s21+$0x20]  }
0xf1: {  	v6 =	vld [tilespmem:s21+$0xFFFFFFD0];
	[tilespmem:s21+$0xFFFFFFC0] =	vst v4  }
0xf2: {  	s28 =	simm.s32 $0x163A0;
	v4 =	vld [tilespmem:s4+$0xFFFFFFD0]  }
0xf3: {  	s11 =	simm.s32 $0x19FA0;
	v9 =	vld [tilespmem:s28+$0x0];
	v3 =	vmul.bf16 v5, v3  }
0xf4: {  	v10 =	vld [tilespmem:s11+$0x0]  }
0xf5: {  	v12 =	vld [tilespmem:s11+$0xFFFFFFC0];
	[tilespmem:s21+$0x10] =	vst v3  }
0xf6: {  	v11 =	vld [tilespmem:s4+$0x20]  }
0xf7: {  	v4 =	vmul.bf16 v4, v6;
	v6 =	vld [tilespmem:s28+$0xFFFFFFC0]  }
0xf8: {  	v5 =	vld [tilespmem:s28+$0xFFFFFFD0]  }
0xf9: {  	v3 =	vld [tilespmem:s21+$0xFFFFFFF0];
	[tilespmem:s21+$0xFFFFFFD0] =	vst v4;
	v4 =	vmul.bf16 v10, v9  }
0xfa: {  	v9 =	vld [tilespmem:s4+$0xFFFFFFE0]  }
0xfb: {  	v10 =	vld [tilespmem:s21+$0x30];
	[tilespmem:s28+$0x0] =	vst v4;
	v8 =	vmul.bf16 v11, v8  }
0xfc: {  	v63 =	vld [tilespmem:s11+$0x10]  }
0xfd: {  	v4 =	vmul.bf16 v12, v6;
	v11 =	vld [tilespmem:s28+$0x10];
	[tilespmem:s21+$0x20] =	vst v8  }
0xfe: {  	v13 =	vld [tilespmem:s4+$0x30]  }
0xff: {  	v6 =	vld [tilespmem:s28+$0xFFFFFFF0];
	[tilespmem:s28+$0xFFFFFFC0] =	vst v4;
	v7 =	vmul.bf16 v9, v7  }
0x100: {  	v9 =	vld [tilespmem:s11+$0xFFFFFFD0]  }
0x101: {  	v4 =	vld [tilespmem:s28+$0xFFFFFFE0];
	[tilespmem:s21+$0xFFFFFFE0] =	vst v7  }
0x102: {  	v7 =	vld [tilespmem:s4+$0xFFFFFFF0];
	v11 =	vmul.bf16 v63, v11  }
0x103: {  	s0 =	simm.s32 $0x19FA0;
	s3 =	simm.s32 $0x2;
	v8 =	vld [tilespmem:s28+$0x20];
	s4 =	simm.s32 $0x16420;
	v10 =	vmul.bf16 v13, v10  }
.LBB2_7:
0x104: {  	v12 =	vld [tilespmem:s4+$0x0];
	[tilespmem:s28+$0x10] =	vst v11;
	s11 =	sadd.s32 $0x80, s11  }
0x105: {  	v11 =	vld [tilespmem:s11+$0x0];
	v5 =	vmul.bf16 v9, v5;
	[tilespmem:s21+$0x30] =	vst v10  }
0x106: {  	s3 =	sadd.s32 $0x2, s3;
	v9 =	vld [tilespmem:s0+$0x20]  }
0x107: {  	p3 =	slt.u32 s3, $0x4E;
	v10 =	vld [tilespmem:s11+$0xFFFFFFC0];
	[tilespmem:s28+$0xFFFFFFD0] =	vst v5;
	v7 =	vmul.bf16 v7, v3;
	v3 =	vmov v6  }
0x108: {  	v6 =	vld [tilespmem:s4+$0xFFFFFFC0]  }
0x109: {  	v5 =	vld [tilespmem:s4+$0xFFFFFFD0];
	[tilespmem:s21+$0xFFFFFFF0] =	vst v7;
	s21 =	smov.u32 s28;
	s28 =	smov.u32 s4  }
0x10a: {  	v7 =	vmul.bf16 v11, v12;
	v11 =	vld [tilespmem:s0+$0xFFFFFFE0]  }
0x10b: {  	v8 =	vmul.bf16 v9, v8;
	v12 =	vld [tilespmem:s21+$0x30]  }
0x10c: {  	[tilespmem:s4+$0x0] =	vst v7;
	v7 =	vld [tilespmem:s4+$0x10]  }
0x10d: {  	v6 =	vmul.bf16 v10, v6;
	v10 =	vld [tilespmem:s11+$0x10];
	[tilespmem:s21+$0x20] =	vst v8  }
0x10e: {  	v13 =	vld [tilespmem:s0+$0x30]  }
.Ltmp2:
0x10f: {  	[tilespmem:s4+$0xFFFFFFC0] =	vst v6;
	v8 =	vmul.bf16 v11, v4;
	v4 =	vld [tilespmem:s4+$0xFFFFFFE0];
	(pc) =	sbr.rel @p3 .LBB2_7-.Ltmp2, $4  }
0x110: {  	v9 =	vld [tilespmem:s11+$0xFFFFFFD0]  }
0x111: {  	v6 =	vld [tilespmem:s4+$0xFFFFFFF0];
	[tilespmem:s21+$0xFFFFFFE0] =	vst v8  }
0x112: {  	v11 =	vmul.bf16 v10, v7;
	v7 =	vld [tilespmem:s0+$0xFFFFFFF0];
	s0 =	smov.u32 s11  }
0x113: {  	s4 =	sadd.s32 $0x80, s4;
	v8 =	vld [tilespmem:s28+$0x20];
	v10 =	vmul.bf16 v13, v12  }
0x114: {  	_ = 	snop  }
0x115: {  	v5 =	vmul.bf16 v9, v5  }
0x116: {  	[tilespmem:s28+$0x10] =	vst v11  }
0x117: {  	v9 =	vld [tilespmem:s0+$0x20];
	[tilespmem:s28+$0xFFFFFFD0] =	vst v5  }
0x118: {  	v5 =	vld [tilespmem:s0+$0xFFFFFFE0];
	_ =	sdelay $0x3  }
0x119: {  	v8 =	vmul.bf16 v9, v8  }
0x11a: {  	v4 =	vmul.bf16 v5, v4  }
0x11b: {  	v9 =	vld [tilespmem:s28+$0x30];
	[tilespmem:s28+$0x20] =	vst v8  }
0x11c: {  	v5 =	vld [tilespmem:s0+$0x30];
	[tilespmem:s28+$0xFFFFFFE0] =	vst v4  }
0x11d: {  	v4 =	vld [tilespmem:s0+$0xFFFFFFF0];
	_ =	sdelay $0x2  }
0x11e: {  	v3 =	vmul.bf16 v7, v3  }
0x11f: {  	[tilespmem:s21+$0x30] =	vst v10;
	v5 =	vmul.bf16 v5, v9  }
0x120: {  	[tilespmem:s21+$0xFFFFFFF0] =	vst v3;
	v3 =	vmul.bf16 v4, v6  }
0x121: {  	[tilespmem:s28+$0x30] =	vst v5  }
0x122: {  	s0 =	simm.s32 @!p2 $0x4;
	[tilespmem:s28+$0xFFFFFFF0] =	vst v3  }
0x123: {  	_ =	swait.ge @!p2 [sflag:s0], $0x50  }
0x124: {  	[sflag:s0] =	ssyncset.done @!p2 $0x0;
	s11 =	rddreg [dreg:$0x15]  }
0x125: {  	s4 =	simm.s32 $0x162E0;
	[sflag:s0] =	ssyncadd.s32 @!p2 $0xFFFFFFB0;
	s0 =	sadd.s32 s19, s11  }
0x126: {  	[spmem:s5] =	stream.indirect.scatter.add.bf16 [tilespmem:s4], [sflag:$0xD], $0x40, s15, s16, $0xb8;
	[tilespmem:$0x1DFE0] =	vst v63  }
0x127: {  	s0 =	sshrl.u32 s0, $0x3  }
0x128: {  	[spmem:s10] =	stream.indirect.scatter.add.f32 [tilespmem:s13], [sflag:$0x10], $0x10, s15, s16, $0xb8;
	[tilespmem:$0x1DFE0] =	vst v63  }
0x129: {  	s4 =	simm.s32 $0x160B0;
	s21 =	rddreg [dreg:$0x1];
	s3 =	sadd.s32 s8, s0  }
0x12a: {  	[tilespmem:s4], [sflag:$0x3] =	stream.linear.gather [hbm4b:s3+s6], $0x50, $0x38;
	[tilespmem:$0x1DFE0] =	vst v63  }
0x12b: {  	s11 =	simm.s32 $0x16290;
	s3 =	sadd.s32 s21, s0  }
0x12c: {  	[tilespmem:s11], [sflag:$0x3] =	stream.linear.gather [hbm4b:s3+s6], $0x50, $0x38;
	[tilespmem:$0x1DFE0] =	vst v63  }
0x12d: {  	s3 =	simm.s32 @!p2 $0xF  }
0x12e: {  	_ =	swait.ge @!p2 [sflag:s3], $0x1400  }
0x12f: {  	[sflag:s3] =	ssyncset.done @!p2 $0x0  }
0x130: {  	[sflag:s3] =	ssyncadd.s32 @!p2 $0xFFFFEC00;
	s3 =	simm.s32 @!p2 $0x12  }
0x131: {  	_ =	swait.ge @!p2 [sflag:s3], $0x500  }
0x132: {  	[sflag:s3] =	ssyncset.done @!p2 $0x0  }
0x133: {  	s0 =	sadd.s32 s9, s0;
	[sflag:s3] =	ssyncadd.s32 @!p2 $0xFFFFFB00  }
0x134: {  	[tilespmem:s2], [sflag:$0x6] =	stream.linear.gather [hbm4b:s0+s6], $0x50, $0x38;
	[tilespmem:$0x1DFE0] =	vst v63  }
0x135: {  	_ =	swait.ge [sflag:s18], $0x50  }
0x136: {  	[sflag:s18] =	ssyncset.done $0x0  }
0x137: {  	[sflag:s18] =	ssyncadd.s32 $0xFFFFFFB0  }
0x138: {  	_ =	swait.ge [sflag:s18], $0x50  }
0x139: {  	[sflag:s18] =	ssyncset.done $0x0  }
0x13a: {  	[sflag:s18] =	ssyncadd.s32 $0xFFFFFFB0  }
0x13b: {  	s21 =	simm.s32 $0x18AE0;
	s3 =	rddreg [dreg:$0x4]  }
0x13c: {  	[tilespmem:s21], [sflag:$0x9] =	stream.indirect.gather [spmem:s3], $0x40, s4, s16, $0xb8;
	[tilespmem:$0x1DFE0] =	vst v63  }
0x13d: {  	s2 =	rddreg [dreg:$0x3];
	s3 =	simm.s32 $0x1C6E0  }
0x13e: {  	[tilespmem:s3], [sflag:$0xC] =	stream.indirect.gather [spmem:s2], $0x40, s11, s16, $0xb8;
	[tilespmem:$0x1DFE0] =	vst v63  }
0x13f: {  	_ =	swait.ge [sflag:s12], $0x1400  }
0x140: {  	[sflag:s12] =	ssyncset.done $0x0  }
0x141: {  	[sflag:s12] =	ssyncadd.s32 $0xFFFFEC00  }
0x142: {  	_ =	swait.ge [sflag:s17], $0x1400  }
0x143: {  	[sflag:s17] =	ssyncset.done $0x0  }
0x144: {  	s21 =	simm.s32 $0x17720;
	[sflag:s17] =	ssyncadd.s32 $0xFFFFEC00  }
0x145: {  	s4 =	simm.s32 $0x1B320;
	v3 =	vld [tilespmem:s21+$0x0]  }
0x146: {  	v4 =	vld [tilespmem:s4+$0x0];
	_ =	sdelay $0x1  }
0x147: {  	v5 =	vld [tilespmem:s4+$0xFFFFFFC0]  }
0x148: {  	v6 =	vld [tilespmem:s21+$0xFFFFFFC0];
	_ =	sdelay $0x1  }
0x149: {  	v3 =	vmul.bf16 v4, v3;
	_ =	sdelay $0x1  }
0x14a: {  	[tilespmem:s21+$0x0] =	vst v3;
	v3 =	vld [tilespmem:s21+$0x10]  }
0x14b: {  	v4 =	vmul.bf16 v5, v6;
	v5 =	vld [tilespmem:s4+$0x10]  }
0x14c: {  	v7 =	vld [tilespmem:s21+$0xFFFFFFE0]  }
0x14d: {  	v8 =	vld [tilespmem:s21+$0x20]  }
0x14e: {  	v6 =	vld [tilespmem:s21+$0xFFFFFFD0];
	[tilespmem:s21+$0xFFFFFFC0] =	vst v4  }
0x14f: {  	s28 =	simm.s32 $0x177A0;
	v4 =	vld [tilespmem:s4+$0xFFFFFFD0]  }
0x150: {  	s11 =	simm.s32 $0x1B3A0;
	v9 =	vld [tilespmem:s28+$0x0];
	v3 =	vmul.bf16 v5, v3  }
0x151: {  	v10 =	vld [tilespmem:s11+$0x0]  }
0x152: {  	v12 =	vld [tilespmem:s11+$0xFFFFFFC0];
	[tilespmem:s21+$0x10] =	vst v3  }
0x153: {  	v11 =	vld [tilespmem:s4+$0x20]  }
0x154: {  	v4 =	vmul.bf16 v4, v6;
	v6 =	vld [tilespmem:s28+$0xFFFFFFC0]  }
0x155: {  	v5 =	vld [tilespmem:s28+$0xFFFFFFD0]  }
0x156: {  	v3 =	vld [tilespmem:s21+$0xFFFFFFF0];
	[tilespmem:s21+$0xFFFFFFD0] =	vst v4;
	v4 =	vmul.bf16 v10, v9  }
0x157: {  	v9 =	vld [tilespmem:s4+$0xFFFFFFE0]  }
0x158: {  	v10 =	vld [tilespmem:s21+$0x30];
	[tilespmem:s28+$0x0] =	vst v4;
	v8 =	vmul.bf16 v11, v8  }
0x159: {  	v63 =	vld [tilespmem:s11+$0x10]  }
0x15a: {  	v4 =	vmul.bf16 v12, v6;
	v11 =	vld [tilespmem:s28+$0x10];
	[tilespmem:s21+$0x20] =	vst v8  }
0x15b: {  	v13 =	vld [tilespmem:s4+$0x30]  }
0x15c: {  	v6 =	vld [tilespmem:s28+$0xFFFFFFF0];
	[tilespmem:s28+$0xFFFFFFC0] =	vst v4;
	v7 =	vmul.bf16 v9, v7  }
0x15d: {  	v9 =	vld [tilespmem:s11+$0xFFFFFFD0]  }
0x15e: {  	v4 =	vld [tilespmem:s28+$0xFFFFFFE0];
	[tilespmem:s21+$0xFFFFFFE0] =	vst v7  }
0x15f: {  	v7 =	vld [tilespmem:s4+$0xFFFFFFF0];
	v11 =	vmul.bf16 v63, v11  }
0x160: {  	s0 =	simm.s32 $0x1B3A0;
	s3 =	simm.s32 $0x2;
	v8 =	vld [tilespmem:s28+$0x20];
	s4 =	simm.s32 $0x17820;
	v10 =	vmul.bf16 v13, v10  }
.LBB2_9:
0x161: {  	v12 =	vld [tilespmem:s4+$0x0];
	[tilespmem:s28+$0x10] =	vst v11;
	s11 =	sadd.s32 $0x80, s11  }
0x162: {  	v11 =	vld [tilespmem:s11+$0x0];
	v5 =	vmul.bf16 v9, v5;
	[tilespmem:s21+$0x30] =	vst v10  }
0x163: {  	s3 =	sadd.s32 $0x2, s3;
	v9 =	vld [tilespmem:s0+$0x20]  }
0x164: {  	p2 =	slt.u32 s3, $0x4E;
	v10 =	vld [tilespmem:s11+$0xFFFFFFC0];
	[tilespmem:s28+$0xFFFFFFD0] =	vst v5;
	v7 =	vmul.bf16 v7, v3;
	v3 =	vmov v6  }
0x165: {  	v6 =	vld [tilespmem:s4+$0xFFFFFFC0]  }
0x166: {  	v5 =	vld [tilespmem:s4+$0xFFFFFFD0];
	[tilespmem:s21+$0xFFFFFFF0] =	vst v7;
	s21 =	smov.u32 s28;
	s28 =	smov.u32 s4  }
0x167: {  	v7 =	vmul.bf16 v11, v12;
	v11 =	vld [tilespmem:s0+$0xFFFFFFE0]  }
0x168: {  	v8 =	vmul.bf16 v9, v8;
	v12 =	vld [tilespmem:s21+$0x30]  }
0x169: {  	[tilespmem:s4+$0x0] =	vst v7;
	v7 =	vld [tilespmem:s4+$0x10]  }
0x16a: {  	v6 =	vmul.bf16 v10, v6;
	v10 =	vld [tilespmem:s11+$0x10];
	[tilespmem:s21+$0x20] =	vst v8  }
0x16b: {  	v13 =	vld [tilespmem:s0+$0x30]  }
.Ltmp3:
0x16c: {  	[tilespmem:s4+$0xFFFFFFC0] =	vst v6;
	v8 =	vmul.bf16 v11, v4;
	v4 =	vld [tilespmem:s4+$0xFFFFFFE0];
	(pc) =	sbr.rel @p2 .LBB2_9-.Ltmp3, $4  }
0x16d: {  	v9 =	vld [tilespmem:s11+$0xFFFFFFD0]  }
0x16e: {  	v6 =	vld [tilespmem:s4+$0xFFFFFFF0];
	[tilespmem:s21+$0xFFFFFFE0] =	vst v8  }
0x16f: {  	v11 =	vmul.bf16 v10, v7;
	v7 =	vld [tilespmem:s0+$0xFFFFFFF0];
	s0 =	smov.u32 s11  }
0x170: {  	s4 =	sadd.s32 $0x80, s4;
	v8 =	vld [tilespmem:s28+$0x20];
	v10 =	vmul.bf16 v13, v12  }
0x171: {  	_ = 	snop  }
0x172: {  	v5 =	vmul.bf16 v9, v5  }
0x173: {  	[tilespmem:s28+$0x10] =	vst v11  }
0x174: {  	v9 =	vld [tilespmem:s0+$0x20];
	[tilespmem:s28+$0xFFFFFFD0] =	vst v5  }
0x175: {  	v5 =	vld [tilespmem:s0+$0xFFFFFFE0];
	_ =	sdelay $0x3  }
0x176: {  	v8 =	vmul.bf16 v9, v8  }
0x177: {  	v4 =	vmul.bf16 v5, v4  }
0x178: {  	v9 =	vld [tilespmem:s28+$0x30];
	[tilespmem:s28+$0x20] =	vst v8  }
0x179: {  	v5 =	vld [tilespmem:s0+$0x30];
	[tilespmem:s28+$0xFFFFFFE0] =	vst v4  }
0x17a: {  	v4 =	vld [tilespmem:s0+$0xFFFFFFF0];
	_ =	sdelay $0x2  }
0x17b: {  	v3 =	vmul.bf16 v7, v3  }
0x17c: {  	[tilespmem:s21+$0x30] =	vst v10;
	v5 =	vmul.bf16 v5, v9  }
0x17d: {  	[tilespmem:s21+$0xFFFFFFF0] =	vst v3;
	v3 =	vmul.bf16 v4, v6  }
0x17e: {  	[tilespmem:s28+$0x30] =	vst v5  }
0x17f: {  	[tilespmem:s28+$0xFFFFFFF0] =	vst v3  }
0x180: {  	_ =	swait.ge [sflag:s23], $0x50  }
0x181: {  	[sflag:s23] =	ssyncset.done $0x0;
	s21 =	rddreg [dreg:$0x16]  }
0x182: {  	s11 =	simm.s32 $0x176E0;
	[sflag:s23] =	ssyncadd.s32 $0xFFFFFFB0;
	s0 =	sadd.s32 s19, s21  }
0x183: {  	[spmem:s5] =	stream.indirect.scatter.add.bf16 [tilespmem:s11], [sflag:$0xE], $0x40, s22, s16, $0xb8;
	[tilespmem:$0x1DFE0] =	vst v63  }
0x184: {  	s0 =	sshrl.u32 s0, $0x3  }
0x185: {  	[spmem:s10] =	stream.indirect.scatter.add.f32 [tilespmem:s13], [sflag:$0x11], $0x10, s22, s16, $0xb8;
	[tilespmem:$0x1DFE0] =	vst v63  }
0x186: {  	s4 =	simm.s32 $0x16010;
	s2 =	rddreg [dreg:$0x1];
	s3 =	sadd.s32 s8, s0  }
0x187: {  	[tilespmem:s4], [sflag:$0x1] =	stream.linear.gather [hbm4b:s3+s6], $0x50, $0x38;
	[tilespmem:$0x1DFE0] =	vst v63  }
0x188: {  	s11 =	simm.s32 $0x161F0;
	s3 =	sadd.s32 s2, s0  }
0x189: {  	[tilespmem:s11], [sflag:$0x1] =	stream.linear.gather [hbm4b:s3+s6], $0x50, $0x38;
	[tilespmem:$0x1DFE0] =	vst v63  }
0x18a: {  	_ =	swait.ge [sflag:s24], $0x1400  }
0x18b: {  	[sflag:s24] =	ssyncset.done $0x0  }
0x18c: {  	[sflag:s24] =	ssyncadd.s32 $0xFFFFEC00  }
0x18d: {  	_ =	swait.ge [sflag:s25], $0x500  }
0x18e: {  	[sflag:s25] =	ssyncset.done $0x0  }
0x18f: {  	s0 =	sadd.s32 s9, s0;
	[sflag:s25] =	ssyncadd.s32 $0xFFFFFB00  }
0x190: {  	[tilespmem:s15], [sflag:$0x4] =	stream.linear.gather [hbm4b:s0+s6], $0x50, $0x38;
	[tilespmem:$0x1DFE0] =	vst v63  }
0x191: {  	_ =	swait.ge [sflag:s1], $0x50  }
0x192: {  	[sflag:s1] =	ssyncset.done $0x0  }
0x193: {  	[sflag:s1] =	ssyncadd.s32 $0xFFFFFFB0  }
0x194: {  	_ =	swait.ge [sflag:s1], $0x50  }
0x195: {  	[sflag:s1] =	ssyncset.done $0x0  }
0x196: {  	[sflag:s1] =	ssyncadd.s32 $0xFFFFFFB0  }
0x197: {  	s3 =	simm.s32 $0x162E0;
	s2 =	rddreg [dreg:$0x4]  }
0x198: {  	[tilespmem:s3], [sflag:$0x7] =	stream.indirect.gather [spmem:s2], $0x40, s4, s16, $0xb8;
	[tilespmem:$0x1DFE0] =	vst v63  }
0x199: {  	s21 =	rddreg [dreg:$0x3];
	s2 =	simm.s32 $0x19EE0  }
0x19a: {  	[tilespmem:s2], [sflag:$0xA] =	stream.indirect.gather [spmem:s21], $0x40, s11, s16, $0xb8;
	[tilespmem:$0x1DFE0] =	vst v63  }
0x19b: {  	_ =	swait.ge [sflag:s7], $0x1400  }
0x19c: {  	[sflag:s7] =	ssyncset.done $0x0  }
0x19d: {  	[sflag:s7] =	ssyncadd.s32 $0xFFFFEC00  }
0x19e: {  	_ =	swait.ge [sflag:s29], $0x1400  }
0x19f: {  	[sflag:s29] =	ssyncset.done $0x0  }
0x1a0: {  	s21 =	simm.s32 $0x18B20;
	[sflag:s29] =	ssyncadd.s32 $0xFFFFEC00  }
0x1a1: {  	s4 =	simm.s32 $0x1C720;
	v3 =	vld [tilespmem:s21+$0x0]  }
0x1a2: {  	v4 =	vld [tilespmem:s4+$0x0];
	_ =	sdelay $0x1  }
0x1a3: {  	v5 =	vld [tilespmem:s4+$0xFFFFFFC0]  }
0x1a4: {  	v6 =	vld [tilespmem:s21+$0xFFFFFFC0];
	_ =	sdelay $0x1  }
0x1a5: {  	v3 =	vmul.bf16 v4, v3;
	_ =	sdelay $0x1  }
0x1a6: {  	[tilespmem:s21+$0x0] =	vst v3;
	v3 =	vld [tilespmem:s21+$0x10]  }
0x1a7: {  	v4 =	vmul.bf16 v5, v6;
	v5 =	vld [tilespmem:s4+$0x10]  }
0x1a8: {  	v7 =	vld [tilespmem:s21+$0xFFFFFFE0]  }
0x1a9: {  	v8 =	vld [tilespmem:s21+$0x20]  }
0x1aa: {  	v6 =	vld [tilespmem:s21+$0xFFFFFFD0];
	[tilespmem:s21+$0xFFFFFFC0] =	vst v4  }
0x1ab: {  	s28 =	simm.s32 $0x18BA0;
	v4 =	vld [tilespmem:s4+$0xFFFFFFD0]  }
0x1ac: {  	s11 =	simm.s32 $0x1C7A0;
	v9 =	vld [tilespmem:s28+$0x0];
	v3 =	vmul.bf16 v5, v3  }
0x1ad: {  	v10 =	vld [tilespmem:s11+$0x0]  }
0x1ae: {  	v12 =	vld [tilespmem:s11+$0xFFFFFFC0];
	[tilespmem:s21+$0x10] =	vst v3  }
0x1af: {  	v11 =	vld [tilespmem:s4+$0x20]  }
0x1b0: {  	v4 =	vmul.bf16 v4, v6;
	v6 =	vld [tilespmem:s28+$0xFFFFFFC0]  }
0x1b1: {  	v5 =	vld [tilespmem:s28+$0xFFFFFFD0]  }
0x1b2: {  	v3 =	vld [tilespmem:s21+$0xFFFFFFF0];
	[tilespmem:s21+$0xFFFFFFD0] =	vst v4;
	v4 =	vmul.bf16 v10, v9  }
0x1b3: {  	v9 =	vld [tilespmem:s4+$0xFFFFFFE0]  }
0x1b4: {  	v10 =	vld [tilespmem:s21+$0x30];
	[tilespmem:s28+$0x0] =	vst v4;
	v8 =	vmul.bf16 v11, v8  }
0x1b5: {  	v63 =	vld [tilespmem:s11+$0x10]  }
0x1b6: {  	v4 =	vmul.bf16 v12, v6;
	v11 =	vld [tilespmem:s28+$0x10];
	[tilespmem:s21+$0x20] =	vst v8  }
0x1b7: {  	v13 =	vld [tilespmem:s4+$0x30]  }
0x1b8: {  	v6 =	vld [tilespmem:s28+$0xFFFFFFF0];
	[tilespmem:s28+$0xFFFFFFC0] =	vst v4;
	v7 =	vmul.bf16 v9, v7  }
0x1b9: {  	v9 =	vld [tilespmem:s11+$0xFFFFFFD0]  }
0x1ba: {  	v4 =	vld [tilespmem:s28+$0xFFFFFFE0];
	[tilespmem:s21+$0xFFFFFFE0] =	vst v7  }
0x1bb: {  	v7 =	vld [tilespmem:s4+$0xFFFFFFF0];
	v11 =	vmul.bf16 v63, v11  }
0x1bc: {  	s0 =	simm.s32 $0x1C7A0;
	s3 =	simm.s32 $0x2;
	v8 =	vld [tilespmem:s28+$0x20];
	s4 =	simm.s32 $0x18C20;
	v10 =	vmul.bf16 v13, v10  }
.LBB2_11:
0x1bd: {  	v12 =	vld [tilespmem:s4+$0x0];
	[tilespmem:s28+$0x10] =	vst v11;
	s11 =	sadd.s32 $0x80, s11  }
0x1be: {  	v11 =	vld [tilespmem:s11+$0x0];
	v5 =	vmul.bf16 v9, v5;
	[tilespmem:s21+$0x30] =	vst v10  }
0x1bf: {  	s3 =	sadd.s32 $0x2, s3;
	v9 =	vld [tilespmem:s0+$0x20]  }
0x1c0: {  	p2 =	slt.u32 s3, $0x4E;
	v10 =	vld [tilespmem:s11+$0xFFFFFFC0];
	[tilespmem:s28+$0xFFFFFFD0] =	vst v5;
	v7 =	vmul.bf16 v7, v3;
	v3 =	vmov v6  }
0x1c1: {  	v6 =	vld [tilespmem:s4+$0xFFFFFFC0]  }
0x1c2: {  	v5 =	vld [tilespmem:s4+$0xFFFFFFD0];
	[tilespmem:s21+$0xFFFFFFF0] =	vst v7;
	s21 =	smov.u32 s28;
	s28 =	smov.u32 s4  }
0x1c3: {  	v7 =	vmul.bf16 v11, v12;
	v11 =	vld [tilespmem:s0+$0xFFFFFFE0]  }
0x1c4: {  	v8 =	vmul.bf16 v9, v8;
	v12 =	vld [tilespmem:s21+$0x30]  }
0x1c5: {  	[tilespmem:s4+$0x0] =	vst v7;
	v7 =	vld [tilespmem:s4+$0x10]  }
0x1c6: {  	v6 =	vmul.bf16 v10, v6;
	v10 =	vld [tilespmem:s11+$0x10];
	[tilespmem:s21+$0x20] =	vst v8  }
0x1c7: {  	v13 =	vld [tilespmem:s0+$0x30]  }
.Ltmp4:
0x1c8: {  	[tilespmem:s4+$0xFFFFFFC0] =	vst v6;
	v8 =	vmul.bf16 v11, v4;
	v4 =	vld [tilespmem:s4+$0xFFFFFFE0];
	(pc) =	sbr.rel @p2 .LBB2_11-.Ltmp4, $4  }
0x1c9: {  	v9 =	vld [tilespmem:s11+$0xFFFFFFD0]  }
0x1ca: {  	v6 =	vld [tilespmem:s4+$0xFFFFFFF0];
	[tilespmem:s21+$0xFFFFFFE0] =	vst v8  }
0x1cb: {  	v11 =	vmul.bf16 v10, v7;
	v7 =	vld [tilespmem:s0+$0xFFFFFFF0];
	s0 =	smov.u32 s11  }
0x1cc: {  	s4 =	sadd.s32 $0x80, s4;
	v8 =	vld [tilespmem:s28+$0x20];
	v10 =	vmul.bf16 v13, v12  }
0x1cd: {  	_ = 	snop  }
0x1ce: {  	v5 =	vmul.bf16 v9, v5  }
0x1cf: {  	[tilespmem:s28+$0x10] =	vst v11  }
0x1d0: {  	v61 =	vld [tilespmem:s0+$0x20];
	[tilespmem:s28+$0xFFFFFFD0] =	vst v5  }
0x1d1: {  	v5 =	vld [tilespmem:s0+$0xFFFFFFE0];
	_ =	sdelay $0x3  }
0x1d2: {  	v8 =	vmul.bf16 v61, v8  }
0x1d3: {  	v4 =	vmul.bf16 v5, v4  }
0x1d4: {  	v62 =	vld [tilespmem:s28+$0x30];
	[tilespmem:s28+$0x20] =	vst v8  }
0x1d5: {  	v63 =	vld [tilespmem:s0+$0x30];
	[tilespmem:s28+$0xFFFFFFE0] =	vst v4  }
0x1d6: {  	v4 =	vld [tilespmem:s0+$0xFFFFFFF0];
	_ =	sdelay $0x2  }
0x1d7: {  	v3 =	vmul.bf16 v7, v3  }
0x1d8: {  	[tilespmem:s21+$0x30] =	vst v10;
	v5 =	vmul.bf16 v63, v62  }
0x1d9: {  	[tilespmem:s21+$0xFFFFFFF0] =	vst v3;
	v3 =	vmul.bf16 v4, v6  }
0x1da: {  	[tilespmem:s28+$0x30] =	vst v5  }
0x1db: {  	[tilespmem:s28+$0xFFFFFFF0] =	vst v3  }
0x1dc: {  	_ =	swait.ge [sflag:s20], $0x50  }
0x1dd: {  	s4 =	simm.s32 $0x161A0;
	s2 =	simm.s32 $0x18AE0;
	[sflag:s20] =	ssyncset.done $0x0  }
0x1de: {  	s14 =	sadd.s32 $0x1, s14;
	s11 =	rddreg [dreg:$0x17];
	[sflag:s20] =	ssyncadd.s32 $0xFFFFFFB0  }
0x1df: {  	[spmem:s5] =	stream.indirect.scatter.add.bf16 [tilespmem:s2], [sflag:$0xF], $0x40, s4, s16, $0xb8;
	[tilespmem:$0x1DFE0] =	vst v63  }
0x1e0: {  	p2 =	sne.s32 s14, $0x29;
	s0 =	sadd.s32 s19, s11  }
0x1e1: {  	[spmem:s10] =	stream.indirect.scatter.add.f32 [tilespmem:s13], [sflag:$0x12], $0x10, s4, s16, $0xb8;
	[tilespmem:$0x1DFE0] =	vst v63  }
.Ltmp5:
0x1e2: {  	s0 =	sshrl.u32 s0, $0x3;
	(pc) =	sbr.rel @p2 .LBB2_6-.Ltmp5, $4  }
0x1e3: {  	s21 =	simm.s32 $0x16060;
	s19 =	rddreg [dreg:$0x1];
	s3 =	sadd.s32 s8, s0  }
0x1e4: {  	[tilespmem:s21], [sflag:$0x2] =	stream.linear.gather [hbm4b:s3+s6], $0x50, $0x38;
	[tilespmem:$0x1DFE0] =	vst v63  }
0x1e5: {  	s28 =	simm.s32 $0x16240;
	s2 =	simm.s32 $0x161A0;
	s0 =	sadd.s32 s19, s0  }
0x1e6: {  	[tilespmem:s28], [sflag:$0x2] =	stream.linear.gather [hbm4b:s0+s6], $0x50, $0x38;
	[tilespmem:$0x1DFE0] =	vst v63  }
0x1e7: {  	s0 =	simm.s32 $0xE  }
0x1e8: {  	_ =	swait.ge [sflag:s0], $0x1400  }
0x1e9: {  	[sflag:s0] =	ssyncset.done $0x0  }
0x1ea: {  	s3 =	simm.s32 $0x11;
	[sflag:s0] =	ssyncadd.s32 $0xFFFFEC00  }
0x1eb: {  	_ =	swait.ge [sflag:s3], $0x500  }
0x1ec: {  	s4 =	sld [smem:$0x7FD]  }
0x1ed: {  	[sflag:s3] =	ssyncset.done $0x0  }
0x1ee: {  	[sflag:s3] =	ssyncadd.s32 $0xFFFFFB00  }
0x1ef: {  	[tilespmem:s22], [sflag:$0x5] =	stream.linear.gather [hbm4b:s4+s6], $0x50, $0x38;
	[tilespmem:$0x1DFE0] =	vst v63  }
0x1f0: {  	_ =	swait.ge [sflag:s26], $0x50  }
0x1f1: {  	[sflag:s26] =	ssyncset.done $0x0  }
0x1f2: {  	[sflag:s26] =	ssyncadd.s32 $0xFFFFFFB0  }
0x1f3: {  	_ =	swait.ge [sflag:s26], $0x50  }
0x1f4: {  	[sflag:s26] =	ssyncset.done $0x0  }
0x1f5: {  	[sflag:s26] =	ssyncadd.s32 $0xFFFFFFB0  }
0x1f6: {  	s11 =	simm.s32 $0x176E0;
	s3 =	rddreg [dreg:$0x4]  }
0x1f7: {  	[tilespmem:s11], [sflag:$0x8] =	stream.indirect.gather [spmem:s3], $0x40, s21, s16, $0xb8;
	[tilespmem:$0x1DFE0] =	vst v63  }
0x1f8: {  	s19 =	simm.s32 $0x1B2E0;
	s14 =	rddreg [dreg:$0x3]  }
0x1f9: {  	[tilespmem:s19], [sflag:$0xB] =	stream.indirect.gather [spmem:s14], $0x40, s28, s16, $0xb8;
	[tilespmem:$0x1DFE0] =	vst v63  }
0x1fa: {  	_ =	swait.ge [sflag:s30], $0x1400  }
0x1fb: {  	[sflag:s30] =	ssyncset.done $0x0  }
0x1fc: {  	[sflag:s30] =	ssyncadd.s32 $0xFFFFEC00  }
0x1fd: {  	_ =	swait.ge [sflag:s31], $0x1400  }
0x1fe: {  	[sflag:s31] =	ssyncset.done $0x0  }
0x1ff: {  	s14 =	simm.s32 $0x16320;
	[sflag:s31] =	ssyncadd.s32 $0xFFFFEC00  }
0x200: {  	s4 =	simm.s32 $0x19F20;
	v3 =	vld [tilespmem:s14+$0x0]  }
0x201: {  	v4 =	vld [tilespmem:s4+$0x0];
	_ =	sdelay $0x1  }
0x202: {  	v5 =	vld [tilespmem:s4+$0xFFFFFFC0]  }
0x203: {  	v6 =	vld [tilespmem:s14+$0xFFFFFFC0];
	_ =	sdelay $0x1  }
0x204: {  	v3 =	vmul.bf16 v4, v3;
	_ =	sdelay $0x1  }
0x205: {  	[tilespmem:s14+$0x0] =	vst v3;
	v3 =	vld [tilespmem:s14+$0x10]  }
0x206: {  	v4 =	vmul.bf16 v5, v6;
	v5 =	vld [tilespmem:s4+$0x10]  }
0x207: {  	v7 =	vld [tilespmem:s14+$0xFFFFFFE0]  }
0x208: {  	v8 =	vld [tilespmem:s14+$0x20]  }
0x209: {  	v6 =	vld [tilespmem:s14+$0xFFFFFFD0];
	[tilespmem:s14+$0xFFFFFFC0] =	vst v4  }
0x20a: {  	s19 =	simm.s32 $0x163A0;
	v4 =	vld [tilespmem:s4+$0xFFFFFFD0]  }
0x20b: {  	s11 =	simm.s32 $0x19FA0;
	v9 =	vld [tilespmem:s19+$0x0];
	v3 =	vmul.bf16 v5, v3  }
0x20c: {  	v10 =	vld [tilespmem:s11+$0x0]  }
0x20d: {  	v12 =	vld [tilespmem:s11+$0xFFFFFFC0];
	[tilespmem:s14+$0x10] =	vst v3  }
0x20e: {  	v11 =	vld [tilespmem:s4+$0x20]  }
0x20f: {  	v4 =	vmul.bf16 v4, v6;
	v6 =	vld [tilespmem:s19+$0xFFFFFFC0]  }
0x210: {  	v5 =	vld [tilespmem:s19+$0xFFFFFFD0]  }
0x211: {  	v3 =	vld [tilespmem:s14+$0xFFFFFFF0];
	[tilespmem:s14+$0xFFFFFFD0] =	vst v4;
	v4 =	vmul.bf16 v10, v9  }
0x212: {  	v9 =	vld [tilespmem:s4+$0xFFFFFFE0]  }
0x213: {  	v10 =	vld [tilespmem:s14+$0x30];
	[tilespmem:s19+$0x0] =	vst v4;
	v8 =	vmul.bf16 v11, v8  }
0x214: {  	v63 =	vld [tilespmem:s11+$0x10]  }
0x215: {  	v4 =	vmul.bf16 v12, v6;
	v11 =	vld [tilespmem:s19+$0x10];
	[tilespmem:s14+$0x20] =	vst v8  }
0x216: {  	v13 =	vld [tilespmem:s4+$0x30]  }
0x217: {  	v6 =	vld [tilespmem:s19+$0xFFFFFFF0];
	[tilespmem:s19+$0xFFFFFFC0] =	vst v4;
	v7 =	vmul.bf16 v9, v7  }
0x218: {  	v9 =	vld [tilespmem:s11+$0xFFFFFFD0]  }
0x219: {  	v4 =	vld [tilespmem:s19+$0xFFFFFFE0];
	[tilespmem:s14+$0xFFFFFFE0] =	vst v7  }
0x21a: {  	v7 =	vld [tilespmem:s4+$0xFFFFFFF0];
	v11 =	vmul.bf16 v63, v11  }
0x21b: {  	s0 =	simm.s32 $0x19FA0;
	s3 =	simm.s32 $0x2;
	v8 =	vld [tilespmem:s19+$0x20];
	s4 =	simm.s32 $0x16420;
	v10 =	vmul.bf16 v13, v10  }
.LBB2_14:
0x21c: {  	v12 =	vld [tilespmem:s4+$0x0];
	[tilespmem:s19+$0x10] =	vst v11;
	s11 =	sadd.s32 $0x80, s11  }
0x21d: {  	v11 =	vld [tilespmem:s11+$0x0];
	v5 =	vmul.bf16 v9, v5;
	[tilespmem:s14+$0x30] =	vst v10  }
0x21e: {  	s3 =	sadd.s32 $0x2, s3;
	v9 =	vld [tilespmem:s0+$0x20]  }
0x21f: {  	p2 =	slt.u32 s3, $0x4E;
	v10 =	vld [tilespmem:s11+$0xFFFFFFC0];
	[tilespmem:s19+$0xFFFFFFD0] =	vst v5;
	v7 =	vmul.bf16 v7, v3;
	v3 =	vmov v6  }
0x220: {  	v6 =	vld [tilespmem:s4+$0xFFFFFFC0]  }
0x221: {  	v5 =	vld [tilespmem:s4+$0xFFFFFFD0];
	[tilespmem:s14+$0xFFFFFFF0] =	vst v7;
	s14 =	smov.u32 s19;
	s19 =	smov.u32 s4  }
0x222: {  	v7 =	vmul.bf16 v11, v12;
	v11 =	vld [tilespmem:s0+$0xFFFFFFE0]  }
0x223: {  	v8 =	vmul.bf16 v9, v8;
	v12 =	vld [tilespmem:s14+$0x30]  }
0x224: {  	[tilespmem:s4+$0x0] =	vst v7;
	v7 =	vld [tilespmem:s4+$0x10]  }
0x225: {  	v6 =	vmul.bf16 v10, v6;
	v10 =	vld [tilespmem:s11+$0x10];
	[tilespmem:s14+$0x20] =	vst v8  }
0x226: {  	v13 =	vld [tilespmem:s0+$0x30]  }
.Ltmp6:
0x227: {  	[tilespmem:s4+$0xFFFFFFC0] =	vst v6;
	v8 =	vmul.bf16 v11, v4;
	v4 =	vld [tilespmem:s4+$0xFFFFFFE0];
	(pc) =	sbr.rel @p2 .LBB2_14-.Ltmp6, $4  }
0x228: {  	v9 =	vld [tilespmem:s11+$0xFFFFFFD0]  }
0x229: {  	v6 =	vld [tilespmem:s4+$0xFFFFFFF0];
	[tilespmem:s14+$0xFFFFFFE0] =	vst v8  }
0x22a: {  	v11 =	vmul.bf16 v10, v7;
	v7 =	vld [tilespmem:s0+$0xFFFFFFF0];
	s0 =	smov.u32 s11  }
0x22b: {  	s4 =	sadd.s32 $0x80, s4;
	v8 =	vld [tilespmem:s19+$0x20];
	v10 =	vmul.bf16 v13, v12  }
0x22c: {  	_ = 	snop  }
0x22d: {  	v5 =	vmul.bf16 v9, v5  }
0x22e: {  	[tilespmem:s19+$0x10] =	vst v11  }
0x22f: {  	v9 =	vld [tilespmem:s0+$0x20];
	[tilespmem:s19+$0xFFFFFFD0] =	vst v5  }
0x230: {  	v5 =	vld [tilespmem:s0+$0xFFFFFFE0];
	_ =	sdelay $0x3  }
0x231: {  	v8 =	vmul.bf16 v9, v8  }
0x232: {  	v4 =	vmul.bf16 v5, v4  }
0x233: {  	v9 =	vld [tilespmem:s19+$0x30];
	[tilespmem:s19+$0x20] =	vst v8  }
0x234: {  	v5 =	vld [tilespmem:s0+$0x30];
	[tilespmem:s19+$0xFFFFFFE0] =	vst v4  }
0x235: {  	v4 =	vld [tilespmem:s0+$0xFFFFFFF0];
	_ =	sdelay $0x2  }
0x236: {  	v3 =	vmul.bf16 v7, v3  }
0x237: {  	[tilespmem:s14+$0x30] =	vst v10;
	v5 =	vmul.bf16 v5, v9  }
0x238: {  	[tilespmem:s14+$0xFFFFFFF0] =	vst v3;
	v3 =	vmul.bf16 v4, v6  }
0x239: {  	[tilespmem:s19+$0x30] =	vst v5  }
0x23a: {  	s11 =	simm.s32 $0x4;
	[tilespmem:s19+$0xFFFFFFF0] =	vst v3  }
0x23b: {  	_ =	swait.ge [sflag:s11], $0x50  }
0x23c: {  	[sflag:s11] =	ssyncset.done $0x0  }
0x23d: {  	s14 =	simm.s32 $0x162E0;
	[sflag:s11] =	ssyncadd.s32 $0xFFFFFFB0  }
0x23e: {  	[spmem:s5] =	stream.indirect.scatter.add.bf16 [tilespmem:s14], [sflag:$0xD], $0x40, s15, s16, $0xb8;
	[tilespmem:$0x1DFE0] =	vst v63  }
0x23f: {  	s19 =	simm.s32 $0xF  }
0x240: {  	[spmem:s10] =	stream.indirect.scatter.add.f32 [tilespmem:s13], [sflag:$0x10], $0x10, s15, s16, $0xb8;
	[tilespmem:$0x1DFE0] =	vst v63  }
0x241: {  	_ =	swait.ge [sflag:s19], $0x1400  }
0x242: {  	[sflag:s19] =	ssyncset.done $0x0  }
0x243: {  	s3 =	simm.s32 $0x12;
	[sflag:s19] =	ssyncadd.s32 $0xFFFFEC00  }
0x244: {  	_ =	swait.ge [sflag:s3], $0x500  }
0x245: {  	[sflag:s3] =	ssyncset.done $0x0  }
0x246: {  	[sflag:s3] =	ssyncadd.s32 $0xFFFFFB00  }
0x247: {  	_ =	swait.ge [sflag:s12], $0x1400  }
0x248: {  	[sflag:s12] =	ssyncset.done $0x0  }
0x249: {  	[sflag:s12] =	ssyncadd.s32 $0xFFFFEC00  }
0x24a: {  	_ =	swait.ge [sflag:s17], $0x1400  }
0x24b: {  	[sflag:s17] =	ssyncset.done $0x0  }
0x24c: {  	s14 =	simm.s32 $0x17720;
	[sflag:s17] =	ssyncadd.s32 $0xFFFFEC00  }
0x24d: {  	s4 =	simm.s32 $0x1B320;
	v3 =	vld [tilespmem:s14+$0x0]  }
0x24e: {  	v4 =	vld [tilespmem:s4+$0x0];
	_ =	sdelay $0x1  }
0x24f: {  	v5 =	vld [tilespmem:s4+$0xFFFFFFC0]  }
0x250: {  	v6 =	vld [tilespmem:s14+$0xFFFFFFC0];
	_ =	sdelay $0x1  }
0x251: {  	v3 =	vmul.bf16 v4, v3;
	_ =	sdelay $0x1  }
0x252: {  	[tilespmem:s14+$0x0] =	vst v3;
	v3 =	vld [tilespmem:s14+$0x10]  }
0x253: {  	v4 =	vmul.bf16 v5, v6;
	v5 =	vld [tilespmem:s4+$0x10]  }
0x254: {  	v7 =	vld [tilespmem:s14+$0xFFFFFFE0]  }
0x255: {  	v8 =	vld [tilespmem:s14+$0x20]  }
0x256: {  	v6 =	vld [tilespmem:s14+$0xFFFFFFD0];
	[tilespmem:s14+$0xFFFFFFC0] =	vst v4  }
0x257: {  	s19 =	simm.s32 $0x177A0;
	v4 =	vld [tilespmem:s4+$0xFFFFFFD0]  }
0x258: {  	s11 =	simm.s32 $0x1B3A0;
	v9 =	vld [tilespmem:s19+$0x0];
	v3 =	vmul.bf16 v5, v3  }
0x259: {  	v10 =	vld [tilespmem:s11+$0x0]  }
0x25a: {  	v12 =	vld [tilespmem:s11+$0xFFFFFFC0];
	[tilespmem:s14+$0x10] =	vst v3  }
0x25b: {  	v11 =	vld [tilespmem:s4+$0x20]  }
0x25c: {  	v4 =	vmul.bf16 v4, v6;
	v6 =	vld [tilespmem:s19+$0xFFFFFFC0]  }
0x25d: {  	v5 =	vld [tilespmem:s19+$0xFFFFFFD0]  }
0x25e: {  	v3 =	vld [tilespmem:s14+$0xFFFFFFF0];
	[tilespmem:s14+$0xFFFFFFD0] =	vst v4;
	v4 =	vmul.bf16 v10, v9  }
0x25f: {  	v9 =	vld [tilespmem:s4+$0xFFFFFFE0]  }
0x260: {  	v10 =	vld [tilespmem:s14+$0x30];
	[tilespmem:s19+$0x0] =	vst v4;
	v8 =	vmul.bf16 v11, v8  }
0x261: {  	v63 =	vld [tilespmem:s11+$0x10]  }
0x262: {  	v4 =	vmul.bf16 v12, v6;
	v11 =	vld [tilespmem:s19+$0x10];
	[tilespmem:s14+$0x20] =	vst v8  }
0x263: {  	v13 =	vld [tilespmem:s4+$0x30]  }
0x264: {  	v6 =	vld [tilespmem:s19+$0xFFFFFFF0];
	[tilespmem:s19+$0xFFFFFFC0] =	vst v4;
	v7 =	vmul.bf16 v9, v7  }
0x265: {  	v9 =	vld [tilespmem:s11+$0xFFFFFFD0]  }
0x266: {  	v4 =	vld [tilespmem:s19+$0xFFFFFFE0];
	[tilespmem:s14+$0xFFFFFFE0] =	vst v7  }
0x267: {  	v7 =	vld [tilespmem:s4+$0xFFFFFFF0];
	v11 =	vmul.bf16 v63, v11  }
0x268: {  	s0 =	simm.s32 $0x1B3A0;
	s3 =	simm.s32 $0x2;
	v8 =	vld [tilespmem:s19+$0x20];
	s4 =	simm.s32 $0x17820;
	v10 =	vmul.bf16 v13, v10  }
.LBB2_16:
0x269: {  	v12 =	vld [tilespmem:s4+$0x0];
	[tilespmem:s19+$0x10] =	vst v11;
	s11 =	sadd.s32 $0x80, s11  }
0x26a: {  	v11 =	vld [tilespmem:s11+$0x0];
	v5 =	vmul.bf16 v9, v5;
	[tilespmem:s14+$0x30] =	vst v10  }
0x26b: {  	s3 =	sadd.s32 $0x2, s3;
	v9 =	vld [tilespmem:s0+$0x20]  }
0x26c: {  	p2 =	slt.u32 s3, $0x4E;
	v10 =	vld [tilespmem:s11+$0xFFFFFFC0];
	[tilespmem:s19+$0xFFFFFFD0] =	vst v5;
	v7 =	vmul.bf16 v7, v3;
	v3 =	vmov v6  }
0x26d: {  	v6 =	vld [tilespmem:s4+$0xFFFFFFC0]  }
0x26e: {  	v5 =	vld [tilespmem:s4+$0xFFFFFFD0];
	[tilespmem:s14+$0xFFFFFFF0] =	vst v7;
	s14 =	smov.u32 s19;
	s19 =	smov.u32 s4  }
0x26f: {  	v7 =	vmul.bf16 v11, v12;
	v11 =	vld [tilespmem:s0+$0xFFFFFFE0]  }
0x270: {  	v8 =	vmul.bf16 v9, v8;
	v12 =	vld [tilespmem:s14+$0x30]  }
0x271: {  	[tilespmem:s4+$0x0] =	vst v7;
	v7 =	vld [tilespmem:s4+$0x10]  }
0x272: {  	v6 =	vmul.bf16 v10, v6;
	v10 =	vld [tilespmem:s11+$0x10];
	[tilespmem:s14+$0x20] =	vst v8  }
0x273: {  	v13 =	vld [tilespmem:s0+$0x30]  }
.Ltmp7:
0x274: {  	[tilespmem:s4+$0xFFFFFFC0] =	vst v6;
	v8 =	vmul.bf16 v11, v4;
	v4 =	vld [tilespmem:s4+$0xFFFFFFE0];
	(pc) =	sbr.rel @p2 .LBB2_16-.Ltmp7, $4  }
0x275: {  	v9 =	vld [tilespmem:s11+$0xFFFFFFD0]  }
0x276: {  	v6 =	vld [tilespmem:s4+$0xFFFFFFF0];
	[tilespmem:s14+$0xFFFFFFE0] =	vst v8  }
0x277: {  	v11 =	vmul.bf16 v10, v7;
	v7 =	vld [tilespmem:s0+$0xFFFFFFF0];
	s0 =	smov.u32 s11  }
0x278: {  	s4 =	sadd.s32 $0x80, s4;
	v8 =	vld [tilespmem:s19+$0x20];
	v10 =	vmul.bf16 v13, v12  }
0x279: {  	_ = 	snop  }
0x27a: {  	v5 =	vmul.bf16 v9, v5  }
0x27b: {  	[tilespmem:s19+$0x10] =	vst v11  }
0x27c: {  	v61 =	vld [tilespmem:s0+$0x20];
	[tilespmem:s19+$0xFFFFFFD0] =	vst v5  }
0x27d: {  	v5 =	vld [tilespmem:s0+$0xFFFFFFE0];
	_ =	sdelay $0x3  }
0x27e: {  	v8 =	vmul.bf16 v61, v8  }
0x27f: {  	v4 =	vmul.bf16 v5, v4  }
0x280: {  	v62 =	vld [tilespmem:s19+$0x30];
	[tilespmem:s19+$0x20] =	vst v8  }
0x281: {  	v63 =	vld [tilespmem:s0+$0x30];
	[tilespmem:s19+$0xFFFFFFE0] =	vst v4  }
0x282: {  	v4 =	vld [tilespmem:s0+$0xFFFFFFF0];
	_ =	sdelay $0x2  }
0x283: {  	v3 =	vmul.bf16 v7, v3  }
0x284: {  	[tilespmem:s14+$0x30] =	vst v10;
	v5 =	vmul.bf16 v63, v62  }
0x285: {  	[tilespmem:s14+$0xFFFFFFF0] =	vst v3;
	v3 =	vmul.bf16 v4, v6  }
0x286: {  	[tilespmem:s19+$0x30] =	vst v5  }
0x287: {  	[tilespmem:s19+$0xFFFFFFF0] =	vst v3  }
0x288: {  	_ =	swait.ge [sflag:s23], $0x50  }
0x289: {  	[sflag:s23] =	ssyncset.done $0x0  }
0x28a: {  	s3 =	simm.s32 $0x176E0;
	[sflag:s23] =	ssyncadd.s32 $0xFFFFFFB0  }
0x28b: {  	[spmem:s5] =	stream.indirect.scatter.add.bf16 [tilespmem:s3], [sflag:$0xE], $0x40, s22, s16, $0xb8;
	[tilespmem:$0x1DFE0] =	vst v63  }
0x28c: {  	_ = 	snop  }
0x28d: {  	[spmem:s10] =	stream.indirect.scatter.add.f32 [tilespmem:s13], [sflag:$0x11], $0x10, s22, s16, $0xb8;
	[tilespmem:$0x1DFE0] =	vst v63  }
0x28e: {  	_ =	swait.ge [sflag:s24], $0x1400  }
0x28f: {  	[sflag:s24] =	ssyncset.done $0x0  }
0x290: {  	[sflag:s24] =	ssyncadd.s32 $0xFFFFEC00  }
0x291: {  	_ =	swait.ge [sflag:s25], $0x500  }
0x292: {  	[sflag:s25] =	ssyncset.done $0x0  }
0x293: {  	s4 =	simm.s32 $0xE;
	[sflag:s25] =	ssyncadd.s32 $0xFFFFFB00  }
0x294: {  	_ =	swait.ge [sflag:s4], $0x1400  }
0x295: {  	[sflag:s4] =	ssyncset.done $0x0  }
0x296: {  	s11 =	simm.s32 $0x11;
	[sflag:s4] =	ssyncadd.s32 $0xFFFFEC00  }
0x297: {  	_ =	swait.ge [sflag:s11], $0x500  }
0x298: {  	[sflag:s11] =	ssyncset.done $0x0  }
0x299: {  	[sflag:s11] =	ssyncadd.s32 $0xFFFFFB00  }
0x29a: {  	[bflag:$0x0] =	sbarrier.arrive $0xFFFF  }
0x29b: {  	s4 =	sld [smem:$0x7F7];
	_ =	sdelay $0x1  }
0x29c: {  	s0 =	simm.s32 @p1 $0x1FD3;
	s3 =	rddreg [dreg:$0x18]  }
0x29d: {  	[hbm:s3], [sflag:s0] =	dma.local @p1 [spmem:s4], $0x1400  }
0x29e: {  	s3 =	simm.s32 @p1 $0x13  }
0x29f: {  	_ =	swait.ge @p1 [sflag:s3], $0x1400  }
0x2a0: {  	s11 =	sld [smem:$0x7F8]  }
0x2a1: {  	[sflag:s3] =	ssyncset.done @p1 $0x0  }
0x2a2: {  	s4 =	rddreg [dreg:$0x19];
	[sflag:s3] =	ssyncadd.s32 @p1 $0xFFFFEC00  }
0x2a3: {  	[hbm:s4], [sflag:s0] =	dma.local @p1 [spmem:s11], $0x500  }
0x2a4: {  	_ =	swait.ge @p1 [sflag:s3], $0x500  }
0x2a5: {  	[sflag:s3] =	ssyncset.done @p1 $0x0;
	s11 =	sld [smem:$0x7EA]  }
0x2a6: {  	[sflag:s3] =	ssyncadd.s32 @p1 $0xFFFFFB00;
	s3 =	sld [smem:$0x7F9];
	_ =	sdelay $0x1  }
0x2a7: {  	s0 =	rddreg [dreg:$0xd]  }
0x2a8: {  	[hbm:s0], [sflag:s11] =	dma.local @!p1 [spmem:s3], $0x1380  }
0x2a9: {  	s0 =	simm.s32 @!p1 $0x13  }
0x2aa: {  	_ =	swait.ge @!p1 [sflag:s0], $0x1380  }
0x2ab: {  	s4 =	sld [smem:$0x7FA]  }
0x2ac: {  	[sflag:s0] =	ssyncset.done @!p1 $0x0  }
0x2ad: {  	s3 =	rddreg [dreg:$0xe];
	[sflag:s0] =	ssyncadd.s32 @!p1 $0xFFFFEC80  }
0x2ae: {  	[hbm:s3], [sflag:s11] =	dma.local @!p1 [spmem:s4], $0x4E0  }
0x2af: {  	_ =	swait.ge @!p1 [sflag:s0], $0x4E0  }
0x2b0: {  	s14 =	sld [smem:$0x7EB];
	_ =	sdelay $0x2  }
0x2b1: {  	s19 =	rddreg [dreg:$0x1a];
	s4 =	sadd.s32 $0x1, s14  }
0x2b2: {  	p2 =	sne.s32 s4, s19  }
.Ltmp8:
0x2b3: {  	_ = 	snop;
	(pc) =	sbr.rel @p2 .LBB2_1-.Ltmp8, $3  }
0x2b4: {  	_ =	sdelay $0x1  }
0x2b5: {  	[sflag:s0] =	ssyncset.done @!p1 $0x0  }
0x2b6: {  	[sflag:s0] =	ssyncadd.s32 @!p1 $0xFFFFFB20;
	s19 =	simm.s32 $0x13  }
0x2b7: {  	_ =	sfence.sel $0x180000  }
0x2b8: {  	[bflag:$0x0] =	sbarrier.arrive $0xFFFF  }
0x2b9: {  	_ =	strace $0x90000047  }
0x2ba: {  	[bflag:$0x2] =	sbarrier.arrive $0xFFFF  }
0x2bb: {  	s0 =	rddreg [dreg:$0x7]  }
0x2bc: {  	s0 =	sadd.s32 @!p0 $0x100000, s0  }
0x2bd: {  	[sflag:s0] =	ssyncadd.tile.s32 @!p0 $0x1;
	_ =	shalt  }
.Lfunc_end2:
_tile_overlayer_lowered:
.L_overlay_start_2:
0x2be: {  	(tag) =	ssettag $0x2  }
0x2bf: {  	s0 =	rddreg [dreg:$0x0];
	s2 =	stileid.u32  }
0x2c0: {  	s1 =	rddreg [dreg:$0x1];
	p0 =	sne.s32 s2, $0x0  }
0x2c1: {  	s3 =	rddreg [dreg:$0x2];
	[bflag:$0x3] =	sbarrier.arrive $0xFFFF;
	s2 =	simm.s32 @!p0 $0x1C13  }
0x2c2: {  	[timem:s3], [sflag:s2] =	dma.local @!p0 [hbm:s0], s1  }
0x2c3: {  	s0 =	simm.s32 @!p0 $0x13  }
0x2c4: {  	_ =	swait.ge @!p0 [sflag:s0], s1  }
0x2c5: {  	s1 =	ssub.s32 @!p0 $0x0, s1;
	[sflag:s0] =	ssyncset.done @!p0 $0x0  }
0x2c6: {  	[sflag:s0] =	ssyncadd.s32 @!p0 s1  }
0x2c7: {  	[bflag:$0x3] =	sbarrier.arrive $0xFFFF  }
0x2c8: {  	_ =	shalt  }

</sc_bundles>
